<compile_context>
chip_gen: v7x
topology: tpu7x:2x2x1
jax: 0.10.2.dev20260603
libtpu: 0.0.44.dev20260713+nightly
codegen_flags: <defaults>
</compile_context>

<pallas_src>
import jax
import jax.numpy as jnp
from jax import lax
from jax.experimental import pallas as pl
from jax.experimental.pallas import tpu as pltpu
from jax.experimental.pallas import tpu_sc as plsc

DIM = 64
SCALE = 8.0

NC = 2
NS = 16
NW = NC * NS
SEQ = 200
BATCH = 4096
NEMB = 1_000_000
NTI = 800
TPW = NTI // NW
TSUB = 2
NSTEP = TPW * (8 // TSUB)

NFULL = NEMB // 128
ABASE = NFULL // NW
AREM = NFULL - ABASE * NW
TAIL0 = NFULL * 128


def _tbody(tabT_hbm, tail_hbm, scr_hbm, in_v, out_v, gsem, ssem):
  cid = lax.axis_index("c")
  sid = lax.axis_index("s")
  wid = sid * NC + cid
  nblk = ABASE + jnp.where(wid < AREM, 1, 0)
  start = wid * ABASE + jnp.minimum(wid, AREM)

  iota16 = lax.iota(jnp.int32, 16)

  def fire_in(j, b):
    cg = start + j
    pltpu.async_copy(
        tabT_hbm.at[pl.ds(0, DIM), pl.ds(cg * 128, 128)],
        in_v.at[b], gsem.at[b])

  def wait_in(b):
    pltpu.make_async_copy(
        tabT_hbm.at[pl.ds(0, DIM), pl.ds(0, 128)], in_v.at[b], gsem.at[b]
    ).wait()

  def fire_out(j, b):
    cg = start + j
    pltpu.async_copy(
        out_v.at[b], scr_hbm.at[pl.ds(cg * 64, 64), pl.ds(0, 128)],
        ssem.at[b])

  def wait_out(b):
    pltpu.make_async_copy(
        out_v.at[b], scr_hbm.at[pl.ds(0, 64), pl.ds(0, 128)], ssem.at[b]
    ).wait()

  def xpose_a(b, nid0bits):
    bvec = jnp.full((16,), b, jnp.int32)
    nid0 = 1 << nid0bits

    @plsc.parallel_loop(0, 16 * 4 * nid0, unroll=16)
    def _(i):
      d = i >> (2 + nid0bits)
      f0 = ((i >> nid0bits) & 3) * 16
      id0 = (i & (nid0 - 1)) * 16
      dmask = (iota16 + d) & 15
      fvec = f0 + iota16
      pairvec = (id0 >> 1) + (dmask >> 1)
      colvec = (dmask & 1) * DIM + fvec
      v = plsc.load_gather(in_v, [bvec, fvec, id0 + dmask])
      plsc.store_scatter(out_v, [bvec, pairvec, colvec], v * SCALE)

  @pl.when(wid == NW - 1)
  def _():
    pltpu.sync_copy(tail_hbm.at[pl.ds(0, DIM), pl.ds(0, 128)], in_v.at[0])
    xpose_a(0, 2)
    pltpu.sync_copy(out_v.at[0, pl.ds(0, 32)],
                    scr_hbm.at[pl.ds(TAIL0 // 2, 32), pl.ds(0, 128)])

  fire_in(0, 0)

  @pl.loop(0, ABASE + 1, step=2)
  def _(j):
    for b in range(2):
      jj = j + b

      @pl.when(jj < nblk)
      def _():
        @pl.when(jj + 1 < nblk)
        def _():
          @pl.when(jj >= 1)
          def _():
            wait_out(1 - b)
          fire_in(jj + 1, 1 - b)

        wait_in(b)
        xpose_a(b, 3)
        fire_out(jj, b)

  wait_out(0)
  wait_out(1)


def _body(ids_hbm, tab_hbm, out_hbm, idx_v, rows_v, tile_v, gsem, ssem):
  cid = lax.axis_index("c")
  sid = lax.axis_index("s")
  wid = sid * NC + cid

  pltpu.sync_copy(ids_hbm.at[pl.ds(wid * TPW, TPW)], idx_v)

  iota16 = lax.iota(jnp.int32, 16)
  zeros16 = jnp.zeros((16,), jnp.int32)

  def fire_gather(step, b):
    k = step // 4
    q = lax.rem(step, 4)
    for j in range(TSUB):
      pltpu.async_copy(
          tab_hbm.at[idx_v.at[k, q * TSUB + j]],
          rows_v.at[b, j],
          gsem.at[b],
      )

  def wait_gather(b):
    for j in range(TSUB):
      pltpu.make_async_copy(
          tab_hbm.at[idx_v.at[0, 0]], rows_v.at[b, j], gsem.at[b]
      ).wait()

  def fire_store(step, b):
    k = step // 4
    q = lax.rem(step, 4)
    ft = wid * TPW + k
    tr = ft // 32
    tc = lax.rem(ft, 32)
    pltpu.async_copy(
        tile_v.at[b],
        out_hbm.at[pl.ds(8 * tr + TSUB * q, TSUB), pl.ds(0, 8),
                   pl.ds(tc, 1), pl.ds(0, 8), pl.ds(0, 128)],
        ssem.at[b],
    )

  def wait_store(b):
    pltpu.make_async_copy(
        tile_v.at[b],
        out_hbm.at[pl.ds(0, TSUB), pl.ds(0, 8), pl.ds(0, 1),
                   pl.ds(0, 8), pl.ds(0, 128)],
        ssem.at[b],
    ).wait()

  def xpose(b):
    bvec = jnp.full((16,), b, jnp.int32)

    @plsc.parallel_loop(0, TSUB * 512, unroll=16)
    def _(i):
      ti = i >> 9
      d = (i >> 5) & 15
      f0 = ((i >> 3) & 3) * 16
      row0 = (i & 7) * 16
      dmask = (iota16 + d) & 15
      fvec = f0 + iota16
      rowvec = row0 + dmask
      tivec = zeros16 + ti
      v = plsc.load_gather(rows_v, [bvec, tivec, rowvec, fvec])
      plsc.store_scatter(
          tile_v,
          [bvec, tivec, fvec >> 3, zeros16, fvec & 7, rowvec],
          v)

  fire_gather(0, 0)

  @pl.loop(0, NSTEP, step=2)
  def _(s):
    for b in range(2):
      ss = s + b

      @pl.when(ss + 1 < NSTEP)
      def _():
        @pl.when(ss >= 1)
        def _():
          wait_store(1 - b)
        fire_gather(ss + 1, 1 - b)

      wait_gather(b)
      xpose(b)
      fire_store(ss, b)

  wait_store(0)
  wait_store(1)


@jax.jit
def _embed(ids_in, tabT, tail):
  mesh = plsc.VectorSubcoreMesh(core_axis_name="c", subcore_axis_name="s")
  fmt = pl.kernel(
      _tbody,
      out_type=jax.ShapeDtypeStruct((NEMB // 2, 128), jnp.float32),
      mesh=mesh,
      scratch_types=[
          pltpu.VMEM((2, DIM, 128), jnp.float32),
          pltpu.VMEM((2, DIM, 128), jnp.float32),
          pltpu.SemaphoreType.DMA((2,)),
          pltpu.SemaphoreType.DMA((2,)),
      ],
      compiler_params=pltpu.CompilerParams(
          use_tc_tiling_on_sc=True, needs_layout_passes=False),
  )
  tab2 = fmt(tabT, tail).reshape(NEMB, DIM)
  run = pl.kernel(
      _body,
      out_type=jax.ShapeDtypeStruct((SEQ, 8, 32, 8, 128), jnp.float32),
      mesh=mesh,
      scratch_types=[
          pltpu.VMEM((TPW, 8, 128), jnp.int32),
          pltpu.VMEM((2, TSUB, 128, DIM), jnp.float32),
          pltpu.VMEM((2, TSUB, 8, 1, 8, 128), jnp.float32),
          pltpu.SemaphoreType.DMA((2,)),
          pltpu.SemaphoreType.DMA((2,)),
      ],
      compiler_params=pltpu.CompilerParams(
          use_tc_tiling_on_sc=False, needs_layout_passes=False),
  )
  return run(ids_in, tab2)


def kernel(token_ids, tok_embedding):
  ids_in = (jnp.transpose(token_ids).reshape(25, 8, 32, 128)
            .transpose(0, 2, 1, 3).reshape(NTI, 8, 128)
            .astype(jnp.int32))
  tabT = jnp.transpose(tok_embedding)
  tail = jnp.pad(tok_embedding[TAIL0:, :].T,
                 ((0, 0), (0, 128 - (NEMB - TAIL0))))
  o = _embed(ids_in, tabT, tail)
  return o.transpose(2, 4, 0, 1, 3).reshape(BATCH, SEQ, DIM)

# --- scband reference (transcript-rebuilt; emitter-appended) ---
"""Pipeline reference for scband-gemma3-embedder-20667382628602 (READ-ONLY COPY).

The authoritative reference and input builder live on the scoring server;
editing this copy changes nothing except your own understanding.
"""

import jax, jax.numpy as jnp
import numpy as np

NUM_EMBEDDINGS = 1000000
EMBEDDING_DIM = 64
EMBEDDING_SCALE = 8.0

def setup_inputs(seed: int = 0) -> dict:
    key = jax.random.key(seed)
    k_idx, k_tab = jax.random.split(key)
    token_ids = jax.random.randint(k_idx, (4096, 200), 0, NUM_EMBEDDINGS, dtype=jnp.int64 if jax.config.jax_enable_x64 else jnp.int32)
    tok_embedding = jax.random.normal(k_tab, (NUM_EMBEDDINGS, EMBEDDING_DIM), dtype=jnp.float32) * 0.02
    return {"token_ids": token_ids, "tok_embedding": tok_embedding}

def reference(token_ids, tok_embedding):
    # Faithful translation of Gemma3Embedder.forward
    embeds = jnp.take(tok_embedding, token_ids, axis=0)
    if EMBEDDING_SCALE is not None and EMBEDDING_SCALE != 1.0:
        embeds = embeds * EMBEDDING_SCALE
    return embeds

if __name__ == "__main__":
    import jax
    _d = setup_inputs()
    print(jax.jit(kernel)(*tuple(_d.values())))

</pallas_src>

<mosaic_0001>
#map = affine_map<(d0, d1) -> (0, 0, 0)>
#map1 = affine_map<(d0, d1) -> (0, 0)>
#map2 = affine_map<(d0, d1) -> (0, 0, 0, 0, 0)>
module attributes {stable_mosaic.version = 14 : i64} {
  func.func @_body(%arg0: i32, %arg1: i32, %arg2: memref<800x8x128xi32, #tpu.memory_space<hbm>>, %arg3: memref<1000000x64xf32, #tpu.memory_space<hbm>>, %arg4: memref<200x8x32x8x128xf32, #tpu.memory_space<hbm>>, %arg5: memref<25x8x128xi32, #tpu.memory_space<vmem>>, %arg6: memref<2x2x128x64xf32, #tpu.memory_space<vmem>>, %arg7: memref<2x2x8x1x8x128xf32, #tpu.memory_space<vmem>>, %arg8: memref<2x!tpu.dma_semaphore, #tpu.memory_space<semaphore_mem>>, %arg9: memref<2x!tpu.dma_semaphore, #tpu.memory_space<semaphore_mem>>) attributes {dimension_semantics = [#tpu.dimension_semantics<core_parallel>, #tpu.dimension_semantics<subcore_parallel>], iteration_bounds = array<i64: 2, 16>, scalar_prefetch = 0 : i64, scratch_operands = 5 : i64, tpu.core_type = #tpu.core_type<sc_vector_subcore>, window_params = [{transform_indices = #map}, {transform_indices = #map1}, {transform_indices = #map2}]} {
    %mul3A = arith.constant 2 : i32
    %mul3A_0 = arith.muli %arg1, %mul3A : i32
    %add3A = arith.addi %mul3A_0, %arg0 : i32
    %mul3A_1 = arith.constant 25 : i32
    %mul3A_2 = arith.muli %add3A, %mul3A_1 : i32
    "tpu.region"() ({
      %run_scoped3A = tpu.sem_alloc : memref<!tpu.dma_semaphore, #tpu.memory_space<semaphore_mem>>
      %dma_start3A_108 = arith.constant 0 : i32
      %dma_start3A_109 = arith.constant 0 : i32
      %dma_start3A_110 = tpu.memref_slice %arg2[%mul3A_2, %dma_start3A_108, %dma_start3A_109] : memref<800x8x128xi32, #tpu.memory_space<hbm>> -> memref<25x8x128xi32, #tpu.memory_space<hbm>>
      %dma_start3A_111 = arith.constant 0 : i32
      %dma_start3A_112 = arith.constant 0 : i32
      %dma_start3A_113 = tpu.memref_slice %arg2[%mul3A_2, %dma_start3A_111, %dma_start3A_112] : memref<800x8x128xi32, #tpu.memory_space<hbm>> -> memref<25x8x128xi32, #tpu.memory_space<hbm>>
      tpu.enqueue_dma source(%dma_start3A_113 : memref<25x8x128xi32, #tpu.memory_space<hbm>>) target(%arg5 : memref<25x8x128xi32, #tpu.memory_space<vmem>>) target_semaphore(%run_scoped3A : memref<!tpu.dma_semaphore, #tpu.memory_space<semaphore_mem>>)
      %dma_wait3A_114 = arith.constant 0 : i32
      %dma_wait3A_115 = arith.constant 0 : i32
      %dma_wait3A_116 = tpu.memref_slice %arg2[%mul3A_2, %dma_wait3A_114, %dma_wait3A_115] : memref<800x8x128xi32, #tpu.memory_space<hbm>> -> memref<25x8x128xi32, #tpu.memory_space<hbm>>
      %dma_wait3A_117 = arith.constant 0 : i32
      %dma_wait3A_118 = arith.constant 0 : i32
      %dma_wait3A_119 = tpu.memref_slice %arg2[%mul3A_2, %dma_wait3A_117, %dma_wait3A_118] : memref<800x8x128xi32, #tpu.memory_space<hbm>> -> memref<25x8x128xi32, #tpu.memory_space<hbm>>
      tpu.wait_dma2 semaphore(%run_scoped3A : memref<!tpu.dma_semaphore, #tpu.memory_space<semaphore_mem>>) src(%dma_wait3A_119 : memref<25x8x128xi32, #tpu.memory_space<hbm>>) dst(%arg5 : memref<25x8x128xi32, #tpu.memory_space<vmem>>)
      tpu.yield
    }) : () -> ()
    %iota3A = tpu.iota {dimensions = array<i32: 0>} : vector<16xi32>
    %broadcast_in_dim3A = arith.constant 0 : i32
    %broadcast_in_dim3A_3 = vector.broadcast %broadcast_in_dim3A : i32 to vector<16xi32>
    %rem3A = arith.constant 0 : i32
    %rem3A_4 = arith.constant 4 : i32
    %rem3A_5 = arith.remsi %rem3A, %rem3A_4 : i32
    %mul3A_6 = arith.constant 2 : i32
    %mul3A_7 = arith.muli %rem3A_5, %mul3A_6 : i32
    %add3A_8 = arith.constant 0 : i32
    %add3A_9 = arith.addi %mul3A_7, %add3A_8 : i32
    %dma_start3A = arith.constant 0 : i32
    %dma_start3A_10 = arith.constant 0 : i32
    %dma_start3A_11 = arith.constant 0 : i32
    %dma_start3A_12 = arith.constant 0 : i32
    %dma_start3A_13 = arith.constant 0 : i32
    %dma_start3A_14 = arith.constant 0 : i32
    %dma_start3A_15 = tpu.memref_slice %arg6[%dma_start3A_10, %dma_start3A_11, %dma_start3A_13, %dma_start3A_14] : memref<2x2x128x64xf32, #tpu.memory_space<vmem>> -> memref<1x1x128x64xf32, #tpu.memory_space<vmem>>
    %dma_start3A_16 = tpu.memref_squeeze %dma_start3A_15 : memref<1x1x128x64xf32, #tpu.memory_space<vmem>> -> memref<128x64xf32, #tpu.memory_space<vmem>>
    %dma_start3A_17 = arith.constant 0 : i32
    %dma_start3A_18 = tpu.memref_slice %arg5[%dma_start3A, %add3A_9, %dma_start3A_17] : memref<25x8x128xi32, #tpu.memory_space<vmem>> -> memref<1x1x128xi32, #tpu.memory_space<vmem>>
    %dma_start3A_19 = tpu.memref_squeeze %dma_start3A_18 : memref<1x1x128xi32, #tpu.memory_space<vmem>> -> memref<128xi32, #tpu.memory_space<vmem>>
    %dma_start3A_20 = arith.constant 0 : i32
    %dma_start3A_21 = arith.constant 0 : i32
    %dma_start3A_22 = tpu.memref_slice %arg3[%dma_start3A_20, %dma_start3A_21] : memref<1000000x64xf32, #tpu.memory_space<hbm>> -> memref<1000000x64xf32, #tpu.memory_space<hbm>>
    %dma_start3A_23 = tpu.memref_slice %arg8[%dma_start3A_12] : memref<2x!tpu.dma_semaphore, #tpu.memory_space<semaphore_mem>> -> memref<1x!tpu.dma_semaphore, #tpu.memory_space<semaphore_mem>>
    %dma_start3A_24 = tpu.memref_squeeze %dma_start3A_23 : memref<1x!tpu.dma_semaphore, #tpu.memory_space<semaphore_mem>> -> memref<!tpu.dma_semaphore, #tpu.memory_space<semaphore_mem>>
    tpu.enqueue_indirect_dma source(%dma_start3A_22 : memref<1000000x64xf32, #tpu.memory_space<hbm>>) target(%dma_start3A_16 : memref<128x64xf32, #tpu.memory_space<vmem>>) offsets(%dma_start3A_19 : memref<128xi32, #tpu.memory_space<vmem>>) semaphore(%dma_start3A_24 : memref<!tpu.dma_semaphore, #tpu.memory_space<semaphore_mem>>)
    %mul3A_25 = arith.constant 2 : i32
    %mul3A_26 = arith.muli %rem3A_5, %mul3A_25 : i32
    %add3A_27 = arith.constant 1 : i32
    %add3A_28 = arith.addi %mul3A_26, %add3A_27 : i32
    %dma_start3A_29 = arith.constant 0 : i32
    %dma_start3A_30 = arith.constant 0 : i32
    %dma_start3A_31 = arith.constant 1 : i32
    %dma_start3A_32 = arith.constant 0 : i32
    %dma_start3A_33 = arith.constant 0 : i32
    %dma_start3A_34 = arith.constant 0 : i32
    %dma_start3A_35 = tpu.memref_slice %arg6[%dma_start3A_30, %dma_start3A_31, %dma_start3A_33, %dma_start3A_34] : memref<2x2x128x64xf32, #tpu.memory_space<vmem>> -> memref<1x1x128x64xf32, #tpu.memory_space<vmem>>
    %dma_start3A_36 = tpu.memref_squeeze %dma_start3A_35 : memref<1x1x128x64xf32, #tpu.memory_space<vmem>> -> memref<128x64xf32, #tpu.memory_space<vmem>>
    %dma_start3A_37 = arith.constant 0 : i32
    %dma_start3A_38 = tpu.memref_slice %arg5[%dma_start3A_29, %add3A_28, %dma_start3A_37] : memref<25x8x128xi32, #tpu.memory_space<vmem>> -> memref<1x1x128xi32, #tpu.memory_space<vmem>>
    %dma_start3A_39 = tpu.memref_squeeze %dma_start3A_38 : memref<1x1x128xi32, #tpu.memory_space<vmem>> -> memref<128xi32, #tpu.memory_space<vmem>>
    %dma_start3A_40 = arith.constant 0 : i32
    %dma_start3A_41 = arith.constant 0 : i32
    %dma_start3A_42 = tpu.memref_slice %arg3[%dma_start3A_40, %dma_start3A_41] : memref<1000000x64xf32, #tpu.memory_space<hbm>> -> memref<1000000x64xf32, #tpu.memory_space<hbm>>
    %dma_start3A_43 = tpu.memref_slice %arg8[%dma_start3A_32] : memref<2x!tpu.dma_semaphore, #tpu.memory_space<semaphore_mem>> -> memref<1x!tpu.dma_semaphore, #tpu.memory_space<semaphore_mem>>
    %dma_start3A_44 = tpu.memref_squeeze %dma_start3A_43 : memref<1x!tpu.dma_semaphore, #tpu.memory_space<semaphore_mem>> -> memref<!tpu.dma_semaphore, #tpu.memory_space<semaphore_mem>>
    tpu.enqueue_indirect_dma source(%dma_start3A_42 : memref<1000000x64xf32, #tpu.memory_space<hbm>>) target(%dma_start3A_36 : memref<128x64xf32, #tpu.memory_space<vmem>>) offsets(%dma_start3A_39 : memref<128xi32, #tpu.memory_space<vmem>>) semaphore(%dma_start3A_44 : memref<!tpu.dma_semaphore, #tpu.memory_space<semaphore_mem>>)
    %scan3A = arith.constant 0 : i32
    %scan3A_45 = arith.constant 50 : i32
    %scan3A_46 = arith.addi %scan3A, %scan3A_45 : i32
    %scan3A_47 = arith.constant 1 : i32
    scf.for %scan3A_108 = %scan3A to %scan3A_46 step %scan3A_47  : i32 {
      %mul3A_109 = arith.constant 2 : i32
      %mul3A_110 = arith.muli %scan3A_108, %mul3A_109 : i32
      %add3A_111 = arith.constant 0 : i32
      %add3A_112 = arith.addi %add3A_111, %mul3A_110 : i32
      %add3A_113 = arith.constant 0 : i32
      %add3A_114 = arith.addi %add3A_112, %add3A_113 : i32
      %add3A_115 = arith.constant 1 : i32
      %add3A_116 = arith.addi %add3A_114, %add3A_115 : i32
      %lt3A = arith.constant 100 : i32
      %lt3A_117 = arith.cmpi slt, %add3A_116, %lt3A : i32
      %convert_element_type3A = arith.extui %lt3A_117 : i1 to i32
      %cond3A = arith.constant 0 : i32
      %cond3A_118 = arith.cmpi ne, %convert_element_type3A, %cond3A : i32
      scf.if %cond3A_118 {
        %ge3A = arith.constant 1 : i32
        %ge3A_370 = arith.cmpi sge, %add3A_114, %ge3A : i32
        %convert_element_type3A_371 = arith.extui %ge3A_370 : i1 to i32
        %cond3A_372 = arith.constant 0 : i32
        %cond3A_373 = arith.cmpi ne, %convert_element_type3A_371, %cond3A_372 : i32
        scf.if %cond3A_373 {
          %dma_wait3A_440 = arith.constant 1 : i32
          %dma_wait3A_441 = arith.constant 1 : i32
          %dma_wait3A_442 = arith.constant 0 : i32
          %dma_wait3A_443 = arith.constant 0 : i32
          %dma_wait3A_444 = arith.constant 0 : i32
          %dma_wait3A_445 = arith.constant 0 : i32
          %dma_wait3A_446 = arith.constant 0 : i32
          %dma_wait3A_447 = tpu.memref_slice %arg7[%dma_wait3A_440, %dma_wait3A_442, %dma_wait3A_443, %dma_wait3A_444, %dma_wait3A_445, %dma_wait3A_446] : memref<2x2x8x1x8x128xf32, #tpu.memory_space<vmem>> -> memref<1x2x8x1x8x128xf32, #tpu.memory_space<vmem>>
          %dma_wait3A_448 = tpu.memref_squeeze %dma_wait3A_447 : memref<1x2x8x1x8x128xf32, #tpu.memory_space<vmem>> -> memref<2x8x1x8x128xf32, #tpu.memory_space<vmem>>
          %dma_wait3A_449 = arith.constant 0 : i32
          %dma_wait3A_450 = arith.constant 0 : i32
          %dma_wait3A_451 = arith.constant 0 : i32
          %dma_wait3A_452 = arith.constant 0 : i32
          %dma_wait3A_453 = arith.constant 0 : i32
          %dma_wait3A_454 = tpu.memref_slice %arg4[%dma_wait3A_449, %dma_wait3A_450, %dma_wait3A_451, %dma_wait3A_452, %dma_wait3A_453] : memref<200x8x32x8x128xf32, #tpu.memory_space<hbm>> -> memref<2x8x1x8x128xf32, #tpu.memory_space<hbm>>
          %dma_wait3A_455 = tpu.memref_slice %arg9[%dma_wait3A_441] : memref<2x!tpu.dma_semaphore, #tpu.memory_space<semaphore_mem>> -> memref<1x!tpu.dma_semaphore, #tpu.memory_space<semaphore_mem>>
          %dma_wait3A_456 = tpu.memref_squeeze %dma_wait3A_455 : memref<1x!tpu.dma_semaphore, #tpu.memory_space<semaphore_mem>> -> memref<!tpu.dma_semaphore, #tpu.memory_space<semaphore_mem>>
          %dma_wait3A_457 = arith.constant 0 : i32
          %dma_wait3A_458 = arith.constant 0 : i32
          %dma_wait3A_459 = arith.constant 0 : i32
          %dma_wait3A_460 = arith.constant 0 : i32
          %dma_wait3A_461 = arith.constant 0 : i32
          %dma_wait3A_462 = tpu.memref_slice %arg4[%dma_wait3A_457, %dma_wait3A_458, %dma_wait3A_459, %dma_wait3A_460, %dma_wait3A_461] : memref<200x8x32x8x128xf32, #tpu.memory_space<hbm>> -> memref<2x8x1x8x128xf32, #tpu.memory_space<hbm>>
          %dma_wait3A_463 = arith.constant 0 : i32
          %dma_wait3A_464 = arith.constant 0 : i32
          %dma_wait3A_465 = arith.constant 0 : i32
          %dma_wait3A_466 = arith.constant 0 : i32
          %dma_wait3A_467 = arith.constant 0 : i32
          %dma_wait3A_468 = tpu.memref_slice %arg7[%dma_wait3A_440, %dma_wait3A_463, %dma_wait3A_464, %dma_wait3A_465, %dma_wait3A_466, %dma_wait3A_467] : memref<2x2x8x1x8x128xf32, #tpu.memory_space<vmem>> -> memref<1x2x8x1x8x128xf32, #tpu.memory_space<vmem>>
          %dma_wait3A_469 = tpu.memref_squeeze %dma_wait3A_468 : memref<1x2x8x1x8x128xf32, #tpu.memory_space<vmem>> -> memref<2x8x1x8x128xf32, #tpu.memory_space<vmem>>
          tpu.wait_dma2 semaphore(%dma_wait3A_456 : memref<!tpu.dma_semaphore, #tpu.memory_space<semaphore_mem>>) src(%dma_wait3A_469 : memref<2x8x1x8x128xf32, #tpu.memory_space<vmem>>) dst(%dma_wait3A_462 : memref<2x8x1x8x128xf32, #tpu.memory_space<hbm>>)
        } else {
        }
        %add3A_374 = arith.constant 1 : i32
        %add3A_375 = arith.addi %add3A_114, %add3A_374 : i32
        %jit3A_376 = arith.constant 4 : i32
        %div3A_377 = arith.divsi %add3A_375, %jit3A_376 : i32
        %sign3A_378 = arith.constant 0 : i32
        %sign3A_379 = arith.cmpi sgt, %add3A_375, %sign3A_378 : i32
        %sign3A_380 = arith.extui %sign3A_379 : i1 to i32
        %sign3A_381 = arith.constant 0 : i32
        %sign3A_382 = arith.cmpi slt, %add3A_375, %sign3A_381 : i32
        %sign3A_383 = arith.extui %sign3A_382 : i1 to i32
        %sign3A_384 = arith.subi %sign3A_380, %sign3A_383 : i32
        %sign3A_385 = arith.constant 0 : i32
        %sign3A_386 = arith.cmpi sgt, %jit3A_376, %sign3A_385 : i32
        %sign3A_387 = arith.extui %sign3A_386 : i1 to i32
        %sign3A_388 = arith.constant 0 : i32
        %sign3A_389 = arith.cmpi slt, %jit3A_376, %sign3A_388 : i32
        %sign3A_390 = arith.extui %sign3A_389 : i1 to i32
        %sign3A_391 = arith.subi %sign3A_387, %sign3A_390 : i32
        %ne3A_392 = arith.cmpi ne, %sign3A_384, %sign3A_391 : i32
        %rem3A_393 = arith.remsi %add3A_375, %jit3A_376 : i32
        %ne3A_394 = arith.constant 0 : i32
        %ne3A_395 = arith.cmpi ne, %rem3A_393, %ne3A_394 : i32
        %and3A_396 = arith.andi %ne3A_392, %ne3A_395 : i1
        %sub3A_397 = arith.constant 1 : i32
        %sub3A_398 = arith.subi %div3A_377, %sub3A_397 : i32
        %select_n3A_399 = arith.select %and3A_396, %sub3A_398, %div3A_377 : i32
        %rem3A_400 = arith.constant 4 : i32
        %rem3A_401 = arith.remsi %add3A_375, %rem3A_400 : i32
        %mul3A_402 = arith.constant 2 : i32
        %mul3A_403 = arith.muli %rem3A_401, %mul3A_402 : i32
        %add3A_404 = arith.constant 0 : i32
        %add3A_405 = arith.addi %mul3A_403, %add3A_404 : i32
        %dma_start3A_406 = arith.constant 1 : i32
        %dma_start3A_407 = arith.constant 0 : i32
        %dma_start3A_408 = arith.constant 1 : i32
        %dma_start3A_409 = arith.constant 0 : i32
        %dma_start3A_410 = arith.constant 0 : i32
        %dma_start3A_411 = tpu.memref_slice %arg6[%dma_start3A_406, %dma_start3A_407, %dma_start3A_409, %dma_start3A_410] : memref<2x2x128x64xf32, #tpu.memory_space<vmem>> -> memref<1x1x128x64xf32, #tpu.memory_space<vmem>>
        %dma_start3A_412 = tpu.memref_squeeze %dma_start3A_411 : memref<1x1x128x64xf32, #tpu.memory_space<vmem>> -> memref<128x64xf32, #tpu.memory_space<vmem>>
        %dma_start3A_413 = arith.constant 0 : i32
        %dma_start3A_414 = tpu.memref_slice %arg5[%select_n3A_399, %add3A_405, %dma_start3A_413] : memref<25x8x128xi32, #tpu.memory_space<vmem>> -> memref<1x1x128xi32, #tpu.memory_space<vmem>>
        %dma_start3A_415 = tpu.memref_squeeze %dma_start3A_414 : memref<1x1x128xi32, #tpu.memory_space<vmem>> -> memref<128xi32, #tpu.memory_space<vmem>>
        %dma_start3A_416 = arith.constant 0 : i32
        %dma_start3A_417 = arith.constant 0 : i32
        %dma_start3A_418 = tpu.memref_slice %arg3[%dma_start3A_416, %dma_start3A_417] : memref<1000000x64xf32, #tpu.memory_space<hbm>> -> memref<1000000x64xf32, #tpu.memory_space<hbm>>
        %dma_start3A_419 = tpu.memref_slice %arg8[%dma_start3A_408] : memref<2x!tpu.dma_semaphore, #tpu.memory_space<semaphore_mem>> -> memref<1x!tpu.dma_semaphore, #tpu.memory_space<semaphore_mem>>
        %dma_start3A_420 = tpu.memref_squeeze %dma_start3A_419 : memref<1x!tpu.dma_semaphore, #tpu.memory_space<semaphore_mem>> -> memref<!tpu.dma_semaphore, #tpu.memory_space<semaphore_mem>>
        tpu.enqueue_indirect_dma source(%dma_start3A_418 : memref<1000000x64xf32, #tpu.memory_space<hbm>>) target(%dma_start3A_412 : memref<128x64xf32, #tpu.memory_space<vmem>>) offsets(%dma_start3A_415 : memref<128xi32, #tpu.memory_space<vmem>>) semaphore(%dma_start3A_420 : memref<!tpu.dma_semaphore, #tpu.memory_space<semaphore_mem>>)
        %mul3A_421 = arith.constant 2 : i32
        %mul3A_422 = arith.muli %rem3A_401, %mul3A_421 : i32
        %add3A_423 = arith.constant 1 : i32
        %add3A_424 = arith.addi %mul3A_422, %add3A_423 : i32
        %dma_start3A_425 = arith.constant 1 : i32
        %dma_start3A_426 = arith.constant 1 : i32
        %dma_start3A_427 = arith.constant 1 : i32
        %dma_start3A_428 = arith.constant 0 : i32
        %dma_start3A_429 = arith.constant 0 : i32
        %dma_start3A_430 = tpu.memref_slice %arg6[%dma_start3A_425, %dma_start3A_426, %dma_start3A_428, %dma_start3A_429] : memref<2x2x128x64xf32, #tpu.memory_space<vmem>> -> memref<1x1x128x64xf32, #tpu.memory_space<vmem>>
        %dma_start3A_431 = tpu.memref_squeeze %dma_start3A_430 : memref<1x1x128x64xf32, #tpu.memory_space<vmem>> -> memref<128x64xf32, #tpu.memory_space<vmem>>
        %dma_start3A_432 = arith.constant 0 : i32
        %dma_start3A_433 = tpu.memref_slice %arg5[%select_n3A_399, %add3A_424, %dma_start3A_432] : memref<25x8x128xi32, #tpu.memory_space<vmem>> -> memref<1x1x128xi32, #tpu.memory_space<vmem>>
        %dma_start3A_434 = tpu.memref_squeeze %dma_start3A_433 : memref<1x1x128xi32, #tpu.memory_space<vmem>> -> memref<128xi32, #tpu.memory_space<vmem>>
        %dma_start3A_435 = arith.constant 0 : i32
        %dma_start3A_436 = arith.constant 0 : i32
        %dma_start3A_437 = tpu.memref_slice %arg3[%dma_start3A_435, %dma_start3A_436] : memref<1000000x64xf32, #tpu.memory_space<hbm>> -> memref<1000000x64xf32, #tpu.memory_space<hbm>>
        %dma_start3A_438 = tpu.memref_slice %arg8[%dma_start3A_427] : memref<2x!tpu.dma_semaphore, #tpu.memory_space<semaphore_mem>> -> memref<1x!tpu.dma_semaphore, #tpu.memory_space<semaphore_mem>>
        %dma_start3A_439 = tpu.memref_squeeze %dma_start3A_438 : memref<1x!tpu.dma_semaphore, #tpu.memory_space<semaphore_mem>> -> memref<!tpu.dma_semaphore, #tpu.memory_space<semaphore_mem>>
        tpu.enqueue_indirect_dma source(%dma_start3A_437 : memref<1000000x64xf32, #tpu.memory_space<hbm>>) target(%dma_start3A_431 : memref<128x64xf32, #tpu.memory_space<vmem>>) offsets(%dma_start3A_434 : memref<128xi32, #tpu.memory_space<vmem>>) semaphore(%dma_start3A_439 : memref<!tpu.dma_semaphore, #tpu.memory_space<semaphore_mem>>)
      } else {
      }
      %dma_wait3A_119 = arith.constant 0 : i32
      %dma_wait3A_120 = arith.constant 0 : i32
      %dma_wait3A_121 = arith.constant 0 : i32
      %dma_wait3A_122 = arith.constant 0 : i32
      %dma_wait3A_123 = arith.constant 0 : i32
      %dma_wait3A_124 = arith.constant 0 : i32
      %dma_wait3A_125 = arith.constant 0 : i32
      %dma_wait3A_126 = tpu.memref_slice %arg6[%dma_wait3A_121, %dma_wait3A_122, %dma_wait3A_124, %dma_wait3A_125] : memref<2x2x128x64xf32, #tpu.memory_space<vmem>> -> memref<1x1x128x64xf32, #tpu.memory_space<vmem>>
      %dma_wait3A_127 = tpu.memref_squeeze %dma_wait3A_126 : memref<1x1x128x64xf32, #tpu.memory_space<vmem>> -> memref<128x64xf32, #tpu.memory_space<vmem>>
      %dma_wait3A_128 = arith.constant 0 : i32
      %dma_wait3A_129 = tpu.memref_slice %arg5[%dma_wait3A_119, %dma_wait3A_120, %dma_wait3A_128] : memref<25x8x128xi32, #tpu.memory_space<vmem>> -> memref<1x1x128xi32, #tpu.memory_space<vmem>>
      %dma_wait3A_130 = tpu.memref_squeeze %dma_wait3A_129 : memref<1x1x128xi32, #tpu.memory_space<vmem>> -> memref<128xi32, #tpu.memory_space<vmem>>
      %dma_wait3A_131 = arith.constant 0 : i32
      %dma_wait3A_132 = arith.constant 0 : i32
      %dma_wait3A_133 = tpu.memref_slice %arg3[%dma_wait3A_131, %dma_wait3A_132] : memref<1000000x64xf32, #tpu.memory_space<hbm>> -> memref<1000000x64xf32, #tpu.memory_space<hbm>>
      %dma_wait3A_134 = tpu.memref_slice %arg8[%dma_wait3A_123] : memref<2x!tpu.dma_semaphore, #tpu.memory_space<semaphore_mem>> -> memref<1x!tpu.dma_semaphore, #tpu.memory_space<semaphore_mem>>
      %dma_wait3A_135 = tpu.memref_squeeze %dma_wait3A_134 : memref<1x!tpu.dma_semaphore, #tpu.memory_space<semaphore_mem>> -> memref<!tpu.dma_semaphore, #tpu.memory_space<semaphore_mem>>
      tpu.wait_indirect_dma semaphore(%dma_wait3A_135 : memref<!tpu.dma_semaphore, #tpu.memory_space<semaphore_mem>>) src(%dma_wait3A_133 : memref<1000000x64xf32, #tpu.memory_space<hbm>>) dst(%dma_wait3A_127 : memref<128x64xf32, #tpu.memory_space<vmem>>)
      %dma_wait3A_136 = arith.constant 0 : i32
      %dma_wait3A_137 = arith.constant 0 : i32
      %dma_wait3A_138 = arith.constant 0 : i32
      %dma_wait3A_139 = arith.constant 1 : i32
      %dma_wait3A_140 = arith.constant 0 : i32
      %dma_wait3A_141 = arith.constant 0 : i32
      %dma_wait3A_142 = arith.constant 0 : i32
      %dma_wait3A_143 = tpu.memref_slice %arg6[%dma_wait3A_138, %dma_wait3A_139, %dma_wait3A_141, %dma_wait3A_142] : memref<2x2x128x64xf32, #tpu.memory_space<vmem>> -> memref<1x1x128x64xf32, #tpu.memory_space<vmem>>
      %dma_wait3A_144 = tpu.memref_squeeze %dma_wait3A_143 : memref<1x1x128x64xf32, #tpu.memory_space<vmem>> -> memref<128x64xf32, #tpu.memory_space<vmem>>
      %dma_wait3A_145 = arith.constant 0 : i32
      %dma_wait3A_146 = tpu.memref_slice %arg5[%dma_wait3A_136, %dma_wait3A_137, %dma_wait3A_145] : memref<25x8x128xi32, #tpu.memory_space<vmem>> -> memref<1x1x128xi32, #tpu.memory_space<vmem>>
      %dma_wait3A_147 = tpu.memref_squeeze %dma_wait3A_146 : memref<1x1x128xi32, #tpu.memory_space<vmem>> -> memref<128xi32, #tpu.memory_space<vmem>>
      %dma_wait3A_148 = arith.constant 0 : i32
      %dma_wait3A_149 = arith.constant 0 : i32
      %dma_wait3A_150 = tpu.memref_slice %arg3[%dma_wait3A_148, %dma_wait3A_149] : memref<1000000x64xf32, #tpu.memory_space<hbm>> -> memref<1000000x64xf32, #tpu.memory_space<hbm>>
      %dma_wait3A_151 = tpu.memref_slice %arg8[%dma_wait3A_140] : memref<2x!tpu.dma_semaphore, #tpu.memory_space<semaphore_mem>> -> memref<1x!tpu.dma_semaphore, #tpu.memory_space<semaphore_mem>>
      %dma_wait3A_152 = tpu.memref_squeeze %dma_wait3A_151 : memref<1x!tpu.dma_semaphore, #tpu.memory_space<semaphore_mem>> -> memref<!tpu.dma_semaphore, #tpu.memory_space<semaphore_mem>>
      tpu.wait_indirect_dma semaphore(%dma_wait3A_152 : memref<!tpu.dma_semaphore, #tpu.memory_space<semaphore_mem>>) src(%dma_wait3A_150 : memref<1000000x64xf32, #tpu.memory_space<hbm>>) dst(%dma_wait3A_144 : memref<128x64xf32, #tpu.memory_space<vmem>>)
      %broadcast_in_dim3A_153 = arith.constant 0 : i32
      %broadcast_in_dim3A_154 = vector.broadcast %broadcast_in_dim3A_153 : i32 to vector<16xi32>
      %parallel_loop3A = arith.constant 0 : i32
      %parallel_loop3A_155 = arith.constant 1024 : i32
      %parallel_loop3A_156 = arith.constant 1 : i32
      scf.for %parallel_loop3A_370 = %parallel_loop3A to %parallel_loop3A_155 step %parallel_loop3A_156  : i32 {
        %parallel_loop3A_371 = arith.constant 9 : i32
        %parallel_loop3A_372 = arith.shrsi %parallel_loop3A_370, %parallel_loop3A_371 : i32
        %parallel_loop3A_373 = arith.constant 5 : i32
        %parallel_loop3A_374 = arith.shrsi %parallel_loop3A_370, %parallel_loop3A_373 : i32
        %parallel_loop3A_375 = arith.constant 15 : i32
        %parallel_loop3A_376 = arith.andi %parallel_loop3A_374, %parallel_loop3A_375 : i32
        %parallel_loop3A_377 = arith.constant 3 : i32
        %parallel_loop3A_378 = arith.shrsi %parallel_loop3A_370, %parallel_loop3A_377 : i32
        %parallel_loop3A_379 = arith.constant 3 : i32
        %parallel_loop3A_380 = arith.andi %parallel_loop3A_378, %parallel_loop3A_379 : i32
        %parallel_loop3A_381 = arith.constant 16 : i32
        %parallel_loop3A_382 = arith.muli %parallel_loop3A_380, %parallel_loop3A_381 : i32
        %parallel_loop3A_383 = arith.constant 7 : i32
        %parallel_loop3A_384 = arith.andi %parallel_loop3A_370, %parallel_loop3A_383 : i32
        %parallel_loop3A_385 = arith.constant 16 : i32
        %parallel_loop3A_386 = arith.muli %parallel_loop3A_384, %parallel_loop3A_385 : i32
        %parallel_loop3A_387 = vector.broadcast %parallel_loop3A_376 : i32 to vector<16xi32>
        %parallel_loop3A_388 = arith.addi %iota3A, %parallel_loop3A_387 : vector<16xi32>
        %parallel_loop3A_389 = arith.constant 15 : i32
        %parallel_loop3A_390 = vector.broadcast %parallel_loop3A_389 : i32 to vector<16xi32>
        %parallel_loop3A_391 = arith.andi %parallel_loop3A_388, %parallel_loop3A_390 : vector<16xi32>
        %parallel_loop3A_392 = vector.broadcast %parallel_loop3A_382 : i32 to vector<16xi32>
        %parallel_loop3A_393 = arith.addi %parallel_loop3A_392, %iota3A : vector<16xi32>
        %parallel_loop3A_394 = vector.broadcast %parallel_loop3A_386 : i32 to vector<16xi32>
        %parallel_loop3A_395 = arith.addi %parallel_loop3A_394, %parallel_loop3A_391 : vector<16xi32>
        %parallel_loop3A_396 = vector.broadcast %parallel_loop3A_372 : i32 to vector<16xi32>
        %parallel_loop3A_397 = arith.addi %broadcast_in_dim3A_3, %parallel_loop3A_396 : vector<16xi32>
        %parallel_loop3A_398 = tpu.vector_load_idx %arg6[%broadcast_in_dim3A_154, %parallel_loop3A_397, %parallel_loop3A_395, %parallel_loop3A_393] : memref<2x2x128x64xf32, #tpu.memory_space<vmem>>[vector<16xi32>, vector<16xi32>, vector<16xi32>, vector<16xi32>], vector<16xf32>,
        %parallel_loop3A_399 = arith.constant 3 : i32
        %parallel_loop3A_400 = vector.broadcast %parallel_loop3A_399 : i32 to vector<16xi32>
        %parallel_loop3A_401 = arith.shrsi %parallel_loop3A_393, %parallel_loop3A_400 : vector<16xi32>
        %parallel_loop3A_402 = arith.constant 7 : i32
        %parallel_loop3A_403 = vector.broadcast %parallel_loop3A_402 : i32 to vector<16xi32>
        %parallel_loop3A_404 = arith.andi %parallel_loop3A_393, %parallel_loop3A_403 : vector<16xi32>
        tpu.vector_store_idx %arg7[%broadcast_in_dim3A_154, %parallel_loop3A_397, %parallel_loop3A_401, %broadcast_in_dim3A_3, %parallel_loop3A_404, %parallel_loop3A_395], %parallel_loop3A_398 : memref<2x2x8x1x8x128xf32, #tpu.memory_space<vmem>>[vector<16xi32>, vector<16xi32>, vector<16xi32>, vector<16xi32>, vector<16xi32>, vector<16xi32>], vector<16xf32>,
      } {sc.loop_unroll_factor = 16 : i64, sc.parallel_access}
      %jit3A = arith.constant 4 : i32
      %div3A = arith.divsi %add3A_114, %jit3A : i32
      %sign3A = arith.constant 0 : i32
      %sign3A_157 = arith.cmpi sgt, %add3A_114, %sign3A : i32
      %sign3A_158 = arith.extui %sign3A_157 : i1 to i32
      %sign3A_159 = arith.constant 0 : i32
      %sign3A_160 = arith.cmpi slt, %add3A_114, %sign3A_159 : i32
      %sign3A_161 = arith.extui %sign3A_160 : i1 to i32
      %sign3A_162 = arith.subi %sign3A_158, %sign3A_161 : i32
      %sign3A_163 = arith.constant 0 : i32
      %sign3A_164 = arith.cmpi sgt, %jit3A, %sign3A_163 : i32
      %sign3A_165 = arith.extui %sign3A_164 : i1 to i32
      %sign3A_166 = arith.constant 0 : i32
      %sign3A_167 = arith.cmpi slt, %jit3A, %sign3A_166 : i32
      %sign3A_168 = arith.extui %sign3A_167 : i1 to i32
      %sign3A_169 = arith.subi %sign3A_165, %sign3A_168 : i32
      %ne3A = arith.cmpi ne, %sign3A_162, %sign3A_169 : i32
      %rem3A_170 = arith.remsi %add3A_114, %jit3A : i32
      %ne3A_171 = arith.constant 0 : i32
      %ne3A_172 = arith.cmpi ne, %rem3A_170, %ne3A_171 : i32
      %and3A = arith.andi %ne3A, %ne3A_172 : i1
      %sub3A = arith.constant 1 : i32
      %sub3A_173 = arith.subi %div3A, %sub3A : i32
      %select_n3A = arith.select %and3A, %sub3A_173, %div3A : i32
      %rem3A_174 = arith.constant 4 : i32
      %rem3A_175 = arith.remsi %add3A_114, %rem3A_174 : i32
      %mul3A_176 = arith.constant 25 : i32
      %mul3A_177 = arith.muli %add3A, %mul3A_176 : i32
      %add3A_178 = arith.addi %mul3A_177, %select_n3A : i32
      %jit3A_179 = arith.constant 32 : i32
      %div3A_180 = arith.divsi %add3A_178, %jit3A_179 : i32
      %sign3A_181 = arith.constant 0 : i32
      %sign3A_182 = arith.cmpi sgt, %add3A_178, %sign3A_181 : i32
      %sign3A_183 = arith.extui %sign3A_182 : i1 to i32
      %sign3A_184 = arith.constant 0 : i32
      %sign3A_185 = arith.cmpi slt, %add3A_178, %sign3A_184 : i32
      %sign3A_186 = arith.extui %sign3A_185 : i1 to i32
      %sign3A_187 = arith.subi %sign3A_183, %sign3A_186 : i32
      %sign3A_188 = arith.constant 0 : i32
      %sign3A_189 = arith.cmpi sgt, %jit3A_179, %sign3A_188 : i32
      %sign3A_190 = arith.extui %sign3A_189 : i1 to i32
      %sign3A_191 = arith.constant 0 : i32
      %sign3A_192 = arith.cmpi slt, %jit3A_179, %sign3A_191 : i32
      %sign3A_193 = arith.extui %sign3A_192 : i1 to i32
      %sign3A_194 = arith.subi %sign3A_190, %sign3A_193 : i32
      %ne3A_195 = arith.cmpi ne, %sign3A_187, %sign3A_194 : i32
      %rem3A_196 = arith.remsi %add3A_178, %jit3A_179 : i32
      %ne3A_197 = arith.constant 0 : i32
      %ne3A_198 = arith.cmpi ne, %rem3A_196, %ne3A_197 : i32
      %and3A_199 = arith.andi %ne3A_195, %ne3A_198 : i1
      %sub3A_200 = arith.constant 1 : i32
      %sub3A_201 = arith.subi %div3A_180, %sub3A_200 : i32
      %select_n3A_202 = arith.select %and3A_199, %sub3A_201, %div3A_180 : i32
      %rem3A_203 = arith.constant 32 : i32
      %rem3A_204 = arith.remsi %add3A_178, %rem3A_203 : i32
      %mul3A_205 = arith.constant 8 : i32
      %mul3A_206 = arith.muli %mul3A_205, %select_n3A_202 : i32
      %mul3A_207 = arith.constant 2 : i32
      %mul3A_208 = arith.muli %mul3A_207, %rem3A_175 : i32
      %add3A_209 = arith.addi %mul3A_206, %mul3A_208 : i32
      %dma_start3A_210 = arith.constant 0 : i32
      %dma_start3A_211 = arith.constant 0 : i32
      %dma_start3A_212 = arith.constant 0 : i32
      %dma_start3A_213 = arith.constant 0 : i32
      %dma_start3A_214 = arith.constant 0 : i32
      %dma_start3A_215 = arith.constant 0 : i32
      %dma_start3A_216 = arith.constant 0 : i32
      %dma_start3A_217 = tpu.memref_slice %arg7[%dma_start3A_210, %dma_start3A_212, %dma_start3A_213, %dma_start3A_214, %dma_start3A_215, %dma_start3A_216] : memref<2x2x8x1x8x128xf32, #tpu.memory_space<vmem>> -> memref<1x2x8x1x8x128xf32, #tpu.memory_space<vmem>>
      %dma_start3A_218 = tpu.memref_squeeze %dma_start3A_217 : memref<1x2x8x1x8x128xf32, #tpu.memory_space<vmem>> -> memref<2x8x1x8x128xf32, #tpu.memory_space<vmem>>
      %dma_start3A_219 = arith.constant 0 : i32
      %dma_start3A_220 = arith.constant 0 : i32
      %dma_start3A_221 = arith.constant 0 : i32
      %dma_start3A_222 = tpu.memref_slice %arg4[%add3A_209, %dma_start3A_219, %rem3A_204, %dma_start3A_220, %dma_start3A_221] : memref<200x8x32x8x128xf32, #tpu.memory_space<hbm>> -> memref<2x8x1x8x128xf32, #tpu.memory_space<hbm>>
      %dma_start3A_223 = tpu.memref_slice %arg9[%dma_start3A_211] : memref<2x!tpu.dma_semaphore, #tpu.memory_space<semaphore_mem>> -> memref<1x!tpu.dma_semaphore, #tpu.memory_space<semaphore_mem>>
      %dma_start3A_224 = tpu.memref_squeeze %dma_start3A_223 : memref<1x!tpu.dma_semaphore, #tpu.memory_space<semaphore_mem>> -> memref<!tpu.dma_semaphore, #tpu.memory_space<semaphore_mem>>
      %dma_start3A_225 = arith.constant 0 : i32
      %dma_start3A_226 = arith.constant 0 : i32
      %dma_start3A_227 = arith.constant 0 : i32
      %dma_start3A_228 = tpu.memref_slice %arg4[%add3A_209, %dma_start3A_225, %rem3A_204, %dma_start3A_226, %dma_start3A_227] : memref<200x8x32x8x128xf32, #tpu.memory_space<hbm>> -> memref<2x8x1x8x128xf32, #tpu.memory_space<hbm>>
      %dma_start3A_229 = arith.constant 0 : i32
      %dma_start3A_230 = arith.constant 0 : i32
      %dma_start3A_231 = arith.constant 0 : i32
      %dma_start3A_232 = arith.constant 0 : i32
      %dma_start3A_233 = arith.constant 0 : i32
      %dma_start3A_234 = tpu.memref_slice %arg7[%dma_start3A_210, %dma_start3A_229, %dma_start3A_230, %dma_start3A_231, %dma_start3A_232, %dma_start3A_233] : memref<2x2x8x1x8x128xf32, #tpu.memory_space<vmem>> -> memref<1x2x8x1x8x128xf32, #tpu.memory_space<vmem>>
      %dma_start3A_235 = tpu.memref_squeeze %dma_start3A_234 : memref<1x2x8x1x8x128xf32, #tpu.memory_space<vmem>> -> memref<2x8x1x8x128xf32, #tpu.memory_space<vmem>>
      tpu.enqueue_dma source(%dma_start3A_235 : memref<2x8x1x8x128xf32, #tpu.memory_space<vmem>>) target(%dma_start3A_228 : memref<2x8x1x8x128xf32, #tpu.memory_space<hbm>>) target_semaphore(%dma_start3A_224 : memref<!tpu.dma_semaphore, #tpu.memory_space<semaphore_mem>>)
      %add3A_236 = arith.constant 1 : i32
      %add3A_237 = arith.addi %add3A_112, %add3A_236 : i32
      %add3A_238 = arith.constant 1 : i32
      %add3A_239 = arith.addi %add3A_237, %add3A_238 : i32
      %lt3A_240 = arith.constant 100 : i32
      %lt3A_241 = arith.cmpi slt, %add3A_239, %lt3A_240 : i32
      %convert_element_type3A_242 = arith.extui %lt3A_241 : i1 to i32
      %cond3A_243 = arith.constant 0 : i32
      %cond3A_244 = arith.cmpi ne, %convert_element_type3A_242, %cond3A_243 : i32
      scf.if %cond3A_244 {
        %ge3A = arith.constant 1 : i32
        %ge3A_370 = arith.cmpi sge, %add3A_237, %ge3A : i32
        %convert_element_type3A_371 = arith.extui %ge3A_370 : i1 to i32
        %cond3A_372 = arith.constant 0 : i32
        %cond3A_373 = arith.cmpi ne, %convert_element_type3A_371, %cond3A_372 : i32
        scf.if %cond3A_373 {
          %dma_wait3A_440 = arith.constant 0 : i32
          %dma_wait3A_441 = arith.constant 0 : i32
          %dma_wait3A_442 = arith.constant 0 : i32
          %dma_wait3A_443 = arith.constant 0 : i32
          %dma_wait3A_444 = arith.constant 0 : i32
          %dma_wait3A_445 = arith.constant 0 : i32
          %dma_wait3A_446 = arith.constant 0 : i32
          %dma_wait3A_447 = tpu.memref_slice %arg7[%dma_wait3A_440, %dma_wait3A_442, %dma_wait3A_443, %dma_wait3A_444, %dma_wait3A_445, %dma_wait3A_446] : memref<2x2x8x1x8x128xf32, #tpu.memory_space<vmem>> -> memref<1x2x8x1x8x128xf32, #tpu.memory_space<vmem>>
          %dma_wait3A_448 = tpu.memref_squeeze %dma_wait3A_447 : memref<1x2x8x1x8x128xf32, #tpu.memory_space<vmem>> -> memref<2x8x1x8x128xf32, #tpu.memory_space<vmem>>
          %dma_wait3A_449 = arith.constant 0 : i32
          %dma_wait3A_450 = arith.constant 0 : i32
          %dma_wait3A_451 = arith.constant 0 : i32
          %dma_wait3A_452 = arith.constant 0 : i32
          %dma_wait3A_453 = arith.constant 0 : i32
          %dma_wait3A_454 = tpu.memref_slice %arg4[%dma_wait3A_449, %dma_wait3A_450, %dma_wait3A_451, %dma_wait3A_452, %dma_wait3A_453] : memref<200x8x32x8x128xf32, #tpu.memory_space<hbm>> -> memref<2x8x1x8x128xf32, #tpu.memory_space<hbm>>
          %dma_wait3A_455 = tpu.memref_slice %arg9[%dma_wait3A_441] : memref<2x!tpu.dma_semaphore, #tpu.memory_space<semaphore_mem>> -> memref<1x!tpu.dma_semaphore, #tpu.memory_space<semaphore_mem>>
          %dma_wait3A_456 = tpu.memref_squeeze %dma_wait3A_455 : memref<1x!tpu.dma_semaphore, #tpu.memory_space<semaphore_mem>> -> memref<!tpu.dma_semaphore, #tpu.memory_space<semaphore_mem>>
          %dma_wait3A_457 = arith.constant 0 : i32
          %dma_wait3A_458 = arith.constant 0 : i32
          %dma_wait3A_459 = arith.constant 0 : i32
          %dma_wait3A_460 = arith.constant 0 : i32
          %dma_wait3A_461 = arith.constant 0 : i32
          %dma_wait3A_462 = tpu.memref_slice %arg4[%dma_wait3A_457, %dma_wait3A_458, %dma_wait3A_459, %dma_wait3A_460, %dma_wait3A_461] : memref<200x8x32x8x128xf32, #tpu.memory_space<hbm>> -> memref<2x8x1x8x128xf32, #tpu.memory_space<hbm>>
          %dma_wait3A_463 = arith.constant 0 : i32
          %dma_wait3A_464 = arith.constant 0 : i32
          %dma_wait3A_465 = arith.constant 0 : i32
          %dma_wait3A_466 = arith.constant 0 : i32
          %dma_wait3A_467 = arith.constant 0 : i32
          %dma_wait3A_468 = tpu.memref_slice %arg7[%dma_wait3A_440, %dma_wait3A_463, %dma_wait3A_464, %dma_wait3A_465, %dma_wait3A_466, %dma_wait3A_467] : memref<2x2x8x1x8x128xf32, #tpu.memory_space<vmem>> -> memref<1x2x8x1x8x128xf32, #tpu.memory_space<vmem>>
          %dma_wait3A_469 = tpu.memref_squeeze %dma_wait3A_468 : memref<1x2x8x1x8x128xf32, #tpu.memory_space<vmem>> -> memref<2x8x1x8x128xf32, #tpu.memory_space<vmem>>
          tpu.wait_dma2 semaphore(%dma_wait3A_456 : memref<!tpu.dma_semaphore, #tpu.memory_space<semaphore_mem>>) src(%dma_wait3A_469 : memref<2x8x1x8x128xf32, #tpu.memory_space<vmem>>) dst(%dma_wait3A_462 : memref<2x8x1x8x128xf32, #tpu.memory_space<hbm>>)
        } else {
        }
        %add3A_374 = arith.constant 1 : i32
        %add3A_375 = arith.addi %add3A_237, %add3A_374 : i32
        %jit3A_376 = arith.constant 4 : i32
        %div3A_377 = arith.divsi %add3A_375, %jit3A_376 : i32
        %sign3A_378 = arith.constant 0 : i32
        %sign3A_379 = arith.cmpi sgt, %add3A_375, %sign3A_378 : i32
        %sign3A_380 = arith.extui %sign3A_379 : i1 to i32
        %sign3A_381 = arith.constant 0 : i32
        %sign3A_382 = arith.cmpi slt, %add3A_375, %sign3A_381 : i32
        %sign3A_383 = arith.extui %sign3A_382 : i1 to i32
        %sign3A_384 = arith.subi %sign3A_380, %sign3A_383 : i32
        %sign3A_385 = arith.constant 0 : i32
        %sign3A_386 = arith.cmpi sgt, %jit3A_376, %sign3A_385 : i32
        %sign3A_387 = arith.extui %sign3A_386 : i1 to i32
        %sign3A_388 = arith.constant 0 : i32
        %sign3A_389 = arith.cmpi slt, %jit3A_376, %sign3A_388 : i32
        %sign3A_390 = arith.extui %sign3A_389 : i1 to i32
        %sign3A_391 = arith.subi %sign3A_387, %sign3A_390 : i32
        %ne3A_392 = arith.cmpi ne, %sign3A_384, %sign3A_391 : i32
        %rem3A_393 = arith.remsi %add3A_375, %jit3A_376 : i32
        %ne3A_394 = arith.constant 0 : i32
        %ne3A_395 = arith.cmpi ne, %rem3A_393, %ne3A_394 : i32
        %and3A_396 = arith.andi %ne3A_392, %ne3A_395 : i1
        %sub3A_397 = arith.constant 1 : i32
        %sub3A_398 = arith.subi %div3A_377, %sub3A_397 : i32
        %select_n3A_399 = arith.select %and3A_396, %sub3A_398, %div3A_377 : i32
        %rem3A_400 = arith.constant 4 : i32
        %rem3A_401 = arith.remsi %add3A_375, %rem3A_400 : i32
        %mul3A_402 = arith.constant 2 : i32
        %mul3A_403 = arith.muli %rem3A_401, %mul3A_402 : i32
        %add3A_404 = arith.constant 0 : i32
        %add3A_405 = arith.addi %mul3A_403, %add3A_404 : i32
        %dma_start3A_406 = arith.constant 0 : i32
        %dma_start3A_407 = arith.constant 0 : i32
        %dma_start3A_408 = arith.constant 0 : i32
        %dma_start3A_409 = arith.constant 0 : i32
        %dma_start3A_410 = arith.constant 0 : i32
        %dma_start3A_411 = tpu.memref_slice %arg6[%dma_start3A_406, %dma_start3A_407, %dma_start3A_409, %dma_start3A_410] : memref<2x2x128x64xf32, #tpu.memory_space<vmem>> -> memref<1x1x128x64xf32, #tpu.memory_space<vmem>>
        %dma_start3A_412 = tpu.memref_squeeze %dma_start3A_411 : memref<1x1x128x64xf32, #tpu.memory_space<vmem>> -> memref<128x64xf32, #tpu.memory_space<vmem>>
        %dma_start3A_413 = arith.constant 0 : i32
        %dma_start3A_414 = tpu.memref_slice %arg5[%select_n3A_399, %add3A_405, %dma_start3A_413] : memref<25x8x128xi32, #tpu.memory_space<vmem>> -> memref<1x1x128xi32, #tpu.memory_space<vmem>>
        %dma_start3A_415 = tpu.memref_squeeze %dma_start3A_414 : memref<1x1x128xi32, #tpu.memory_space<vmem>> -> memref<128xi32, #tpu.memory_space<vmem>>
        %dma_start3A_416 = arith.constant 0 : i32
        %dma_start3A_417 = arith.constant 0 : i32
        %dma_start3A_418 = tpu.memref_slice %arg3[%dma_start3A_416, %dma_start3A_417] : memref<1000000x64xf32, #tpu.memory_space<hbm>> -> memref<1000000x64xf32, #tpu.memory_space<hbm>>
        %dma_start3A_419 = tpu.memref_slice %arg8[%dma_start3A_408] : memref<2x!tpu.dma_semaphore, #tpu.memory_space<semaphore_mem>> -> memref<1x!tpu.dma_semaphore, #tpu.memory_space<semaphore_mem>>
        %dma_start3A_420 = tpu.memref_squeeze %dma_start3A_419 : memref<1x!tpu.dma_semaphore, #tpu.memory_space<semaphore_mem>> -> memref<!tpu.dma_semaphore, #tpu.memory_space<semaphore_mem>>
        tpu.enqueue_indirect_dma source(%dma_start3A_418 : memref<1000000x64xf32, #tpu.memory_space<hbm>>) target(%dma_start3A_412 : memref<128x64xf32, #tpu.memory_space<vmem>>) offsets(%dma_start3A_415 : memref<128xi32, #tpu.memory_space<vmem>>) semaphore(%dma_start3A_420 : memref<!tpu.dma_semaphore, #tpu.memory_space<semaphore_mem>>)
        %mul3A_421 = arith.constant 2 : i32
        %mul3A_422 = arith.muli %rem3A_401, %mul3A_421 : i32
        %add3A_423 = arith.constant 1 : i32
        %add3A_424 = arith.addi %mul3A_422, %add3A_423 : i32
        %dma_start3A_425 = arith.constant 0 : i32
        %dma_start3A_426 = arith.constant 1 : i32
        %dma_start3A_427 = arith.constant 0 : i32
        %dma_start3A_428 = arith.constant 0 : i32
        %dma_start3A_429 = arith.constant 0 : i32
        %dma_start3A_430 = tpu.memref_slice %arg6[%dma_start3A_425, %dma_start3A_426, %dma_start3A_428, %dma_start3A_429] : memref<2x2x128x64xf32, #tpu.memory_space<vmem>> -> memref<1x1x128x64xf32, #tpu.memory_space<vmem>>
        %dma_start3A_431 = tpu.memref_squeeze %dma_start3A_430 : memref<1x1x128x64xf32, #tpu.memory_space<vmem>> -> memref<128x64xf32, #tpu.memory_space<vmem>>
        %dma_start3A_432 = arith.constant 0 : i32
        %dma_start3A_433 = tpu.memref_slice %arg5[%select_n3A_399, %add3A_424, %dma_start3A_432] : memref<25x8x128xi32, #tpu.memory_space<vmem>> -> memref<1x1x128xi32, #tpu.memory_space<vmem>>
        %dma_start3A_434 = tpu.memref_squeeze %dma_start3A_433 : memref<1x1x128xi32, #tpu.memory_space<vmem>> -> memref<128xi32, #tpu.memory_space<vmem>>
        %dma_start3A_435 = arith.constant 0 : i32
        %dma_start3A_436 = arith.constant 0 : i32
        %dma_start3A_437 = tpu.memref_slice %arg3[%dma_start3A_435, %dma_start3A_436] : memref<1000000x64xf32, #tpu.memory_space<hbm>> -> memref<1000000x64xf32, #tpu.memory_space<hbm>>
        %dma_start3A_438 = tpu.memref_slice %arg8[%dma_start3A_427] : memref<2x!tpu.dma_semaphore, #tpu.memory_space<semaphore_mem>> -> memref<1x!tpu.dma_semaphore, #tpu.memory_space<semaphore_mem>>
        %dma_start3A_439 = tpu.memref_squeeze %dma_start3A_438 : memref<1x!tpu.dma_semaphore, #tpu.memory_space<semaphore_mem>> -> memref<!tpu.dma_semaphore, #tpu.memory_space<semaphore_mem>>
        tpu.enqueue_indirect_dma source(%dma_start3A_437 : memref<1000000x64xf32, #tpu.memory_space<hbm>>) target(%dma_start3A_431 : memref<128x64xf32, #tpu.memory_space<vmem>>) offsets(%dma_start3A_434 : memref<128xi32, #tpu.memory_space<vmem>>) semaphore(%dma_start3A_439 : memref<!tpu.dma_semaphore, #tpu.memory_space<semaphore_mem>>)
      } else {
      }
      %dma_wait3A_245 = arith.constant 0 : i32
      %dma_wait3A_246 = arith.constant 0 : i32
      %dma_wait3A_247 = arith.constant 1 : i32
      %dma_wait3A_248 = arith.constant 0 : i32
      %dma_wait3A_249 = arith.constant 1 : i32
      %dma_wait3A_250 = arith.constant 0 : i32
      %dma_wait3A_251 = arith.constant 0 : i32
      %dma_wait3A_252 = tpu.memref_slice %arg6[%dma_wait3A_247, %dma_wait3A_248, %dma_wait3A_250, %dma_wait3A_251] : memref<2x2x128x64xf32, #tpu.memory_space<vmem>> -> memref<1x1x128x64xf32, #tpu.memory_space<vmem>>
      %dma_wait3A_253 = tpu.memref_squeeze %dma_wait3A_252 : memref<1x1x128x64xf32, #tpu.memory_space<vmem>> -> memref<128x64xf32, #tpu.memory_space<vmem>>
      %dma_wait3A_254 = arith.constant 0 : i32
      %dma_wait3A_255 = tpu.memref_slice %arg5[%dma_wait3A_245, %dma_wait3A_246, %dma_wait3A_254] : memref<25x8x128xi32, #tpu.memory_space<vmem>> -> memref<1x1x128xi32, #tpu.memory_space<vmem>>
      %dma_wait3A_256 = tpu.memref_squeeze %dma_wait3A_255 : memref<1x1x128xi32, #tpu.memory_space<vmem>> -> memref<128xi32, #tpu.memory_space<vmem>>
      %dma_wait3A_257 = arith.constant 0 : i32
      %dma_wait3A_258 = arith.constant 0 : i32
      %dma_wait3A_259 = tpu.memref_slice %arg3[%dma_wait3A_257, %dma_wait3A_258] : memref<1000000x64xf32, #tpu.memory_space<hbm>> -> memref<1000000x64xf32, #tpu.memory_space<hbm>>
      %dma_wait3A_260 = tpu.memref_slice %arg8[%dma_wait3A_249] : memref<2x!tpu.dma_semaphore, #tpu.memory_space<semaphore_mem>> -> memref<1x!tpu.dma_semaphore, #tpu.memory_space<semaphore_mem>>
      %dma_wait3A_261 = tpu.memref_squeeze %dma_wait3A_260 : memref<1x!tpu.dma_semaphore, #tpu.memory_space<semaphore_mem>> -> memref<!tpu.dma_semaphore, #tpu.memory_space<semaphore_mem>>
      tpu.wait_indirect_dma semaphore(%dma_wait3A_261 : memref<!tpu.dma_semaphore, #tpu.memory_space<semaphore_mem>>) src(%dma_wait3A_259 : memref<1000000x64xf32, #tpu.memory_space<hbm>>) dst(%dma_wait3A_253 : memref<128x64xf32, #tpu.memory_space<vmem>>)
      %dma_wait3A_262 = arith.constant 0 : i32
      %dma_wait3A_263 = arith.constant 0 : i32
      %dma_wait3A_264 = arith.constant 1 : i32
      %dma_wait3A_265 = arith.constant 1 : i32
      %dma_wait3A_266 = arith.constant 1 : i32
      %dma_wait3A_267 = arith.constant 0 : i32
      %dma_wait3A_268 = arith.constant 0 : i32
      %dma_wait3A_269 = tpu.memref_slice %arg6[%dma_wait3A_264, %dma_wait3A_265, %dma_wait3A_267, %dma_wait3A_268] : memref<2x2x128x64xf32, #tpu.memory_space<vmem>> -> memref<1x1x128x64xf32, #tpu.memory_space<vmem>>
      %dma_wait3A_270 = tpu.memref_squeeze %dma_wait3A_269 : memref<1x1x128x64xf32, #tpu.memory_space<vmem>> -> memref<128x64xf32, #tpu.memory_space<vmem>>
      %dma_wait3A_271 = arith.constant 0 : i32
      %dma_wait3A_272 = tpu.memref_slice %arg5[%dma_wait3A_262, %dma_wait3A_263, %dma_wait3A_271] : memref<25x8x128xi32, #tpu.memory_space<vmem>> -> memref<1x1x128xi32, #tpu.memory_space<vmem>>
      %dma_wait3A_273 = tpu.memref_squeeze %dma_wait3A_272 : memref<1x1x128xi32, #tpu.memory_space<vmem>> -> memref<128xi32, #tpu.memory_space<vmem>>
      %dma_wait3A_274 = arith.constant 0 : i32
      %dma_wait3A_275 = arith.constant 0 : i32
      %dma_wait3A_276 = tpu.memref_slice %arg3[%dma_wait3A_274, %dma_wait3A_275] : memref<1000000x64xf32, #tpu.memory_space<hbm>> -> memref<1000000x64xf32, #tpu.memory_space<hbm>>
      %dma_wait3A_277 = tpu.memref_slice %arg8[%dma_wait3A_266] : memref<2x!tpu.dma_semaphore, #tpu.memory_space<semaphore_mem>> -> memref<1x!tpu.dma_semaphore, #tpu.memory_space<semaphore_mem>>
      %dma_wait3A_278 = tpu.memref_squeeze %dma_wait3A_277 : memref<1x!tpu.dma_semaphore, #tpu.memory_space<semaphore_mem>> -> memref<!tpu.dma_semaphore, #tpu.memory_space<semaphore_mem>>
      tpu.wait_indirect_dma semaphore(%dma_wait3A_278 : memref<!tpu.dma_semaphore, #tpu.memory_space<semaphore_mem>>) src(%dma_wait3A_276 : memref<1000000x64xf32, #tpu.memory_space<hbm>>) dst(%dma_wait3A_270 : memref<128x64xf32, #tpu.memory_space<vmem>>)
      %broadcast_in_dim3A_279 = arith.constant 1 : i32
      %broadcast_in_dim3A_280 = vector.broadcast %broadcast_in_dim3A_279 : i32 to vector<16xi32>
      %parallel_loop3A_281 = arith.constant 0 : i32
      %parallel_loop3A_282 = arith.constant 1024 : i32
      %parallel_loop3A_283 = arith.constant 1 : i32
      scf.for %parallel_loop3A_370 = %parallel_loop3A_281 to %parallel_loop3A_282 step %parallel_loop3A_283  : i32 {
        %parallel_loop3A_371 = arith.constant 9 : i32
        %parallel_loop3A_372 = arith.shrsi %parallel_loop3A_370, %parallel_loop3A_371 : i32
        %parallel_loop3A_373 = arith.constant 5 : i32
        %parallel_loop3A_374 = arith.shrsi %parallel_loop3A_370, %parallel_loop3A_373 : i32
        %parallel_loop3A_375 = arith.constant 15 : i32
        %parallel_loop3A_376 = arith.andi %parallel_loop3A_374, %parallel_loop3A_375 : i32
        %parallel_loop3A_377 = arith.constant 3 : i32
        %parallel_loop3A_378 = arith.shrsi %parallel_loop3A_370, %parallel_loop3A_377 : i32
        %parallel_loop3A_379 = arith.constant 3 : i32
        %parallel_loop3A_380 = arith.andi %parallel_loop3A_378, %parallel_loop3A_379 : i32
        %parallel_loop3A_381 = arith.constant 16 : i32
        %parallel_loop3A_382 = arith.muli %parallel_loop3A_380, %parallel_loop3A_381 : i32
        %parallel_loop3A_383 = arith.constant 7 : i32
        %parallel_loop3A_384 = arith.andi %parallel_loop3A_370, %parallel_loop3A_383 : i32
        %parallel_loop3A_385 = arith.constant 16 : i32
        %parallel_loop3A_386 = arith.muli %parallel_loop3A_384, %parallel_loop3A_385 : i32
        %parallel_loop3A_387 = vector.broadcast %parallel_loop3A_376 : i32 to vector<16xi32>
        %parallel_loop3A_388 = arith.addi %iota3A, %parallel_loop3A_387 : vector<16xi32>
        %parallel_loop3A_389 = arith.constant 15 : i32
        %parallel_loop3A_390 = vector.broadcast %parallel_loop3A_389 : i32 to vector<16xi32>
        %parallel_loop3A_391 = arith.andi %parallel_loop3A_388, %parallel_loop3A_390 : vector<16xi32>
        %parallel_loop3A_392 = vector.broadcast %parallel_loop3A_382 : i32 to vector<16xi32>
        %parallel_loop3A_393 = arith.addi %parallel_loop3A_392, %iota3A : vector<16xi32>
        %parallel_loop3A_394 = vector.broadcast %parallel_loop3A_386 : i32 to vector<16xi32>
        %parallel_loop3A_395 = arith.addi %parallel_loop3A_394, %parallel_loop3A_391 : vector<16xi32>
        %parallel_loop3A_396 = vector.broadcast %parallel_loop3A_372 : i32 to vector<16xi32>
        %parallel_loop3A_397 = arith.addi %broadcast_in_dim3A_3, %parallel_loop3A_396 : vector<16xi32>
        %parallel_loop3A_398 = tpu.vector_load_idx %arg6[%broadcast_in_dim3A_280, %parallel_loop3A_397, %parallel_loop3A_395, %parallel_loop3A_393] : memref<2x2x128x64xf32, #tpu.memory_space<vmem>>[vector<16xi32>, vector<16xi32>, vector<16xi32>, vector<16xi32>], vector<16xf32>,
        %parallel_loop3A_399 = arith.constant 3 : i32
        %parallel_loop3A_400 = vector.broadcast %parallel_loop3A_399 : i32 to vector<16xi32>
        %parallel_loop3A_401 = arith.shrsi %parallel_loop3A_393, %parallel_loop3A_400 : vector<16xi32>
        %parallel_loop3A_402 = arith.constant 7 : i32
        %parallel_loop3A_403 = vector.broadcast %parallel_loop3A_402 : i32 to vector<16xi32>
        %parallel_loop3A_404 = arith.andi %parallel_loop3A_393, %parallel_loop3A_403 : vector<16xi32>
        tpu.vector_store_idx %arg7[%broadcast_in_dim3A_280, %parallel_loop3A_397, %parallel_loop3A_401, %broadcast_in_dim3A_3, %parallel_loop3A_404, %parallel_loop3A_395], %parallel_loop3A_398 : memref<2x2x8x1x8x128xf32, #tpu.memory_space<vmem>>[vector<16xi32>, vector<16xi32>, vector<16xi32>, vector<16xi32>, vector<16xi32>, vector<16xi32>], vector<16xf32>,
      } {sc.loop_unroll_factor = 16 : i64, sc.parallel_access}
      %jit3A_284 = arith.constant 4 : i32
      %div3A_285 = arith.divsi %add3A_237, %jit3A_284 : i32
      %sign3A_286 = arith.constant 0 : i32
      %sign3A_287 = arith.cmpi sgt, %add3A_237, %sign3A_286 : i32
      %sign3A_288 = arith.extui %sign3A_287 : i1 to i32
      %sign3A_289 = arith.constant 0 : i32
      %sign3A_290 = arith.cmpi slt, %add3A_237, %sign3A_289 : i32
      %sign3A_291 = arith.extui %sign3A_290 : i1 to i32
      %sign3A_292 = arith.subi %sign3A_288, %sign3A_291 : i32
      %sign3A_293 = arith.constant 0 : i32
      %sign3A_294 = arith.cmpi sgt, %jit3A_284, %sign3A_293 : i32
      %sign3A_295 = arith.extui %sign3A_294 : i1 to i32
      %sign3A_296 = arith.constant 0 : i32
      %sign3A_297 = arith.cmpi slt, %jit3A_284, %sign3A_296 : i32
      %sign3A_298 = arith.extui %sign3A_297 : i1 to i32
      %sign3A_299 = arith.subi %sign3A_295, %sign3A_298 : i32
      %ne3A_300 = arith.cmpi ne, %sign3A_292, %sign3A_299 : i32
      %rem3A_301 = arith.remsi %add3A_237, %jit3A_284 : i32
      %ne3A_302 = arith.constant 0 : i32
      %ne3A_303 = arith.cmpi ne, %rem3A_301, %ne3A_302 : i32
      %and3A_304 = arith.andi %ne3A_300, %ne3A_303 : i1
      %sub3A_305 = arith.constant 1 : i32
      %sub3A_306 = arith.subi %div3A_285, %sub3A_305 : i32
      %select_n3A_307 = arith.select %and3A_304, %sub3A_306, %div3A_285 : i32
      %rem3A_308 = arith.constant 4 : i32
      %rem3A_309 = arith.remsi %add3A_237, %rem3A_308 : i32
      %mul3A_310 = arith.constant 25 : i32
      %mul3A_311 = arith.muli %add3A, %mul3A_310 : i32
      %add3A_312 = arith.addi %mul3A_311, %select_n3A_307 : i32
      %jit3A_313 = arith.constant 32 : i32
      %div3A_314 = arith.divsi %add3A_312, %jit3A_313 : i32
      %sign3A_315 = arith.constant 0 : i32
      %sign3A_316 = arith.cmpi sgt, %add3A_312, %sign3A_315 : i32
      %sign3A_317 = arith.extui %sign3A_316 : i1 to i32
      %sign3A_318 = arith.constant 0 : i32
      %sign3A_319 = arith.cmpi slt, %add3A_312, %sign3A_318 : i32
      %sign3A_320 = arith.extui %sign3A_319 : i1 to i32
      %sign3A_321 = arith.subi %sign3A_317, %sign3A_320 : i32
      %sign3A_322 = arith.constant 0 : i32
      %sign3A_323 = arith.cmpi sgt, %jit3A_313, %sign3A_322 : i32
      %sign3A_324 = arith.extui %sign3A_323 : i1 to i32
      %sign3A_325 = arith.constant 0 : i32
      %sign3A_326 = arith.cmpi slt, %jit3A_313, %sign3A_325 : i32
      %sign3A_327 = arith.extui %sign3A_326 : i1 to i32
      %sign3A_328 = arith.subi %sign3A_324, %sign3A_327 : i32
      %ne3A_329 = arith.cmpi ne, %sign3A_321, %sign3A_328 : i32
      %rem3A_330 = arith.remsi %add3A_312, %jit3A_313 : i32
      %ne3A_331 = arith.constant 0 : i32
      %ne3A_332 = arith.cmpi ne, %rem3A_330, %ne3A_331 : i32
      %and3A_333 = arith.andi %ne3A_329, %ne3A_332 : i1
      %sub3A_334 = arith.constant 1 : i32
      %sub3A_335 = arith.subi %div3A_314, %sub3A_334 : i32
      %select_n3A_336 = arith.select %and3A_333, %sub3A_335, %div3A_314 : i32
      %rem3A_337 = arith.constant 32 : i32
      %rem3A_338 = arith.remsi %add3A_312, %rem3A_337 : i32
      %mul3A_339 = arith.constant 8 : i32
      %mul3A_340 = arith.muli %mul3A_339, %select_n3A_336 : i32
      %mul3A_341 = arith.constant 2 : i32
      %mul3A_342 = arith.muli %mul3A_341, %rem3A_309 : i32
      %add3A_343 = arith.addi %mul3A_340, %mul3A_342 : i32
      %dma_start3A_344 = arith.constant 1 : i32
      %dma_start3A_345 = arith.constant 1 : i32
      %dma_start3A_346 = arith.constant 0 : i32
      %dma_start3A_347 = arith.constant 0 : i32
      %dma_start3A_348 = arith.constant 0 : i32
      %dma_start3A_349 = arith.constant 0 : i32
      %dma_start3A_350 = arith.constant 0 : i32
      %dma_start3A_351 = tpu.memref_slice %arg7[%dma_start3A_344, %dma_start3A_346, %dma_start3A_347, %dma_start3A_348, %dma_start3A_349, %dma_start3A_350] : memref<2x2x8x1x8x128xf32, #tpu.memory_space<vmem>> -> memref<1x2x8x1x8x128xf32, #tpu.memory_space<vmem>>
      %dma_start3A_352 = tpu.memref_squeeze %dma_start3A_351 : memref<1x2x8x1x8x128xf32, #tpu.memory_space<vmem>> -> memref<2x8x1x8x128xf32, #tpu.memory_space<vmem>>
      %dma_start3A_353 = arith.constant 0 : i32
      %dma_start3A_354 = arith.constant 0 : i32
      %dma_start3A_355 = arith.constant 0 : i32
      %dma_start3A_356 = tpu.memref_slice %arg4[%add3A_343, %dma_start3A_353, %rem3A_338, %dma_start3A_354, %dma_start3A_355] : memref<200x8x32x8x128xf32, #tpu.memory_space<hbm>> -> memref<2x8x1x8x128xf32, #tpu.memory_space<hbm>>
      %dma_start3A_357 = tpu.memref_slice %arg9[%dma_start3A_345] : memref<2x!tpu.dma_semaphore, #tpu.memory_space<semaphore_mem>> -> memref<1x!tpu.dma_semaphore, #tpu.memory_space<semaphore_mem>>
      %dma_start3A_358 = tpu.memref_squeeze %dma_start3A_357 : memref<1x!tpu.dma_semaphore, #tpu.memory_space<semaphore_mem>> -> memref<!tpu.dma_semaphore, #tpu.memory_space<semaphore_mem>>
      %dma_start3A_359 = arith.constant 0 : i32
      %dma_start3A_360 = arith.constant 0 : i32
      %dma_start3A_361 = arith.constant 0 : i32
      %dma_start3A_362 = tpu.memref_slice %arg4[%add3A_343, %dma_start3A_359, %rem3A_338, %dma_start3A_360, %dma_start3A_361] : memref<200x8x32x8x128xf32, #tpu.memory_space<hbm>> -> memref<2x8x1x8x128xf32, #tpu.memory_space<hbm>>
      %dma_start3A_363 = arith.constant 0 : i32
      %dma_start3A_364 = arith.constant 0 : i32
      %dma_start3A_365 = arith.constant 0 : i32
      %dma_start3A_366 = arith.constant 0 : i32
      %dma_start3A_367 = arith.constant 0 : i32
      %dma_start3A_368 = tpu.memref_slice %arg7[%dma_start3A_344, %dma_start3A_363, %dma_start3A_364, %dma_start3A_365, %dma_start3A_366, %dma_start3A_367] : memref<2x2x8x1x8x128xf32, #tpu.memory_space<vmem>> -> memref<1x2x8x1x8x128xf32, #tpu.memory_space<vmem>>
      %dma_start3A_369 = tpu.memref_squeeze %dma_start3A_368 : memref<1x2x8x1x8x128xf32, #tpu.memory_space<vmem>> -> memref<2x8x1x8x128xf32, #tpu.memory_space<vmem>>
      tpu.enqueue_dma source(%dma_start3A_369 : memref<2x8x1x8x128xf32, #tpu.memory_space<vmem>>) target(%dma_start3A_362 : memref<2x8x1x8x128xf32, #tpu.memory_space<hbm>>) target_semaphore(%dma_start3A_358 : memref<!tpu.dma_semaphore, #tpu.memory_space<semaphore_mem>>)
    }
    %scan3A_48 = arith.constant 50 : i32
    %dma_wait3A = arith.constant 0 : i32
    %dma_wait3A_49 = arith.constant 0 : i32
    %dma_wait3A_50 = arith.constant 0 : i32
    %dma_wait3A_51 = arith.constant 0 : i32
    %dma_wait3A_52 = arith.constant 0 : i32
    %dma_wait3A_53 = arith.constant 0 : i32
    %dma_wait3A_54 = arith.constant 0 : i32
    %dma_wait3A_55 = tpu.memref_slice %arg7[%dma_wait3A, %dma_wait3A_50, %dma_wait3A_51, %dma_wait3A_52, %dma_wait3A_53, %dma_wait3A_54] : memref<2x2x8x1x8x128xf32, #tpu.memory_space<vmem>> -> memref<1x2x8x1x8x128xf32, #tpu.memory_space<vmem>>
    %dma_wait3A_56 = tpu.memref_squeeze %dma_wait3A_55 : memref<1x2x8x1x8x128xf32, #tpu.memory_space<vmem>> -> memref<2x8x1x8x128xf32, #tpu.memory_space<vmem>>
    %dma_wait3A_57 = arith.constant 0 : i32
    %dma_wait3A_58 = arith.constant 0 : i32
    %dma_wait3A_59 = arith.constant 0 : i32
    %dma_wait3A_60 = arith.constant 0 : i32
    %dma_wait3A_61 = arith.constant 0 : i32
    %dma_wait3A_62 = tpu.memref_slice %arg4[%dma_wait3A_57, %dma_wait3A_58, %dma_wait3A_59, %dma_wait3A_60, %dma_wait3A_61] : memref<200x8x32x8x128xf32, #tpu.memory_space<hbm>> -> memref<2x8x1x8x128xf32, #tpu.memory_space<hbm>>
    %dma_wait3A_63 = tpu.memref_slice %arg9[%dma_wait3A_49] : memref<2x!tpu.dma_semaphore, #tpu.memory_space<semaphore_mem>> -> memref<1x!tpu.dma_semaphore, #tpu.memory_space<semaphore_mem>>
    %dma_wait3A_64 = tpu.memref_squeeze %dma_wait3A_63 : memref<1x!tpu.dma_semaphore, #tpu.memory_space<semaphore_mem>> -> memref<!tpu.dma_semaphore, #tpu.memory_space<semaphore_mem>>
    %dma_wait3A_65 = arith.constant 0 : i32
    %dma_wait3A_66 = arith.constant 0 : i32
    %dma_wait3A_67 = arith.constant 0 : i32
    %dma_wait3A_68 = arith.constant 0 : i32
    %dma_wait3A_69 = arith.constant 0 : i32
    %dma_wait3A_70 = tpu.memref_slice %arg4[%dma_wait3A_65, %dma_wait3A_66, %dma_wait3A_67, %dma_wait3A_68, %dma_wait3A_69] : memref<200x8x32x8x128xf32, #tpu.memory_space<hbm>> -> memref<2x8x1x8x128xf32, #tpu.memory_space<hbm>>
    %dma_wait3A_71 = arith.constant 0 : i32
    %dma_wait3A_72 = arith.constant 0 : i32
    %dma_wait3A_73 = arith.constant 0 : i32
    %dma_wait3A_74 = arith.constant 0 : i32
    %dma_wait3A_75 = arith.constant 0 : i32
    %dma_wait3A_76 = tpu.memref_slice %arg7[%dma_wait3A, %dma_wait3A_71, %dma_wait3A_72, %dma_wait3A_73, %dma_wait3A_74, %dma_wait3A_75] : memref<2x2x8x1x8x128xf32, #tpu.memory_space<vmem>> -> memref<1x2x8x1x8x128xf32, #tpu.memory_space<vmem>>
    %dma_wait3A_77 = tpu.memref_squeeze %dma_wait3A_76 : memref<1x2x8x1x8x128xf32, #tpu.memory_space<vmem>> -> memref<2x8x1x8x128xf32, #tpu.memory_space<vmem>>
    tpu.wait_dma2 semaphore(%dma_wait3A_64 : memref<!tpu.dma_semaphore, #tpu.memory_space<semaphore_mem>>) src(%dma_wait3A_77 : memref<2x8x1x8x128xf32, #tpu.memory_space<vmem>>) dst(%dma_wait3A_70 : memref<2x8x1x8x128xf32, #tpu.memory_space<hbm>>)
    %dma_wait3A_78 = arith.constant 1 : i32
    %dma_wait3A_79 = arith.constant 1 : i32
    %dma_wait3A_80 = arith.constant 0 : i32
    %dma_wait3A_81 = arith.constant 0 : i32
    %dma_wait3A_82 = arith.constant 0 : i32
    %dma_wait3A_83 = arith.constant 0 : i32
    %dma_wait3A_84 = arith.constant 0 : i32
    %dma_wait3A_85 = tpu.memref_slice %arg7[%dma_wait3A_78, %dma_wait3A_80, %dma_wait3A_81, %dma_wait3A_82, %dma_wait3A_83, %dma_wait3A_84] : memref<2x2x8x1x8x128xf32, #tpu.memory_space<vmem>> -> memref<1x2x8x1x8x128xf32, #tpu.memory_space<vmem>>
    %dma_wait3A_86 = tpu.memref_squeeze %dma_wait3A_85 : memref<1x2x8x1x8x128xf32, #tpu.memory_space<vmem>> -> memref<2x8x1x8x128xf32, #tpu.memory_space<vmem>>
    %dma_wait3A_87 = arith.constant 0 : i32
    %dma_wait3A_88 = arith.constant 0 : i32
    %dma_wait3A_89 = arith.constant 0 : i32
    %dma_wait3A_90 = arith.constant 0 : i32
    %dma_wait3A_91 = arith.constant 0 : i32
    %dma_wait3A_92 = tpu.memref_slice %arg4[%dma_wait3A_87, %dma_wait3A_88, %dma_wait3A_89, %dma_wait3A_90, %dma_wait3A_91] : memref<200x8x32x8x128xf32, #tpu.memory_space<hbm>> -> memref<2x8x1x8x128xf32, #tpu.memory_space<hbm>>
    %dma_wait3A_93 = tpu.memref_slice %arg9[%dma_wait3A_79] : memref<2x!tpu.dma_semaphore, #tpu.memory_space<semaphore_mem>> -> memref<1x!tpu.dma_semaphore, #tpu.memory_space<semaphore_mem>>
    %dma_wait3A_94 = tpu.memref_squeeze %dma_wait3A_93 : memref<1x!tpu.dma_semaphore, #tpu.memory_space<semaphore_mem>> -> memref<!tpu.dma_semaphore, #tpu.memory_space<semaphore_mem>>
    %dma_wait3A_95 = arith.constant 0 : i32
    %dma_wait3A_96 = arith.constant 0 : i32
    %dma_wait3A_97 = arith.constant 0 : i32
    %dma_wait3A_98 = arith.constant 0 : i32
    %dma_wait3A_99 = arith.constant 0 : i32
    %dma_wait3A_100 = tpu.memref_slice %arg4[%dma_wait3A_95, %dma_wait3A_96, %dma_wait3A_97, %dma_wait3A_98, %dma_wait3A_99] : memref<200x8x32x8x128xf32, #tpu.memory_space<hbm>> -> memref<2x8x1x8x128xf32, #tpu.memory_space<hbm>>
    %dma_wait3A_101 = arith.constant 0 : i32
    %dma_wait3A_102 = arith.constant 0 : i32
    %dma_wait3A_103 = arith.constant 0 : i32
    %dma_wait3A_104 = arith.constant 0 : i32
    %dma_wait3A_105 = arith.constant 0 : i32
    %dma_wait3A_106 = tpu.memref_slice %arg7[%dma_wait3A_78, %dma_wait3A_101, %dma_wait3A_102, %dma_wait3A_103, %dma_wait3A_104, %dma_wait3A_105] : memref<2x2x8x1x8x128xf32, #tpu.memory_space<vmem>> -> memref<1x2x8x1x8x128xf32, #tpu.memory_space<vmem>>
    %dma_wait3A_107 = tpu.memref_squeeze %dma_wait3A_106 : memref<1x2x8x1x8x128xf32, #tpu.memory_space<vmem>> -> memref<2x8x1x8x128xf32, #tpu.memory_space<vmem>>
    tpu.wait_dma2 semaphore(%dma_wait3A_94 : memref<!tpu.dma_semaphore, #tpu.memory_space<semaphore_mem>>) src(%dma_wait3A_107 : memref<2x8x1x8x128xf32, #tpu.memory_space<vmem>>) dst(%dma_wait3A_100 : memref<2x8x1x8x128xf32, #tpu.memory_space<hbm>>)
    return
  }
}

#map = affine_map<(d0, d1) -> (0, 0)>
module attributes {stable_mosaic.version = 14 : i64} {
  func.func @_tbody(%arg0: i32, %arg1: i32, %arg2: memref<64x1000000xf32, #tpu.memory_space<hbm>>, %arg3: memref<64x128xf32, #tpu.memory_space<hbm>>, %arg4: memref<500000x128xf32, #tpu.memory_space<hbm>>, %arg5: memref<2x64x128xf32, #tpu.memory_space<vmem>>, %arg6: memref<2x64x128xf32, #tpu.memory_space<vmem>>, %arg7: memref<2x!tpu.dma_semaphore, #tpu.memory_space<semaphore_mem>>, %arg8: memref<2x!tpu.dma_semaphore, #tpu.memory_space<semaphore_mem>>) attributes {dimension_semantics = [#tpu.dimension_semantics<core_parallel>, #tpu.dimension_semantics<subcore_parallel>], iteration_bounds = array<i64: 2, 16>, scalar_prefetch = 0 : i64, scratch_operands = 4 : i64, tpu.core_type = #tpu.core_type<sc_vector_subcore>, window_params = [{transform_indices = #map}, {transform_indices = #map}, {transform_indices = #map}]} {
    %mul3A = arith.constant 2 : i32
    %mul3A_0 = arith.muli %arg1, %mul3A : i32
    %add3A = arith.addi %mul3A_0, %arg0 : i32
    %lt3A = arith.constant 4 : i32
    %lt3A_1 = arith.cmpi slt, %add3A, %lt3A : i32
    %jit3A = arith.constant 1 : i32
    %jit3A_2 = arith.constant 0 : i32
    %select_n3A = arith.select %lt3A_1, %jit3A, %jit3A_2 : i32
    %add3A_3 = arith.constant 244 : i32
    %add3A_4 = arith.addi %add3A_3, %select_n3A : i32
    %mul3A_5 = arith.constant 244 : i32
    %mul3A_6 = arith.muli %add3A, %mul3A_5 : i32
    %min3A = arith.constant 4 : i32
    %min3A_7 = arith.minsi %add3A, %min3A : i32
    %add3A_8 = arith.addi %mul3A_6, %min3A_7 : i32
    %iota3A = tpu.iota {dimensions = array<i32: 0>} : vector<16xi32>
    %eq3A = arith.constant 31 : i32
    %eq3A_9 = arith.cmpi eq, %add3A, %eq3A : i32
    %convert_element_type3A = arith.extui %eq3A_9 : i1 to i32
    %cond3A = arith.constant 0 : i32
    %cond3A_10 = arith.cmpi ne, %convert_element_type3A, %cond3A : i32
    scf.if %cond3A_10 {
      %run_scoped3A = arith.constant 0 : i32
      "tpu.region"() ({
        %run_scoped3A_73 = tpu.sem_alloc : memref<!tpu.dma_semaphore, #tpu.memory_space<semaphore_mem>>
        %dma_start3A_74 = arith.constant 0 : i32
        %dma_start3A_75 = arith.constant 0 : i32
        %dma_start3A_76 = tpu.memref_slice %arg5[%run_scoped3A, %dma_start3A_74, %dma_start3A_75] : memref<2x64x128xf32, #tpu.memory_space<vmem>> -> memref<1x64x128xf32, #tpu.memory_space<vmem>>
        %dma_start3A_77 = tpu.memref_squeeze %dma_start3A_76 : memref<1x64x128xf32, #tpu.memory_space<vmem>> -> memref<64x128xf32, #tpu.memory_space<vmem>>
        %dma_start3A_78 = arith.constant 0 : i32
        %dma_start3A_79 = arith.constant 0 : i32
        %dma_start3A_80 = tpu.memref_slice %arg3[%dma_start3A_78, %dma_start3A_79] : memref<64x128xf32, #tpu.memory_space<hbm>> -> memref<64x128xf32, #tpu.memory_space<hbm>>
        %dma_start3A_81 = arith.constant 0 : i32
        %dma_start3A_82 = arith.constant 0 : i32
        %dma_start3A_83 = tpu.memref_slice %arg5[%run_scoped3A, %dma_start3A_81, %dma_start3A_82] : memref<2x64x128xf32, #tpu.memory_space<vmem>> -> memref<1x64x128xf32, #tpu.memory_space<vmem>>
        %dma_start3A_84 = tpu.memref_squeeze %dma_start3A_83 : memref<1x64x128xf32, #tpu.memory_space<vmem>> -> memref<64x128xf32, #tpu.memory_space<vmem>>
        %dma_start3A_85 = arith.constant 0 : i32
        %dma_start3A_86 = arith.constant 0 : i32
        %dma_start3A_87 = tpu.memref_slice %arg3[%dma_start3A_85, %dma_start3A_86] : memref<64x128xf32, #tpu.memory_space<hbm>> -> memref<64x128xf32, #tpu.memory_space<hbm>>
        tpu.enqueue_dma source(%dma_start3A_87 : memref<64x128xf32, #tpu.memory_space<hbm>>) target(%dma_start3A_84 : memref<64x128xf32, #tpu.memory_space<vmem>>) target_semaphore(%run_scoped3A_73 : memref<!tpu.dma_semaphore, #tpu.memory_space<semaphore_mem>>)
        %dma_wait3A_88 = arith.constant 0 : i32
        %dma_wait3A_89 = arith.constant 0 : i32
        %dma_wait3A_90 = tpu.memref_slice %arg5[%run_scoped3A, %dma_wait3A_88, %dma_wait3A_89] : memref<2x64x128xf32, #tpu.memory_space<vmem>> -> memref<1x64x128xf32, #tpu.memory_space<vmem>>
        %dma_wait3A_91 = tpu.memref_squeeze %dma_wait3A_90 : memref<1x64x128xf32, #tpu.memory_space<vmem>> -> memref<64x128xf32, #tpu.memory_space<vmem>>
        %dma_wait3A_92 = arith.constant 0 : i32
        %dma_wait3A_93 = arith.constant 0 : i32
        %dma_wait3A_94 = tpu.memref_slice %arg3[%dma_wait3A_92, %dma_wait3A_93] : memref<64x128xf32, #tpu.memory_space<hbm>> -> memref<64x128xf32, #tpu.memory_space<hbm>>
        %dma_wait3A_95 = arith.constant 0 : i32
        %dma_wait3A_96 = arith.constant 0 : i32
        %dma_wait3A_97 = tpu.memref_slice %arg5[%run_scoped3A, %dma_wait3A_95, %dma_wait3A_96] : memref<2x64x128xf32, #tpu.memory_space<vmem>> -> memref<1x64x128xf32, #tpu.memory_space<vmem>>
        %dma_wait3A_98 = tpu.memref_squeeze %dma_wait3A_97 : memref<1x64x128xf32, #tpu.memory_space<vmem>> -> memref<64x128xf32, #tpu.memory_space<vmem>>
        %dma_wait3A_99 = arith.constant 0 : i32
        %dma_wait3A_100 = arith.constant 0 : i32
        %dma_wait3A_101 = tpu.memref_slice %arg3[%dma_wait3A_99, %dma_wait3A_100] : memref<64x128xf32, #tpu.memory_space<hbm>> -> memref<64x128xf32, #tpu.memory_space<hbm>>
        tpu.wait_dma2 semaphore(%run_scoped3A_73 : memref<!tpu.dma_semaphore, #tpu.memory_space<semaphore_mem>>) src(%dma_wait3A_101 : memref<64x128xf32, #tpu.memory_space<hbm>>) dst(%dma_wait3A_98 : memref<64x128xf32, #tpu.memory_space<vmem>>)
        tpu.yield
      }) : () -> ()
      %broadcast_in_dim3A = arith.constant 0 : i32
      %broadcast_in_dim3A_69 = vector.broadcast %broadcast_in_dim3A : i32 to vector<16xi32>
      %parallel_loop3A = arith.constant 0 : i32
      %parallel_loop3A_70 = arith.constant 256 : i32
      %parallel_loop3A_71 = arith.constant 1 : i32
      scf.for %parallel_loop3A_73 = %parallel_loop3A to %parallel_loop3A_70 step %parallel_loop3A_71  : i32 {
        %parallel_loop3A_74 = arith.constant 4 : i32
        %parallel_loop3A_75 = arith.shrsi %parallel_loop3A_73, %parallel_loop3A_74 : i32
        %parallel_loop3A_76 = arith.constant 2 : i32
        %parallel_loop3A_77 = arith.shrsi %parallel_loop3A_73, %parallel_loop3A_76 : i32
        %parallel_loop3A_78 = arith.constant 3 : i32
        %parallel_loop3A_79 = arith.andi %parallel_loop3A_77, %parallel_loop3A_78 : i32
        %parallel_loop3A_80 = arith.constant 16 : i32
        %parallel_loop3A_81 = arith.muli %parallel_loop3A_79, %parallel_loop3A_80 : i32
        %parallel_loop3A_82 = arith.constant 3 : i32
        %parallel_loop3A_83 = arith.andi %parallel_loop3A_73, %parallel_loop3A_82 : i32
        %parallel_loop3A_84 = arith.constant 16 : i32
        %parallel_loop3A_85 = arith.muli %parallel_loop3A_83, %parallel_loop3A_84 : i32
        %parallel_loop3A_86 = vector.broadcast %parallel_loop3A_75 : i32 to vector<16xi32>
        %parallel_loop3A_87 = arith.addi %iota3A, %parallel_loop3A_86 : vector<16xi32>
        %parallel_loop3A_88 = arith.constant 15 : i32
        %parallel_loop3A_89 = vector.broadcast %parallel_loop3A_88 : i32 to vector<16xi32>
        %parallel_loop3A_90 = arith.andi %parallel_loop3A_87, %parallel_loop3A_89 : vector<16xi32>
        %parallel_loop3A_91 = vector.broadcast %parallel_loop3A_81 : i32 to vector<16xi32>
        %parallel_loop3A_92 = arith.addi %parallel_loop3A_91, %iota3A : vector<16xi32>
        %parallel_loop3A_93 = arith.constant 1 : i32
        %parallel_loop3A_94 = arith.shrsi %parallel_loop3A_85, %parallel_loop3A_93 : i32
        %parallel_loop3A_95 = arith.constant 1 : i32
        %parallel_loop3A_96 = vector.broadcast %parallel_loop3A_95 : i32 to vector<16xi32>
        %parallel_loop3A_97 = arith.shrsi %parallel_loop3A_90, %parallel_loop3A_96 : vector<16xi32>
        %parallel_loop3A_98 = vector.broadcast %parallel_loop3A_94 : i32 to vector<16xi32>
        %parallel_loop3A_99 = arith.addi %parallel_loop3A_98, %parallel_loop3A_97 : vector<16xi32>
        %parallel_loop3A_100 = arith.constant 1 : i32
        %parallel_loop3A_101 = vector.broadcast %parallel_loop3A_100 : i32 to vector<16xi32>
        %parallel_loop3A_102 = arith.andi %parallel_loop3A_90, %parallel_loop3A_101 : vector<16xi32>
        %parallel_loop3A_103 = arith.constant 64 : i32
        %parallel_loop3A_104 = vector.broadcast %parallel_loop3A_103 : i32 to vector<16xi32>
        %parallel_loop3A_105 = arith.muli %parallel_loop3A_102, %parallel_loop3A_104 : vector<16xi32>
        %parallel_loop3A_106 = arith.addi %parallel_loop3A_105, %parallel_loop3A_92 : vector<16xi32>
        %parallel_loop3A_107 = vector.broadcast %parallel_loop3A_85 : i32 to vector<16xi32>
        %parallel_loop3A_108 = arith.addi %parallel_loop3A_107, %parallel_loop3A_90 : vector<16xi32>
        %parallel_loop3A_109 = tpu.vector_load_idx %arg5[%broadcast_in_dim3A_69, %parallel_loop3A_92, %parallel_loop3A_108] : memref<2x64x128xf32, #tpu.memory_space<vmem>>[vector<16xi32>, vector<16xi32>, vector<16xi32>], vector<16xf32>,
        %parallel_loop3A_110 = arith.constant 8.000000e+00 : f32
        %parallel_loop3A_111 = vector.broadcast %parallel_loop3A_110 : f32 to vector<16xf32>
        %parallel_loop3A_112 = arith.mulf %parallel_loop3A_109, %parallel_loop3A_111 : vector<16xf32>
        tpu.vector_store_idx %arg6[%broadcast_in_dim3A_69, %parallel_loop3A_99, %parallel_loop3A_106], %parallel_loop3A_112 : memref<2x64x128xf32, #tpu.memory_space<vmem>>[vector<16xi32>, vector<16xi32>, vector<16xi32>], vector<16xf32>,
      } {sc.loop_unroll_factor = 16 : i64, sc.parallel_access}
      %run_scoped3A_72 = arith.constant 0 : i32
      "tpu.region"() ({
        %run_scoped3A_73 = tpu.sem_alloc : memref<!tpu.dma_semaphore, #tpu.memory_space<semaphore_mem>>
        %dma_start3A_74 = arith.constant 0 : i32
        %dma_start3A_75 = arith.constant 0 : i32
        %dma_start3A_76 = tpu.memref_slice %arg6[%run_scoped3A_72, %dma_start3A_74, %dma_start3A_75] : memref<2x64x128xf32, #tpu.memory_space<vmem>> -> memref<1x32x128xf32, #tpu.memory_space<vmem>>
        %dma_start3A_77 = tpu.memref_squeeze %dma_start3A_76 : memref<1x32x128xf32, #tpu.memory_space<vmem>> -> memref<32x128xf32, #tpu.memory_space<vmem>>
        %dma_start3A_78 = arith.constant 499968 : i32
        %dma_start3A_79 = arith.constant 0 : i32
        %dma_start3A_80 = tpu.memref_slice %arg4[%dma_start3A_78, %dma_start3A_79] : memref<500000x128xf32, #tpu.memory_space<hbm>> -> memref<32x128xf32, #tpu.memory_space<hbm>>
        %dma_start3A_81 = arith.constant 499968 : i32
        %dma_start3A_82 = arith.constant 0 : i32
        %dma_start3A_83 = tpu.memref_slice %arg4[%dma_start3A_81, %dma_start3A_82] : memref<500000x128xf32, #tpu.memory_space<hbm>> -> memref<32x128xf32, #tpu.memory_space<hbm>>
        %dma_start3A_84 = arith.constant 0 : i32
        %dma_start3A_85 = arith.constant 0 : i32
        %dma_start3A_86 = tpu.memref_slice %arg6[%run_scoped3A_72, %dma_start3A_84, %dma_start3A_85] : memref<2x64x128xf32, #tpu.memory_space<vmem>> -> memref<1x32x128xf32, #tpu.memory_space<vmem>>
        %dma_start3A_87 = tpu.memref_squeeze %dma_start3A_86 : memref<1x32x128xf32, #tpu.memory_space<vmem>> -> memref<32x128xf32, #tpu.memory_space<vmem>>
        tpu.enqueue_dma source(%dma_start3A_87 : memref<32x128xf32, #tpu.memory_space<vmem>>) target(%dma_start3A_83 : memref<32x128xf32, #tpu.memory_space<hbm>>) target_semaphore(%run_scoped3A_73 : memref<!tpu.dma_semaphore, #tpu.memory_space<semaphore_mem>>)
        %dma_wait3A_88 = arith.constant 0 : i32
        %dma_wait3A_89 = arith.constant 0 : i32
        %dma_wait3A_90 = tpu.memref_slice %arg6[%run_scoped3A_72, %dma_wait3A_88, %dma_wait3A_89] : memref<2x64x128xf32, #tpu.memory_space<vmem>> -> memref<1x32x128xf32, #tpu.memory_space<vmem>>
        %dma_wait3A_91 = tpu.memref_squeeze %dma_wait3A_90 : memref<1x32x128xf32, #tpu.memory_space<vmem>> -> memref<32x128xf32, #tpu.memory_space<vmem>>
        %dma_wait3A_92 = arith.constant 499968 : i32
        %dma_wait3A_93 = arith.constant 0 : i32
        %dma_wait3A_94 = tpu.memref_slice %arg4[%dma_wait3A_92, %dma_wait3A_93] : memref<500000x128xf32, #tpu.memory_space<hbm>> -> memref<32x128xf32, #tpu.memory_space<hbm>>
        %dma_wait3A_95 = arith.constant 499968 : i32
        %dma_wait3A_96 = arith.constant 0 : i32
        %dma_wait3A_97 = tpu.memref_slice %arg4[%dma_wait3A_95, %dma_wait3A_96] : memref<500000x128xf32, #tpu.memory_space<hbm>> -> memref<32x128xf32, #tpu.memory_space<hbm>>
        %dma_wait3A_98 = arith.constant 0 : i32
        %dma_wait3A_99 = arith.constant 0 : i32
        %dma_wait3A_100 = tpu.memref_slice %arg6[%run_scoped3A_72, %dma_wait3A_98, %dma_wait3A_99] : memref<2x64x128xf32, #tpu.memory_space<vmem>> -> memref<1x32x128xf32, #tpu.memory_space<vmem>>
        %dma_wait3A_101 = tpu.memref_squeeze %dma_wait3A_100 : memref<1x32x128xf32, #tpu.memory_space<vmem>> -> memref<32x128xf32, #tpu.memory_space<vmem>>
        tpu.wait_dma2 semaphore(%run_scoped3A_73 : memref<!tpu.dma_semaphore, #tpu.memory_space<semaphore_mem>>) src(%dma_wait3A_101 : memref<32x128xf32, #tpu.memory_space<vmem>>) dst(%dma_wait3A_97 : memref<32x128xf32, #tpu.memory_space<hbm>>)
        tpu.yield
      }) : () -> ()
    } else {
    }
    %add3A_11 = arith.constant 0 : i32
    %add3A_12 = arith.addi %add3A_8, %add3A_11 : i32
    %mul3A_13 = arith.constant 128 : i32
    %mul3A_14 = arith.muli %add3A_12, %mul3A_13 : i32
    %dma_start3A = arith.constant 0 : i32
    %dma_start3A_15 = arith.constant 0 : i32
    %dma_start3A_16 = arith.constant 0 : i32
    %dma_start3A_17 = arith.constant 0 : i32
    %dma_start3A_18 = tpu.memref_slice %arg5[%dma_start3A, %dma_start3A_16, %dma_start3A_17] : memref<2x64x128xf32, #tpu.memory_space<vmem>> -> memref<1x64x128xf32, #tpu.memory_space<vmem>>
    %dma_start3A_19 = tpu.memref_squeeze %dma_start3A_18 : memref<1x64x128xf32, #tpu.memory_space<vmem>> -> memref<64x128xf32, #tpu.memory_space<vmem>>
    %dma_start3A_20 = arith.constant 0 : i32
    %dma_start3A_21 = tpu.memref_slice %arg2[%dma_start3A_20, %mul3A_14] : memref<64x1000000xf32, #tpu.memory_space<hbm>> -> memref<64x128xf32, #tpu.memory_space<hbm>>
    %dma_start3A_22 = tpu.memref_slice %arg7[%dma_start3A_15] : memref<2x!tpu.dma_semaphore, #tpu.memory_space<semaphore_mem>> -> memref<1x!tpu.dma_semaphore, #tpu.memory_space<semaphore_mem>>
    %dma_start3A_23 = tpu.memref_squeeze %dma_start3A_22 : memref<1x!tpu.dma_semaphore, #tpu.memory_space<semaphore_mem>> -> memref<!tpu.dma_semaphore, #tpu.memory_space<semaphore_mem>>
    %dma_start3A_24 = arith.constant 0 : i32
    %dma_start3A_25 = arith.constant 0 : i32
    %dma_start3A_26 = tpu.memref_slice %arg5[%dma_start3A, %dma_start3A_24, %dma_start3A_25] : memref<2x64x128xf32, #tpu.memory_space<vmem>> -> memref<1x64x128xf32, #tpu.memory_space<vmem>>
    %dma_start3A_27 = tpu.memref_squeeze %dma_start3A_26 : memref<1x64x128xf32, #tpu.memory_space<vmem>> -> memref<64x128xf32, #tpu.memory_space<vmem>>
    %dma_start3A_28 = arith.constant 0 : i32
    %dma_start3A_29 = tpu.memref_slice %arg2[%dma_start3A_28, %mul3A_14] : memref<64x1000000xf32, #tpu.memory_space<hbm>> -> memref<64x128xf32, #tpu.memory_space<hbm>>
    tpu.enqueue_dma source(%dma_start3A_29 : memref<64x128xf32, #tpu.memory_space<hbm>>) target(%dma_start3A_27 : memref<64x128xf32, #tpu.memory_space<vmem>>) target_semaphore(%dma_start3A_23 : memref<!tpu.dma_semaphore, #tpu.memory_space<semaphore_mem>>)
    %scan3A = arith.constant 0 : i32
    %scan3A_30 = arith.constant 123 : i32
    %scan3A_31 = arith.addi %scan3A, %scan3A_30 : i32
    %scan3A_32 = arith.constant 1 : i32
    scf.for %scan3A_69 = %scan3A to %scan3A_31 step %scan3A_32  : i32 {
      %mul3A_70 = arith.constant 2 : i32
      %mul3A_71 = arith.muli %scan3A_69, %mul3A_70 : i32
      %add3A_72 = arith.constant 0 : i32
      %add3A_73 = arith.addi %add3A_72, %mul3A_71 : i32
      %add3A_74 = arith.constant 0 : i32
      %add3A_75 = arith.addi %add3A_73, %add3A_74 : i32
      %lt3A_76 = arith.cmpi slt, %add3A_75, %add3A_4 : i32
      %convert_element_type3A_77 = arith.extui %lt3A_76 : i1 to i32
      %cond3A_78 = arith.constant 0 : i32
      %cond3A_79 = arith.cmpi ne, %convert_element_type3A_77, %cond3A_78 : i32
      scf.if %cond3A_79 {
        %add3A_86 = arith.constant 1 : i32
        %add3A_87 = arith.addi %add3A_75, %add3A_86 : i32
        %lt3A_88 = arith.cmpi slt, %add3A_87, %add3A_4 : i32
        %convert_element_type3A_89 = arith.extui %lt3A_88 : i1 to i32
        %cond3A_90 = arith.constant 0 : i32
        %cond3A_91 = arith.cmpi ne, %convert_element_type3A_89, %cond3A_90 : i32
        scf.if %cond3A_91 {
          %ge3A = arith.constant 1 : i32
          %ge3A_132 = arith.cmpi sge, %add3A_75, %ge3A : i32
          %convert_element_type3A_133 = arith.extui %ge3A_132 : i1 to i32
          %cond3A_134 = arith.constant 0 : i32
          %cond3A_135 = arith.cmpi ne, %convert_element_type3A_133, %cond3A_134 : i32
          scf.if %cond3A_135 {
            %dma_wait3A_157 = arith.constant 1 : i32
            %dma_wait3A_158 = arith.constant 1 : i32
            %dma_wait3A_159 = arith.constant 0 : i32
            %dma_wait3A_160 = arith.constant 0 : i32
            %dma_wait3A_161 = tpu.memref_slice %arg6[%dma_wait3A_157, %dma_wait3A_159, %dma_wait3A_160] : memref<2x64x128xf32, #tpu.memory_space<vmem>> -> memref<1x64x128xf32, #tpu.memory_space<vmem>>
            %dma_wait3A_162 = tpu.memref_squeeze %dma_wait3A_161 : memref<1x64x128xf32, #tpu.memory_space<vmem>> -> memref<64x128xf32, #tpu.memory_space<vmem>>
            %dma_wait3A_163 = arith.constant 0 : i32
            %dma_wait3A_164 = arith.constant 0 : i32
            %dma_wait3A_165 = tpu.memref_slice %arg4[%dma_wait3A_163, %dma_wait3A_164] : memref<500000x128xf32, #tpu.memory_space<hbm>> -> memref<64x128xf32, #tpu.memory_space<hbm>>
            %dma_wait3A_166 = tpu.memref_slice %arg8[%dma_wait3A_158] : memref<2x!tpu.dma_semaphore, #tpu.memory_space<semaphore_mem>> -> memref<1x!tpu.dma_semaphore, #tpu.memory_space<semaphore_mem>>
            %dma_wait3A_167 = tpu.memref_squeeze %dma_wait3A_166 : memref<1x!tpu.dma_semaphore, #tpu.memory_space<semaphore_mem>> -> memref<!tpu.dma_semaphore, #tpu.memory_space<semaphore_mem>>
            %dma_wait3A_168 = arith.constant 0 : i32
            %dma_wait3A_169 = arith.constant 0 : i32
            %dma_wait3A_170 = tpu.memref_slice %arg4[%dma_wait3A_168, %dma_wait3A_169] : memref<500000x128xf32, #tpu.memory_space<hbm>> -> memref<64x128xf32, #tpu.memory_space<hbm>>
            %dma_wait3A_171 = arith.constant 0 : i32
            %dma_wait3A_172 = arith.constant 0 : i32
            %dma_wait3A_173 = tpu.memref_slice %arg6[%dma_wait3A_157, %dma_wait3A_171, %dma_wait3A_172] : memref<2x64x128xf32, #tpu.memory_space<vmem>> -> memref<1x64x128xf32, #tpu.memory_space<vmem>>
            %dma_wait3A_174 = tpu.memref_squeeze %dma_wait3A_173 : memref<1x64x128xf32, #tpu.memory_space<vmem>> -> memref<64x128xf32, #tpu.memory_space<vmem>>
            tpu.wait_dma2 semaphore(%dma_wait3A_167 : memref<!tpu.dma_semaphore, #tpu.memory_space<semaphore_mem>>) src(%dma_wait3A_174 : memref<64x128xf32, #tpu.memory_space<vmem>>) dst(%dma_wait3A_170 : memref<64x128xf32, #tpu.memory_space<hbm>>)
          } else {
          }
          %add3A_136 = arith.constant 1 : i32
          %add3A_137 = arith.addi %add3A_75, %add3A_136 : i32
          %add3A_138 = arith.addi %add3A_8, %add3A_137 : i32
          %mul3A_139 = arith.constant 128 : i32
          %mul3A_140 = arith.muli %add3A_138, %mul3A_139 : i32
          %dma_start3A_141 = arith.constant 1 : i32
          %dma_start3A_142 = arith.constant 1 : i32
          %dma_start3A_143 = arith.constant 0 : i32
          %dma_start3A_144 = arith.constant 0 : i32
          %dma_start3A_145 = tpu.memref_slice %arg5[%dma_start3A_141, %dma_start3A_143, %dma_start3A_144] : memref<2x64x128xf32, #tpu.memory_space<vmem>> -> memref<1x64x128xf32, #tpu.memory_space<vmem>>
          %dma_start3A_146 = tpu.memref_squeeze %dma_start3A_145 : memref<1x64x128xf32, #tpu.memory_space<vmem>> -> memref<64x128xf32, #tpu.memory_space<vmem>>
          %dma_start3A_147 = arith.constant 0 : i32
          %dma_start3A_148 = tpu.memref_slice %arg2[%dma_start3A_147, %mul3A_140] : memref<64x1000000xf32, #tpu.memory_space<hbm>> -> memref<64x128xf32, #tpu.memory_space<hbm>>
          %dma_start3A_149 = tpu.memref_slice %arg7[%dma_start3A_142] : memref<2x!tpu.dma_semaphore, #tpu.memory_space<semaphore_mem>> -> memref<1x!tpu.dma_semaphore, #tpu.memory_space<semaphore_mem>>
          %dma_start3A_150 = tpu.memref_squeeze %dma_start3A_149 : memref<1x!tpu.dma_semaphore, #tpu.memory_space<semaphore_mem>> -> memref<!tpu.dma_semaphore, #tpu.memory_space<semaphore_mem>>
          %dma_start3A_151 = arith.constant 0 : i32
          %dma_start3A_152 = arith.constant 0 : i32
          %dma_start3A_153 = tpu.memref_slice %arg5[%dma_start3A_141, %dma_start3A_151, %dma_start3A_152] : memref<2x64x128xf32, #tpu.memory_space<vmem>> -> memref<1x64x128xf32, #tpu.memory_space<vmem>>
          %dma_start3A_154 = tpu.memref_squeeze %dma_start3A_153 : memref<1x64x128xf32, #tpu.memory_space<vmem>> -> memref<64x128xf32, #tpu.memory_space<vmem>>
          %dma_start3A_155 = arith.constant 0 : i32
          %dma_start3A_156 = tpu.memref_slice %arg2[%dma_start3A_155, %mul3A_140] : memref<64x1000000xf32, #tpu.memory_space<hbm>> -> memref<64x128xf32, #tpu.memory_space<hbm>>
          tpu.enqueue_dma source(%dma_start3A_156 : memref<64x128xf32, #tpu.memory_space<hbm>>) target(%dma_start3A_154 : memref<64x128xf32, #tpu.memory_space<vmem>>) target_semaphore(%dma_start3A_150 : memref<!tpu.dma_semaphore, #tpu.memory_space<semaphore_mem>>)
        } else {
        }
        %dma_wait3A_92 = arith.constant 0 : i32
        %dma_wait3A_93 = arith.constant 0 : i32
        %dma_wait3A_94 = arith.constant 0 : i32
        %dma_wait3A_95 = arith.constant 0 : i32
        %dma_wait3A_96 = tpu.memref_slice %arg5[%dma_wait3A_92, %dma_wait3A_94, %dma_wait3A_95] : memref<2x64x128xf32, #tpu.memory_space<vmem>> -> memref<1x64x128xf32, #tpu.memory_space<vmem>>
        %dma_wait3A_97 = tpu.memref_squeeze %dma_wait3A_96 : memref<1x64x128xf32, #tpu.memory_space<vmem>> -> memref<64x128xf32, #tpu.memory_space<vmem>>
        %dma_wait3A_98 = arith.constant 0 : i32
        %dma_wait3A_99 = arith.constant 0 : i32
        %dma_wait3A_100 = tpu.memref_slice %arg2[%dma_wait3A_98, %dma_wait3A_99] : memref<64x1000000xf32, #tpu.memory_space<hbm>> -> memref<64x128xf32, #tpu.memory_space<hbm>>
        %dma_wait3A_101 = tpu.memref_slice %arg7[%dma_wait3A_93] : memref<2x!tpu.dma_semaphore, #tpu.memory_space<semaphore_mem>> -> memref<1x!tpu.dma_semaphore, #tpu.memory_space<semaphore_mem>>
        %dma_wait3A_102 = tpu.memref_squeeze %dma_wait3A_101 : memref<1x!tpu.dma_semaphore, #tpu.memory_space<semaphore_mem>> -> memref<!tpu.dma_semaphore, #tpu.memory_space<semaphore_mem>>
        %dma_wait3A_103 = arith.constant 0 : i32
        %dma_wait3A_104 = arith.constant 0 : i32
        %dma_wait3A_105 = tpu.memref_slice %arg5[%dma_wait3A_92, %dma_wait3A_103, %dma_wait3A_104] : memref<2x64x128xf32, #tpu.memory_space<vmem>> -> memref<1x64x128xf32, #tpu.memory_space<vmem>>
        %dma_wait3A_106 = tpu.memref_squeeze %dma_wait3A_105 : memref<1x64x128xf32, #tpu.memory_space<vmem>> -> memref<64x128xf32, #tpu.memory_space<vmem>>
        %dma_wait3A_107 = arith.constant 0 : i32
        %dma_wait3A_108 = arith.constant 0 : i32
        %dma_wait3A_109 = tpu.memref_slice %arg2[%dma_wait3A_107, %dma_wait3A_108] : memref<64x1000000xf32, #tpu.memory_space<hbm>> -> memref<64x128xf32, #tpu.memory_space<hbm>>
        tpu.wait_dma2 semaphore(%dma_wait3A_102 : memref<!tpu.dma_semaphore, #tpu.memory_space<semaphore_mem>>) src(%dma_wait3A_109 : memref<64x128xf32, #tpu.memory_space<hbm>>) dst(%dma_wait3A_106 : memref<64x128xf32, #tpu.memory_space<vmem>>)
        %broadcast_in_dim3A = arith.constant 0 : i32
        %broadcast_in_dim3A_110 = vector.broadcast %broadcast_in_dim3A : i32 to vector<16xi32>
        %parallel_loop3A = arith.constant 0 : i32
        %parallel_loop3A_111 = arith.constant 512 : i32
        %parallel_loop3A_112 = arith.constant 1 : i32
        scf.for %parallel_loop3A_132 = %parallel_loop3A to %parallel_loop3A_111 step %parallel_loop3A_112  : i32 {
          %parallel_loop3A_133 = arith.constant 5 : i32
          %parallel_loop3A_134 = arith.shrsi %parallel_loop3A_132, %parallel_loop3A_133 : i32
          %parallel_loop3A_135 = arith.constant 3 : i32
          %parallel_loop3A_136 = arith.shrsi %parallel_loop3A_132, %parallel_loop3A_135 : i32
          %parallel_loop3A_137 = arith.constant 3 : i32
          %parallel_loop3A_138 = arith.andi %parallel_loop3A_136, %parallel_loop3A_137 : i32
          %parallel_loop3A_139 = arith.constant 16 : i32
          %parallel_loop3A_140 = arith.muli %parallel_loop3A_138, %parallel_loop3A_139 : i32
          %parallel_loop3A_141 = arith.constant 7 : i32
          %parallel_loop3A_142 = arith.andi %parallel_loop3A_132, %parallel_loop3A_141 : i32
          %parallel_loop3A_143 = arith.constant 16 : i32
          %parallel_loop3A_144 = arith.muli %parallel_loop3A_142, %parallel_loop3A_143 : i32
          %parallel_loop3A_145 = vector.broadcast %parallel_loop3A_134 : i32 to vector<16xi32>
          %parallel_loop3A_146 = arith.addi %iota3A, %parallel_loop3A_145 : vector<16xi32>
          %parallel_loop3A_147 = arith.constant 15 : i32
          %parallel_loop3A_148 = vector.broadcast %parallel_loop3A_147 : i32 to vector<16xi32>
          %parallel_loop3A_149 = arith.andi %parallel_loop3A_146, %parallel_loop3A_148 : vector<16xi32>
          %parallel_loop3A_150 = vector.broadcast %parallel_loop3A_140 : i32 to vector<16xi32>
          %parallel_loop3A_151 = arith.addi %parallel_loop3A_150, %iota3A : vector<16xi32>
          %parallel_loop3A_152 = arith.constant 1 : i32
          %parallel_loop3A_153 = arith.shrsi %parallel_loop3A_144, %parallel_loop3A_152 : i32
          %parallel_loop3A_154 = arith.constant 1 : i32
          %parallel_loop3A_155 = vector.broadcast %parallel_loop3A_154 : i32 to vector<16xi32>
          %parallel_loop3A_156 = arith.shrsi %parallel_loop3A_149, %parallel_loop3A_155 : vector<16xi32>
          %parallel_loop3A_157 = vector.broadcast %parallel_loop3A_153 : i32 to vector<16xi32>
          %parallel_loop3A_158 = arith.addi %parallel_loop3A_157, %parallel_loop3A_156 : vector<16xi32>
          %parallel_loop3A_159 = arith.constant 1 : i32
          %parallel_loop3A_160 = vector.broadcast %parallel_loop3A_159 : i32 to vector<16xi32>
          %parallel_loop3A_161 = arith.andi %parallel_loop3A_149, %parallel_loop3A_160 : vector<16xi32>
          %parallel_loop3A_162 = arith.constant 64 : i32
          %parallel_loop3A_163 = vector.broadcast %parallel_loop3A_162 : i32 to vector<16xi32>
          %parallel_loop3A_164 = arith.muli %parallel_loop3A_161, %parallel_loop3A_163 : vector<16xi32>
          %parallel_loop3A_165 = arith.addi %parallel_loop3A_164, %parallel_loop3A_151 : vector<16xi32>
          %parallel_loop3A_166 = vector.broadcast %parallel_loop3A_144 : i32 to vector<16xi32>
          %parallel_loop3A_167 = arith.addi %parallel_loop3A_166, %parallel_loop3A_149 : vector<16xi32>
          %parallel_loop3A_168 = tpu.vector_load_idx %arg5[%broadcast_in_dim3A_110, %parallel_loop3A_151, %parallel_loop3A_167] : memref<2x64x128xf32, #tpu.memory_space<vmem>>[vector<16xi32>, vector<16xi32>, vector<16xi32>], vector<16xf32>,
          %parallel_loop3A_169 = arith.constant 8.000000e+00 : f32
          %parallel_loop3A_170 = vector.broadcast %parallel_loop3A_169 : f32 to vector<16xf32>
          %parallel_loop3A_171 = arith.mulf %parallel_loop3A_168, %parallel_loop3A_170 : vector<16xf32>
          tpu.vector_store_idx %arg6[%broadcast_in_dim3A_110, %parallel_loop3A_158, %parallel_loop3A_165], %parallel_loop3A_171 : memref<2x64x128xf32, #tpu.memory_space<vmem>>[vector<16xi32>, vector<16xi32>, vector<16xi32>], vector<16xf32>,
        } {sc.loop_unroll_factor = 16 : i64, sc.parallel_access}
        %add3A_113 = arith.addi %add3A_8, %add3A_75 : i32
        %mul3A_114 = arith.constant 64 : i32
        %mul3A_115 = arith.muli %add3A_113, %mul3A_114 : i32
        %dma_start3A_116 = arith.constant 0 : i32
        %dma_start3A_117 = arith.constant 0 : i32
        %dma_start3A_118 = arith.constant 0 : i32
        %dma_start3A_119 = arith.constant 0 : i32
        %dma_start3A_120 = tpu.memref_slice %arg6[%dma_start3A_116, %dma_start3A_118, %dma_start3A_119] : memref<2x64x128xf32, #tpu.memory_space<vmem>> -> memref<1x64x128xf32, #tpu.memory_space<vmem>>
        %dma_start3A_121 = tpu.memref_squeeze %dma_start3A_120 : memref<1x64x128xf32, #tpu.memory_space<vmem>> -> memref<64x128xf32, #tpu.memory_space<vmem>>
        %dma_start3A_122 = arith.constant 0 : i32
        %dma_start3A_123 = tpu.memref_slice %arg4[%mul3A_115, %dma_start3A_122] : memref<500000x128xf32, #tpu.memory_space<hbm>> -> memref<64x128xf32, #tpu.memory_space<hbm>>
        %dma_start3A_124 = tpu.memref_slice %arg8[%dma_start3A_117] : memref<2x!tpu.dma_semaphore, #tpu.memory_space<semaphore_mem>> -> memref<1x!tpu.dma_semaphore, #tpu.memory_space<semaphore_mem>>
        %dma_start3A_125 = tpu.memref_squeeze %dma_start3A_124 : memref<1x!tpu.dma_semaphore, #tpu.memory_space<semaphore_mem>> -> memref<!tpu.dma_semaphore, #tpu.memory_space<semaphore_mem>>
        %dma_start3A_126 = arith.constant 0 : i32
        %dma_start3A_127 = tpu.memref_slice %arg4[%mul3A_115, %dma_start3A_126] : memref<500000x128xf32, #tpu.memory_space<hbm>> -> memref<64x128xf32, #tpu.memory_space<hbm>>
        %dma_start3A_128 = arith.constant 0 : i32
        %dma_start3A_129 = arith.constant 0 : i32
        %dma_start3A_130 = tpu.memref_slice %arg6[%dma_start3A_116, %dma_start3A_128, %dma_start3A_129] : memref<2x64x128xf32, #tpu.memory_space<vmem>> -> memref<1x64x128xf32, #tpu.memory_space<vmem>>
        %dma_start3A_131 = tpu.memref_squeeze %dma_start3A_130 : memref<1x64x128xf32, #tpu.memory_space<vmem>> -> memref<64x128xf32, #tpu.memory_space<vmem>>
        tpu.enqueue_dma source(%dma_start3A_131 : memref<64x128xf32, #tpu.memory_space<vmem>>) target(%dma_start3A_127 : memref<64x128xf32, #tpu.memory_space<hbm>>) target_semaphore(%dma_start3A_125 : memref<!tpu.dma_semaphore, #tpu.memory_space<semaphore_mem>>)
      } else {
      }
      %add3A_80 = arith.constant 1 : i32
      %add3A_81 = arith.addi %add3A_73, %add3A_80 : i32
      %lt3A_82 = arith.cmpi slt, %add3A_81, %add3A_4 : i32
      %convert_element_type3A_83 = arith.extui %lt3A_82 : i1 to i32
      %cond3A_84 = arith.constant 0 : i32
      %cond3A_85 = arith.cmpi ne, %convert_element_type3A_83, %cond3A_84 : i32
      scf.if %cond3A_85 {
        %add3A_86 = arith.constant 1 : i32
        %add3A_87 = arith.addi %add3A_81, %add3A_86 : i32
        %lt3A_88 = arith.cmpi slt, %add3A_87, %add3A_4 : i32
        %convert_element_type3A_89 = arith.extui %lt3A_88 : i1 to i32
        %cond3A_90 = arith.constant 0 : i32
        %cond3A_91 = arith.cmpi ne, %convert_element_type3A_89, %cond3A_90 : i32
        scf.if %cond3A_91 {
          %ge3A = arith.constant 1 : i32
          %ge3A_132 = arith.cmpi sge, %add3A_81, %ge3A : i32
          %convert_element_type3A_133 = arith.extui %ge3A_132 : i1 to i32
          %cond3A_134 = arith.constant 0 : i32
          %cond3A_135 = arith.cmpi ne, %convert_element_type3A_133, %cond3A_134 : i32
          scf.if %cond3A_135 {
            %dma_wait3A_157 = arith.constant 0 : i32
            %dma_wait3A_158 = arith.constant 0 : i32
            %dma_wait3A_159 = arith.constant 0 : i32
            %dma_wait3A_160 = arith.constant 0 : i32
            %dma_wait3A_161 = tpu.memref_slice %arg6[%dma_wait3A_157, %dma_wait3A_159, %dma_wait3A_160] : memref<2x64x128xf32, #tpu.memory_space<vmem>> -> memref<1x64x128xf32, #tpu.memory_space<vmem>>
            %dma_wait3A_162 = tpu.memref_squeeze %dma_wait3A_161 : memref<1x64x128xf32, #tpu.memory_space<vmem>> -> memref<64x128xf32, #tpu.memory_space<vmem>>
            %dma_wait3A_163 = arith.constant 0 : i32
            %dma_wait3A_164 = arith.constant 0 : i32
            %dma_wait3A_165 = tpu.memref_slice %arg4[%dma_wait3A_163, %dma_wait3A_164] : memref<500000x128xf32, #tpu.memory_space<hbm>> -> memref<64x128xf32, #tpu.memory_space<hbm>>
            %dma_wait3A_166 = tpu.memref_slice %arg8[%dma_wait3A_158] : memref<2x!tpu.dma_semaphore, #tpu.memory_space<semaphore_mem>> -> memref<1x!tpu.dma_semaphore, #tpu.memory_space<semaphore_mem>>
            %dma_wait3A_167 = tpu.memref_squeeze %dma_wait3A_166 : memref<1x!tpu.dma_semaphore, #tpu.memory_space<semaphore_mem>> -> memref<!tpu.dma_semaphore, #tpu.memory_space<semaphore_mem>>
            %dma_wait3A_168 = arith.constant 0 : i32
            %dma_wait3A_169 = arith.constant 0 : i32
            %dma_wait3A_170 = tpu.memref_slice %arg4[%dma_wait3A_168, %dma_wait3A_169] : memref<500000x128xf32, #tpu.memory_space<hbm>> -> memref<64x128xf32, #tpu.memory_space<hbm>>
            %dma_wait3A_171 = arith.constant 0 : i32
            %dma_wait3A_172 = arith.constant 0 : i32
            %dma_wait3A_173 = tpu.memref_slice %arg6[%dma_wait3A_157, %dma_wait3A_171, %dma_wait3A_172] : memref<2x64x128xf32, #tpu.memory_space<vmem>> -> memref<1x64x128xf32, #tpu.memory_space<vmem>>
            %dma_wait3A_174 = tpu.memref_squeeze %dma_wait3A_173 : memref<1x64x128xf32, #tpu.memory_space<vmem>> -> memref<64x128xf32, #tpu.memory_space<vmem>>
            tpu.wait_dma2 semaphore(%dma_wait3A_167 : memref<!tpu.dma_semaphore, #tpu.memory_space<semaphore_mem>>) src(%dma_wait3A_174 : memref<64x128xf32, #tpu.memory_space<vmem>>) dst(%dma_wait3A_170 : memref<64x128xf32, #tpu.memory_space<hbm>>)
          } else {
          }
          %add3A_136 = arith.constant 1 : i32
          %add3A_137 = arith.addi %add3A_81, %add3A_136 : i32
          %add3A_138 = arith.addi %add3A_8, %add3A_137 : i32
          %mul3A_139 = arith.constant 128 : i32
          %mul3A_140 = arith.muli %add3A_138, %mul3A_139 : i32
          %dma_start3A_141 = arith.constant 0 : i32
          %dma_start3A_142 = arith.constant 0 : i32
          %dma_start3A_143 = arith.constant 0 : i32
          %dma_start3A_144 = arith.constant 0 : i32
          %dma_start3A_145 = tpu.memref_slice %arg5[%dma_start3A_141, %dma_start3A_143, %dma_start3A_144] : memref<2x64x128xf32, #tpu.memory_space<vmem>> -> memref<1x64x128xf32, #tpu.memory_space<vmem>>
          %dma_start3A_146 = tpu.memref_squeeze %dma_start3A_145 : memref<1x64x128xf32, #tpu.memory_space<vmem>> -> memref<64x128xf32, #tpu.memory_space<vmem>>
          %dma_start3A_147 = arith.constant 0 : i32
          %dma_start3A_148 = tpu.memref_slice %arg2[%dma_start3A_147, %mul3A_140] : memref<64x1000000xf32, #tpu.memory_space<hbm>> -> memref<64x128xf32, #tpu.memory_space<hbm>>
          %dma_start3A_149 = tpu.memref_slice %arg7[%dma_start3A_142] : memref<2x!tpu.dma_semaphore, #tpu.memory_space<semaphore_mem>> -> memref<1x!tpu.dma_semaphore, #tpu.memory_space<semaphore_mem>>
          %dma_start3A_150 = tpu.memref_squeeze %dma_start3A_149 : memref<1x!tpu.dma_semaphore, #tpu.memory_space<semaphore_mem>> -> memref<!tpu.dma_semaphore, #tpu.memory_space<semaphore_mem>>
          %dma_start3A_151 = arith.constant 0 : i32
          %dma_start3A_152 = arith.constant 0 : i32
          %dma_start3A_153 = tpu.memref_slice %arg5[%dma_start3A_141, %dma_start3A_151, %dma_start3A_152] : memref<2x64x128xf32, #tpu.memory_space<vmem>> -> memref<1x64x128xf32, #tpu.memory_space<vmem>>
          %dma_start3A_154 = tpu.memref_squeeze %dma_start3A_153 : memref<1x64x128xf32, #tpu.memory_space<vmem>> -> memref<64x128xf32, #tpu.memory_space<vmem>>
          %dma_start3A_155 = arith.constant 0 : i32
          %dma_start3A_156 = tpu.memref_slice %arg2[%dma_start3A_155, %mul3A_140] : memref<64x1000000xf32, #tpu.memory_space<hbm>> -> memref<64x128xf32, #tpu.memory_space<hbm>>
          tpu.enqueue_dma source(%dma_start3A_156 : memref<64x128xf32, #tpu.memory_space<hbm>>) target(%dma_start3A_154 : memref<64x128xf32, #tpu.memory_space<vmem>>) target_semaphore(%dma_start3A_150 : memref<!tpu.dma_semaphore, #tpu.memory_space<semaphore_mem>>)
        } else {
        }
        %dma_wait3A_92 = arith.constant 1 : i32
        %dma_wait3A_93 = arith.constant 1 : i32
        %dma_wait3A_94 = arith.constant 0 : i32
        %dma_wait3A_95 = arith.constant 0 : i32
        %dma_wait3A_96 = tpu.memref_slice %arg5[%dma_wait3A_92, %dma_wait3A_94, %dma_wait3A_95] : memref<2x64x128xf32, #tpu.memory_space<vmem>> -> memref<1x64x128xf32, #tpu.memory_space<vmem>>
        %dma_wait3A_97 = tpu.memref_squeeze %dma_wait3A_96 : memref<1x64x128xf32, #tpu.memory_space<vmem>> -> memref<64x128xf32, #tpu.memory_space<vmem>>
        %dma_wait3A_98 = arith.constant 0 : i32
        %dma_wait3A_99 = arith.constant 0 : i32
        %dma_wait3A_100 = tpu.memref_slice %arg2[%dma_wait3A_98, %dma_wait3A_99] : memref<64x1000000xf32, #tpu.memory_space<hbm>> -> memref<64x128xf32, #tpu.memory_space<hbm>>
        %dma_wait3A_101 = tpu.memref_slice %arg7[%dma_wait3A_93] : memref<2x!tpu.dma_semaphore, #tpu.memory_space<semaphore_mem>> -> memref<1x!tpu.dma_semaphore, #tpu.memory_space<semaphore_mem>>
        %dma_wait3A_102 = tpu.memref_squeeze %dma_wait3A_101 : memref<1x!tpu.dma_semaphore, #tpu.memory_space<semaphore_mem>> -> memref<!tpu.dma_semaphore, #tpu.memory_space<semaphore_mem>>
        %dma_wait3A_103 = arith.constant 0 : i32
        %dma_wait3A_104 = arith.constant 0 : i32
        %dma_wait3A_105 = tpu.memref_slice %arg5[%dma_wait3A_92, %dma_wait3A_103, %dma_wait3A_104] : memref<2x64x128xf32, #tpu.memory_space<vmem>> -> memref<1x64x128xf32, #tpu.memory_space<vmem>>
        %dma_wait3A_106 = tpu.memref_squeeze %dma_wait3A_105 : memref<1x64x128xf32, #tpu.memory_space<vmem>> -> memref<64x128xf32, #tpu.memory_space<vmem>>
        %dma_wait3A_107 = arith.constant 0 : i32
        %dma_wait3A_108 = arith.constant 0 : i32
        %dma_wait3A_109 = tpu.memref_slice %arg2[%dma_wait3A_107, %dma_wait3A_108] : memref<64x1000000xf32, #tpu.memory_space<hbm>> -> memref<64x128xf32, #tpu.memory_space<hbm>>
        tpu.wait_dma2 semaphore(%dma_wait3A_102 : memref<!tpu.dma_semaphore, #tpu.memory_space<semaphore_mem>>) src(%dma_wait3A_109 : memref<64x128xf32, #tpu.memory_space<hbm>>) dst(%dma_wait3A_106 : memref<64x128xf32, #tpu.memory_space<vmem>>)
        %broadcast_in_dim3A = arith.constant 1 : i32
        %broadcast_in_dim3A_110 = vector.broadcast %broadcast_in_dim3A : i32 to vector<16xi32>
        %parallel_loop3A = arith.constant 0 : i32
        %parallel_loop3A_111 = arith.constant 512 : i32
        %parallel_loop3A_112 = arith.constant 1 : i32
        scf.for %parallel_loop3A_132 = %parallel_loop3A to %parallel_loop3A_111 step %parallel_loop3A_112  : i32 {
          %parallel_loop3A_133 = arith.constant 5 : i32
          %parallel_loop3A_134 = arith.shrsi %parallel_loop3A_132, %parallel_loop3A_133 : i32
          %parallel_loop3A_135 = arith.constant 3 : i32
          %parallel_loop3A_136 = arith.shrsi %parallel_loop3A_132, %parallel_loop3A_135 : i32
          %parallel_loop3A_137 = arith.constant 3 : i32
          %parallel_loop3A_138 = arith.andi %parallel_loop3A_136, %parallel_loop3A_137 : i32
          %parallel_loop3A_139 = arith.constant 16 : i32
          %parallel_loop3A_140 = arith.muli %parallel_loop3A_138, %parallel_loop3A_139 : i32
          %parallel_loop3A_141 = arith.constant 7 : i32
          %parallel_loop3A_142 = arith.andi %parallel_loop3A_132, %parallel_loop3A_141 : i32
          %parallel_loop3A_143 = arith.constant 16 : i32
          %parallel_loop3A_144 = arith.muli %parallel_loop3A_142, %parallel_loop3A_143 : i32
          %parallel_loop3A_145 = vector.broadcast %parallel_loop3A_134 : i32 to vector<16xi32>
          %parallel_loop3A_146 = arith.addi %iota3A, %parallel_loop3A_145 : vector<16xi32>
          %parallel_loop3A_147 = arith.constant 15 : i32
          %parallel_loop3A_148 = vector.broadcast %parallel_loop3A_147 : i32 to vector<16xi32>
          %parallel_loop3A_149 = arith.andi %parallel_loop3A_146, %parallel_loop3A_148 : vector<16xi32>
          %parallel_loop3A_150 = vector.broadcast %parallel_loop3A_140 : i32 to vector<16xi32>
          %parallel_loop3A_151 = arith.addi %parallel_loop3A_150, %iota3A : vector<16xi32>
          %parallel_loop3A_152 = arith.constant 1 : i32
          %parallel_loop3A_153 = arith.shrsi %parallel_loop3A_144, %parallel_loop3A_152 : i32
          %parallel_loop3A_154 = arith.constant 1 : i32
          %parallel_loop3A_155 = vector.broadcast %parallel_loop3A_154 : i32 to vector<16xi32>
          %parallel_loop3A_156 = arith.shrsi %parallel_loop3A_149, %parallel_loop3A_155 : vector<16xi32>
          %parallel_loop3A_157 = vector.broadcast %parallel_loop3A_153 : i32 to vector<16xi32>
          %parallel_loop3A_158 = arith.addi %parallel_loop3A_157, %parallel_loop3A_156 : vector<16xi32>
          %parallel_loop3A_159 = arith.constant 1 : i32
          %parallel_loop3A_160 = vector.broadcast %parallel_loop3A_159 : i32 to vector<16xi32>
          %parallel_loop3A_161 = arith.andi %parallel_loop3A_149, %parallel_loop3A_160 : vector<16xi32>
          %parallel_loop3A_162 = arith.constant 64 : i32
          %parallel_loop3A_163 = vector.broadcast %parallel_loop3A_162 : i32 to vector<16xi32>
          %parallel_loop3A_164 = arith.muli %parallel_loop3A_161, %parallel_loop3A_163 : vector<16xi32>
          %parallel_loop3A_165 = arith.addi %parallel_loop3A_164, %parallel_loop3A_151 : vector<16xi32>
          %parallel_loop3A_166 = vector.broadcast %parallel_loop3A_144 : i32 to vector<16xi32>
          %parallel_loop3A_167 = arith.addi %parallel_loop3A_166, %parallel_loop3A_149 : vector<16xi32>
          %parallel_loop3A_168 = tpu.vector_load_idx %arg5[%broadcast_in_dim3A_110, %parallel_loop3A_151, %parallel_loop3A_167] : memref<2x64x128xf32, #tpu.memory_space<vmem>>[vector<16xi32>, vector<16xi32>, vector<16xi32>], vector<16xf32>,
          %parallel_loop3A_169 = arith.constant 8.000000e+00 : f32
          %parallel_loop3A_170 = vector.broadcast %parallel_loop3A_169 : f32 to vector<16xf32>
          %parallel_loop3A_171 = arith.mulf %parallel_loop3A_168, %parallel_loop3A_170 : vector<16xf32>
          tpu.vector_store_idx %arg6[%broadcast_in_dim3A_110, %parallel_loop3A_158, %parallel_loop3A_165], %parallel_loop3A_171 : memref<2x64x128xf32, #tpu.memory_space<vmem>>[vector<16xi32>, vector<16xi32>, vector<16xi32>], vector<16xf32>,
        } {sc.loop_unroll_factor = 16 : i64, sc.parallel_access}
        %add3A_113 = arith.addi %add3A_8, %add3A_81 : i32
        %mul3A_114 = arith.constant 64 : i32
        %mul3A_115 = arith.muli %add3A_113, %mul3A_114 : i32
        %dma_start3A_116 = arith.constant 1 : i32
        %dma_start3A_117 = arith.constant 1 : i32
        %dma_start3A_118 = arith.constant 0 : i32
        %dma_start3A_119 = arith.constant 0 : i32
        %dma_start3A_120 = tpu.memref_slice %arg6[%dma_start3A_116, %dma_start3A_118, %dma_start3A_119] : memref<2x64x128xf32, #tpu.memory_space<vmem>> -> memref<1x64x128xf32, #tpu.memory_space<vmem>>
        %dma_start3A_121 = tpu.memref_squeeze %dma_start3A_120 : memref<1x64x128xf32, #tpu.memory_space<vmem>> -> memref<64x128xf32, #tpu.memory_space<vmem>>
        %dma_start3A_122 = arith.constant 0 : i32
        %dma_start3A_123 = tpu.memref_slice %arg4[%mul3A_115, %dma_start3A_122] : memref<500000x128xf32, #tpu.memory_space<hbm>> -> memref<64x128xf32, #tpu.memory_space<hbm>>
        %dma_start3A_124 = tpu.memref_slice %arg8[%dma_start3A_117] : memref<2x!tpu.dma_semaphore, #tpu.memory_space<semaphore_mem>> -> memref<1x!tpu.dma_semaphore, #tpu.memory_space<semaphore_mem>>
        %dma_start3A_125 = tpu.memref_squeeze %dma_start3A_124 : memref<1x!tpu.dma_semaphore, #tpu.memory_space<semaphore_mem>> -> memref<!tpu.dma_semaphore, #tpu.memory_space<semaphore_mem>>
        %dma_start3A_126 = arith.constant 0 : i32
        %dma_start3A_127 = tpu.memref_slice %arg4[%mul3A_115, %dma_start3A_126] : memref<500000x128xf32, #tpu.memory_space<hbm>> -> memref<64x128xf32, #tpu.memory_space<hbm>>
        %dma_start3A_128 = arith.constant 0 : i32
        %dma_start3A_129 = arith.constant 0 : i32
        %dma_start3A_130 = tpu.memref_slice %arg6[%dma_start3A_116, %dma_start3A_128, %dma_start3A_129] : memref<2x64x128xf32, #tpu.memory_space<vmem>> -> memref<1x64x128xf32, #tpu.memory_space<vmem>>
        %dma_start3A_131 = tpu.memref_squeeze %dma_start3A_130 : memref<1x64x128xf32, #tpu.memory_space<vmem>> -> memref<64x128xf32, #tpu.memory_space<vmem>>
        tpu.enqueue_dma source(%dma_start3A_131 : memref<64x128xf32, #tpu.memory_space<vmem>>) target(%dma_start3A_127 : memref<64x128xf32, #tpu.memory_space<hbm>>) target_semaphore(%dma_start3A_125 : memref<!tpu.dma_semaphore, #tpu.memory_space<semaphore_mem>>)
      } else {
      }
    }
    %scan3A_33 = arith.constant 123 : i32
    %dma_wait3A = arith.constant 0 : i32
    %dma_wait3A_34 = arith.constant 0 : i32
    %dma_wait3A_35 = arith.constant 0 : i32
    %dma_wait3A_36 = arith.constant 0 : i32
    %dma_wait3A_37 = tpu.memref_slice %arg6[%dma_wait3A, %dma_wait3A_35, %dma_wait3A_36] : memref<2x64x128xf32, #tpu.memory_space<vmem>> -> memref<1x64x128xf32, #tpu.memory_space<vmem>>
    %dma_wait3A_38 = tpu.memref_squeeze %dma_wait3A_37 : memref<1x64x128xf32, #tpu.memory_space<vmem>> -> memref<64x128xf32, #tpu.memory_space<vmem>>
    %dma_wait3A_39 = arith.constant 0 : i32
    %dma_wait3A_40 = arith.constant 0 : i32
    %dma_wait3A_41 = tpu.memref_slice %arg4[%dma_wait3A_39, %dma_wait3A_40] : memref<500000x128xf32, #tpu.memory_space<hbm>> -> memref<64x128xf32, #tpu.memory_space<hbm>>
    %dma_wait3A_42 = tpu.memref_slice %arg8[%dma_wait3A_34] : memref<2x!tpu.dma_semaphore, #tpu.memory_space<semaphore_mem>> -> memref<1x!tpu.dma_semaphore, #tpu.memory_space<semaphore_mem>>
    %dma_wait3A_43 = tpu.memref_squeeze %dma_wait3A_42 : memref<1x!tpu.dma_semaphore, #tpu.memory_space<semaphore_mem>> -> memref<!tpu.dma_semaphore, #tpu.memory_space<semaphore_mem>>
    %dma_wait3A_44 = arith.constant 0 : i32
    %dma_wait3A_45 = arith.constant 0 : i32
    %dma_wait3A_46 = tpu.memref_slice %arg4[%dma_wait3A_44, %dma_wait3A_45] : memref<500000x128xf32, #tpu.memory_space<hbm>> -> memref<64x128xf32, #tpu.memory_space<hbm>>
    %dma_wait3A_47 = arith.constant 0 : i32
    %dma_wait3A_48 = arith.constant 0 : i32
    %dma_wait3A_49 = tpu.memref_slice %arg6[%dma_wait3A, %dma_wait3A_47, %dma_wait3A_48] : memref<2x64x128xf32, #tpu.memory_space<vmem>> -> memref<1x64x128xf32, #tpu.memory_space<vmem>>
    %dma_wait3A_50 = tpu.memref_squeeze %dma_wait3A_49 : memref<1x64x128xf32, #tpu.memory_space<vmem>> -> memref<64x128xf32, #tpu.memory_space<vmem>>
    tpu.wait_dma2 semaphore(%dma_wait3A_43 : memref<!tpu.dma_semaphore, #tpu.memory_space<semaphore_mem>>) src(%dma_wait3A_50 : memref<64x128xf32, #tpu.memory_space<vmem>>) dst(%dma_wait3A_46 : memref<64x128xf32, #tpu.memory_space<hbm>>)
    %dma_wait3A_51 = arith.constant 1 : i32
    %dma_wait3A_52 = arith.constant 1 : i32
    %dma_wait3A_53 = arith.constant 0 : i32
    %dma_wait3A_54 = arith.constant 0 : i32
    %dma_wait3A_55 = tpu.memref_slice %arg6[%dma_wait3A_51, %dma_wait3A_53, %dma_wait3A_54] : memref<2x64x128xf32, #tpu.memory_space<vmem>> -> memref<1x64x128xf32, #tpu.memory_space<vmem>>
    %dma_wait3A_56 = tpu.memref_squeeze %dma_wait3A_55 : memref<1x64x128xf32, #tpu.memory_space<vmem>> -> memref<64x128xf32, #tpu.memory_space<vmem>>
    %dma_wait3A_57 = arith.constant 0 : i32
    %dma_wait3A_58 = arith.constant 0 : i32
    %dma_wait3A_59 = tpu.memref_slice %arg4[%dma_wait3A_57, %dma_wait3A_58] : memref<500000x128xf32, #tpu.memory_space<hbm>> -> memref<64x128xf32, #tpu.memory_space<hbm>>
    %dma_wait3A_60 = tpu.memref_slice %arg8[%dma_wait3A_52] : memref<2x!tpu.dma_semaphore, #tpu.memory_space<semaphore_mem>> -> memref<1x!tpu.dma_semaphore, #tpu.memory_space<semaphore_mem>>
    %dma_wait3A_61 = tpu.memref_squeeze %dma_wait3A_60 : memref<1x!tpu.dma_semaphore, #tpu.memory_space<semaphore_mem>> -> memref<!tpu.dma_semaphore, #tpu.memory_space<semaphore_mem>>
    %dma_wait3A_62 = arith.constant 0 : i32
    %dma_wait3A_63 = arith.constant 0 : i32
    %dma_wait3A_64 = tpu.memref_slice %arg4[%dma_wait3A_62, %dma_wait3A_63] : memref<500000x128xf32, #tpu.memory_space<hbm>> -> memref<64x128xf32, #tpu.memory_space<hbm>>
    %dma_wait3A_65 = arith.constant 0 : i32
    %dma_wait3A_66 = arith.constant 0 : i32
    %dma_wait3A_67 = tpu.memref_slice %arg6[%dma_wait3A_51, %dma_wait3A_65, %dma_wait3A_66] : memref<2x64x128xf32, #tpu.memory_space<vmem>> -> memref<1x64x128xf32, #tpu.memory_space<vmem>>
    %dma_wait3A_68 = tpu.memref_squeeze %dma_wait3A_67 : memref<1x64x128xf32, #tpu.memory_space<vmem>> -> memref<64x128xf32, #tpu.memory_space<vmem>>
    tpu.wait_dma2 semaphore(%dma_wait3A_61 : memref<!tpu.dma_semaphore, #tpu.memory_space<semaphore_mem>>) src(%dma_wait3A_68 : memref<64x128xf32, #tpu.memory_space<vmem>>) dst(%dma_wait3A_64 : memref<64x128xf32, #tpu.memory_space<hbm>>)
    return
  }
}

</mosaic_0001>

<sc_bundles>
// kernel: _embed.4.cloned.1.call-start
scs
__scs_entry_jumppad:
0x0: {  	(pc) =	sbr.rel $0x88, $3  }
0x1: {  	(tag) =	ssettag $0x0;
	lr =	simm.s32 $0x1  }
0x2: {  	[smem:$0x3F9E] =	sst lr;
	_ =	strace $0xD0000000  }
0x3: {  	_ = 	snop  }
0x4: {  	_ = 	snop  }
0x5: {  	_ = 	snop  }
0x6: {  	_ = 	snop  }
0x7: {  	_ = 	snop  }
__scs_overlays_trampoline_lowered:
0x8: {  	[smem:$0x3FAD] =	sst s0  }
0x9: {  	[smem:$0x3FAE] =	sst s1  }
0xa: {  	[smem:$0x3FAF] =	sst s2  }
0xb: {  	[smem:$0x3FB0] =	sst s3  }
0xc: {  	[smem:$0x3FB1] =	sst s4  }
0xd: {  	[smem:$0x3FB2] =	sst s5  }
0xe: {  	[smem:$0x3FB3] =	sst s6  }
0xf: {  	[smem:$0x3FB4] =	sst s7  }
0x10: {  	[smem:$0x3FB5] =	sst s8  }
0x11: {  	[smem:$0x3FB6] =	sst s9;
	s0 =	simm.s32 @!p0 $0x0  }
0x12: {  	s1 =	sld [smem:$0x3F9C];
	s0 =	simm.s32 @p0 $0x1  }
0x13: {  	[smem:$0x3FB7] =	sst s0;
	s0 =	simm.s32 @!p1 $0x0  }
0x14: {  	s2 =	sld [smem:$0x3F9B];
	s0 =	simm.s32 @p1 $0x1  }
0x15: {  	[smem:$0x3FB8] =	sst s0;
	s0 =	simm.s32 @!p2 $0x0  }
0x16: {  	s3 =	sld [smem:$0x3FDB];
	s0 =	simm.s32 @p2 $0x1  }
0x17: {  	s4 =	simm.s32 $0x1BF5;
	[smem:$0x3FBA] =	sst s0  }
0x18: {  	s0 =	sld [smem:$0x3F9D];
	_ =	swait.ge [sflag:s4], $0x0  }
0x19: {  	s7 =	sld [smem:$0x3F9E]  }
0x1a: {  	s8 =	sadd.s32 $0xFFFFE003, lr  }
0x1b: {  	s9 =	sadd.s32 $0xFFFFFEF7, lr;
	s5 =	simm.s32 $0xFFFFFFFF;
	p2 =	slt.u32 s8, $0xFFFFF086  }
0x1c: {  	p1 =	slt.u32 s9, $0xF7A;
	s5 =	simm.s32 @!p2 $0x0  }
0x1d: {  	s5 =	simm.s32 @p1 $0x1;
	p0 =	seq.s32 s7, s2  }
0x1e: {  	s7 =	smul.u32 @!p0 $0xF7A, s2;
	p2 =	seq.s32 @!p0 s5, $0x0  }
0x1f: {  	s9 =	smul.u32 $0xF7A, s1;
	s8 =	simm.s32 @!p0 $0x1BF5;
	p2 =	por !p2, p0  }
0x20: {  	[sflag:s8] =	ssyncset.s32 @!p0 $0xFFFFF086;
	s6 =	sadd.s32 @!p0 s3, s7;
	s7 =	simm.s32 @!p0 $0x108  }
0x21: {  	s3 =	sadd.s32 s3, s9;
	s6 =	sadd.s32 @!p0 $0x88, s6;
	s7 =	simm.s32 @p2 $0x1082  }
0x22: {  	[simem:s7], [sflag:s8] =	dma.local @!p0 [hbm:s6], $0xF7A  }
0x23: {  	s9 =	sor.u32 $0xD0000000, s2;
	s6 =	simm.s32 $0x108;
	_ =	swait.ge @!p0 [sflag:s8], $0x0  }
0x24: {  	s3 =	sadd.s32 $0x88, s3;
	s6 =	simm.s32 @!p1 $0x1082;
	[sflag:s4] =	ssyncset.s32 $0xFFFFF086  }
0x25: {  	[simem:s6], [sflag:s4] =	dma.local [hbm:s3], $0xF7A  }
0x26: {  	[smem:$0x3F9E] =	sst s1;
	(tag) =	ssettag s2;
	_ =	strace s9  }
0x27: {  	s1 =	sld [smem:$0x3FAE]  }
0x28: {  	s2 =	sld [smem:$0x3FAF]  }
0x29: {  	s4 =	sld [smem:$0x3FB1]  }
0x2a: {  	p0 =	seq.s32 s5, $0x0;
	s5 =	sld [smem:$0x3FB2]  }
0x2b: {  	s6 =	sld [smem:$0x3FB3]  }
0x2c: {  	s7 =	sld [smem:$0x3FB4]  }
0x2d: {  	s3 =	simm.s32 $0x108;
	s8 =	sld [smem:$0x3FB5]  }
0x2e: {  	s3 =	simm.s32 @!p0 $0x1082;
	s9 =	sld [smem:$0x3FB6]  }
0x2f: {  	lr =	sadd.s32 s0, s3;
	s0 =	sld [smem:$0x3FAD]  }
0x30: {  	s3 =	sld [smem:$0x3FB0]  }
0x31: {  	[smem:$0x3FB9] =	sst s10  }
0x32: {  	s10 =	sld [smem:$0x3FB7];
	_ =	sdelay $0x3  }
0x33: {  	p0 =	seq.s32 s10, $0x1;
	s10 =	sld [smem:$0x3FB9];
	_ =	sdelay $0x3  }
0x34: {  	[smem:$0x3FB9] =	sst s10  }
0x35: {  	s10 =	sld [smem:$0x3FB8];
	_ =	sdelay $0x3  }
0x36: {  	p1 =	seq.s32 s10, $0x1;
	s10 =	sld [smem:$0x3FB9];
	_ =	sdelay $0x3  }
0x37: {  	[smem:$0x3FB9] =	sst s10  }
0x38: {  	s10 =	sld [smem:$0x3FBA]  }
0x39: {  	_ = 	snop;
	(pc) =	sbr.ind lr, $3  }
0x3a: {  	_ = 	snop  }
0x3b: {  	_ = 	snop  }
0x3c: {  	p2 =	seq.s32 s10, $0x1;
	s10 =	sld [smem:$0x3FB9]  }
0x3d: {  	_ =	shalt  }
0x3e: {  	_ =	shalt  }
0x3f: {  	_ =	shalt  }
0x40: {  	_ =	shalt  }
0x41: {  	_ =	shalt  }
0x42: {  	_ =	shalt  }
0x43: {  	_ =	shalt  }
0x44: {  	_ =	shalt  }
0x45: {  	_ =	shalt  }
0x46: {  	_ =	shalt  }
0x47: {  	_ =	shalt  }
0x48: {  	_ =	shalt  }
0x49: {  	_ =	shalt  }
0x4a: {  	_ =	shalt  }
0x4b: {  	_ =	shalt  }
0x4c: {  	_ =	shalt  }
0x4d: {  	_ =	shalt  }
0x4e: {  	_ =	shalt  }
0x4f: {  	_ =	shalt  }
0x50: {  	_ =	shalt  }
0x51: {  	_ =	shalt  }
0x52: {  	_ =	shalt  }
0x53: {  	_ =	shalt  }
0x54: {  	_ =	shalt  }
0x55: {  	_ =	shalt  }
0x56: {  	_ =	shalt  }
0x57: {  	_ =	shalt  }
0x58: {  	_ =	shalt  }
0x59: {  	_ =	shalt  }
0x5a: {  	_ =	shalt  }
0x5b: {  	_ =	shalt  }
0x5c: {  	_ =	shalt  }
0x5d: {  	_ =	shalt  }
0x5e: {  	_ =	shalt  }
0x5f: {  	_ =	shalt  }
0x60: {  	_ =	shalt  }
0x61: {  	_ =	shalt  }
0x62: {  	_ =	shalt  }
0x63: {  	_ =	shalt  }
0x64: {  	_ =	shalt  }
0x65: {  	_ =	shalt  }
0x66: {  	_ =	shalt  }
0x67: {  	_ =	shalt  }
0x68: {  	_ =	shalt  }
0x69: {  	_ =	shalt  }
0x6a: {  	_ =	shalt  }
0x6b: {  	_ =	shalt  }
0x6c: {  	_ =	shalt  }
0x6d: {  	_ =	shalt  }
0x6e: {  	_ =	shalt  }
0x6f: {  	_ =	shalt  }
0x70: {  	_ =	shalt  }
0x71: {  	_ =	shalt  }
0x72: {  	_ =	shalt  }
0x73: {  	_ =	shalt  }
0x74: {  	_ =	shalt  }
0x75: {  	_ =	shalt  }
0x76: {  	_ =	shalt  }
0x77: {  	_ =	shalt  }
0x78: {  	_ =	shalt  }
0x79: {  	_ =	shalt  }
0x7a: {  	_ =	shalt  }
0x7b: {  	_ =	shalt  }
0x7c: {  	_ =	shalt  }
0x7d: {  	_ =	shalt  }
0x7e: {  	_ =	shalt  }
0x7f: {  	_ =	shalt  }
0x80: {  	_ =	shalt  }
0x81: {  	_ =	shalt  }
0x82: {  	_ =	shalt  }
0x83: {  	_ =	shalt  }
0x84: {  	_ =	shalt  }
0x85: {  	_ =	shalt  }
0x86: {  	_ =	shalt  }
0x87: {  	_ =	shalt  }
.Lfunc_end0:
.L_simem_size_0:
called_computation_lowered:
.L_overlay_start_0:
0x88: {  	s2 =	sld [smem:$0x3FD9]  }
0x89: {  	s3 =	sld [smem:$0x3FFE];
	_ =	sdelay $0x1  }
0x8a: {  	s1 =	srdreg.scid  }
0x8b: {  	s0 =	sand.u32 $0x1, s1  }
0x8c: {  	s17 =	sshll.u32 s0, $0xA;
	s2 =	sadd.s32 s3, s2  }
0x8d: {  	s2 =	sadd.s32 s2, s17  }
0x8e: {  	[smem:$0x3FC5] =	sst s2  }
0x8f: {  	_ = 	snop  }
0x90: {  	s2 =	sld [smem:$0x3FC8]  }
0x91: {  	s18 =	sld [smem:$0x3FC7];
	(tm) =	ssettm $0x1  }
0x92: {  	s4 =	sld [smem:$0x3FFB];
	_ =	sdelay $0x3  }
0x93: {  	_ =	strace s4  }
0x94: {  	s4 =	sld [smem:$0x3FFC];
	_ =	sdelay $0x3  }
0x95: {  	_ =	strace s4  }
0x96: {  	s4 =	sld [smem:$0x3FFD];
	_ =	sdelay $0x3  }
0x97: {  	_ =	strace s4  }
0x98: {  	_ =	strace $0x8FFFFFFF  }
0x99: {  	s19 =	sld [smem:$0x3FDB];
	_ =	sdelay $0x1  }
0x9a: {  	s5 =	simm.s32 $_scs_section_size  }
0x9b: {  	s6 =	simm.s32 $_size__tile_overlayer_lowered;
	s7 =	simm.s32 $_tile_overlayer_lowered  }
0x9c: {  	s22 =	simm.s32 $0x1BFF;
	s21 =	sshll.u32 s7, $0x1;
	s4 =	sadd.s32 s5, s19  }
0x9d: {  	s8 =	simm.s32 $0x0;
	s20 =	sshll.u32 s6, $0x1;
	s6 =	sadd.s32 s21, s4  }
0x9e: {  	[timem:s8], [sflag:s22] =	dma.local [hbm:s6], s20  }
0x9f: {  	_ =	swait.ge [sflag:s22], s20  }
0xa0: {  	s5 =	ssub.s32 $0x0, s20;
	[sflag:s22] =	ssyncset.done $0x0  }
0xa1: {  	[sflag:s22] =	ssyncadd.s32 s5;
	_ =	sdelay $0x1  }
0xa2: {  	s23 =	simm.s32 $0x1B8B  }
0xa3: {  	_ =	swait.ge [sflag:s23], $0x1  }
0xa4: {  	[sflag:s23] =	ssyncset.done $0x0  }
0xa5: {  	s25 =	simm.s32 $0x1B8E;
	s24 =	sld [smem:$0x3FFE];
	[sflag:s23] =	ssyncadd.s32 $0xFFFFFFFF  }
0xa6: {  	s26 =	simm.s32 $execute0_lowered;
	[smem:$0x3FD2] =	sst s25  }
0xa7: {  	s6 =	sshll.u32 s26, $0x1;
	_ =	strace $0x80000046;
	[dreg:$0x1] =	wrdreg $0xFFFFFFFF  }
0xa8: {  	s28 =	simm.s32 $_size_execute0_lowered;
	s4 =	sadd.s32 s4, s6;
	[dreg:$0x0] =	wrdreg $0x0  }
0xa9: {  	s6 =	sshll.u32 s28, $0x1;
	[dreg:$0x2] =	wrdreg s4  }
0xaa: {  	[dreg:$0x3] =	wrdreg s6  }
0xab: {  	[dreg:$0x4] =	wrdreg $0xC0  }
0xac: {  	_ =	task [dreg:s8], $0x5FFFF  }
0xad: {  	[dreg:$0x1] =	wrdreg $0xFFFFFFFF  }
0xae: {  	[dreg:$0x0] =	wrdreg $0x60  }
0xaf: {  	[dreg:$0x2] =	wrdreg s2  }
0xb0: {  	[dreg:$0x3] =	wrdreg s18  }
0xb1: {  	[dreg:$0x4] =	wrdreg s24  }
0xb2: {  	[dreg:$0x5] =	wrdreg $0x9  }
0xb3: {  	_ =	task.clear_ibuf [dreg:s8], $0x6FFFF;
	_ =	strace $0x90000046  }
0xb4: {  	s29 =	simm.s32 $0x9;
	_ =	strace $0x80000048  }
0xb5: {  	_ =	swait.ge [sflag:s29], $0x1  }
0xb6: {  	[sflag:s29] =	ssyncadd.s32 $0xFFFFFFFF  }
0xb7: {  	_ =	strace $0x90000048  }
0xb8: {  	_ =	sfence  }
0xb9: {  	s30 =	sld [smem:$0x0];
	_ =	sdelay $0x2  }
0xba: {  	s31 =	sshll.u32 s1, $0xD;
	s1 =	sshrl.u32 s1, $0x2  }
0xbb: {  	s3 =	sand.u32 $0x4000, s31;
	s1 =	sadd.s32 s1, s30  }
0xbc: {  	s0 =	sor.u32 s3, s0;
	s1 =	sshll.u32 s1, $0x11  }
0xbd: {  	s0 =	sor.u32 s1, s0  }
0xbe: {  	s0 =	sadd.s32 $0x8F2B, s0  }
0xbf: {  	[sflag:s0] =	ssyncadd.remote.s32 $0x1  }
0xc0: {  	_ =	sfence.sel $0xFFFF  }
0xc1: {  	[dreg:$0x0] =	wrdreg $0xFFFFFFFF;
	(pc) =	sbr.abs _section_cstart, $3  }
0xc2: {  	[dreg:$0x1] =	wrdreg $0xFFFFFFFF  }
0xc3: {  	_ =	task.clear_ibuf [dreg:s8], $0x2FFFF;
	_ =	strace $0x9FFFFFFF  }
0xc4: {  	(tm) =	ssettm $0x7FFFFFFF  }
0xc5: {  	_ =	shalt  }
tec
execute0_lowered:
.L_overlay_start_1:
0x0: {  	(tag) =	ssettag $0x1  }
0x1: {  	v0 =	vlaneseq.u32  }
0x2: {  	v63 =	vmul.u32 $0x80, v0  }
0x3: {  	v1 =	vor.u32 $0x400, v0  }
0x4: {  	[tilespmem:$0x1FEB0] =	vst v1;
	v1 =	vor.u32 $0x20, v63  }
0x5: {  	s1 =	rddreg [dreg:$0x0];
	[tilespmem:$0x1FEC0] =	vst v1;
	v1 =	vor.u32 $0x800, v0  }
0x6: {  	s2 =	rddreg [dreg:$0x1];
	[tilespmem:$0x1FED0] =	vst v1;
	v1 =	vor.u32 $0x30, v63  }
0x7: {  	s8 =	rddreg [dreg:$0x2];
	s4 =	simm.s32 $0x0;
	[tilespmem:$0x1FEE0] =	vst v1;
	v1 =	vor.u32 $0xC00, v0  }
0x8: {  	s3 =	srdreg.scid;
	[smem:$0x7FF] =	sst s4;
	[tilespmem:$0x1FEF0] =	vst v1;
	v1 =	vor.u32 $0x10, v0  }
0x9: {  	s5 =	sand.u32 $0x1, s3;
	s3 =	rddreg [dreg:$0x3];
	_ =	strace $0x80000047;
	[tilespmem:$0x1FF00] =	vst v1  }
0xa: {  	v62 =	vor.u32 $0x10, v63;
	[tilespmem:$0x1FF70] =	vst v63  }
0xb: {  	v22 =	vor.u32 $0x1020, v63;
	[tilespmem:$0x1FF80] =	vst v62  }
0xc: {  	v14 =	vor.u32 $0x820, v63;
	[tilespmem:$0x1FF90] =	vst v22  }
0xd: {  	v21 =	vor.u32 $0x1800, v63;
	[tilespmem:$0x1FFA0] =	vst v14  }
0xe: {  	v29 =	vor.u32 $0x800, v63;
	[tilespmem:$0x1FFB0] =	vst v21  }
0xf: {  	s0 =	stileid.u32;
	s13 =	simm.s32 $0x400;
	v30 =	vor.u32 $0x1820, v63;
	[tilespmem:$0x1FFC0] =	vst v29  }
0x10: {  	s14 =	simm.s32 $0x7A1400;
	s15 =	simm.s32 $0x1;
	s16 =	simm.s32 $0x2;
	v18 =	vor.u32 $0x1810, v63;
	[tilespmem:$0x1FFD0] =	vst v30  }
0x11: {  	s17 =	simm.s32 $0x6000;
	s18 =	simm.s32 $0x3;
	s6 =	sshll.u32 s0, $0x1;
	v25 =	vor.u32 $0x1010, v63;
	[tilespmem:$0x1FFE0] =	vst v18  }
0x12: {  	s19 =	simm.s32 $0x4;
	s20 =	simm.s32 $0x0;
	s11 =	sor.u32 s5, s6;
	v1 =	vor.u32 $0x810, v63;
	[tilespmem:$0x1FFF0] =	vst v25  }
0x13: {  	p0 =	slt.u32 s0, $0x2;
	s30 =	ssub.s32 $0x2, s5;
	s7 =	smul.u32 $0xF4, s11;
	[tilespmem:$0x1FF10] =	vst v1;
	v1 =	vor.u32 $0x410, v0  }
.Ltmp0:
0x14: {  	v24 =	vor.u32 $0x20, v0;
	s5 =	sadd.s32 $0x800, s8;
	s9 =	sshrl.u32 s30, $0x1;
	[tilespmem:$0x1FF20] =	vst v1;
	v1 =	vor.u32 $0x810, v0;
	(pc) =	sbr.rel .LBB2_1-.Ltmp0, $4  }
0x15: {  	v23 =	vor.u32 $0x420, v0;
	v31 =	vor.u32 $0x820, v0;
	s8 =	sadd.s32 $0x7A1800, s8;
	s10 =	smin.u32 s11, $0x4;
	s12 =	ssub.s32 s30, s9;
	[tilespmem:$0x1FF30] =	vst v1;
	v1 =	vor.u32 $0x830, v63  }
0x16: {  	v13 =	vor.u32 $0xC20, v0;
	v16 =	vor.u32 $0x30, v0;
	s6 =	sadd.s32 s10, s7;
	s7 =	simm.s32 $0xF5;
	s10 =	smax.u32 s12, $0x1;
	[tilespmem:$0x1FF40] =	vst v1;
	v1 =	vor.u32 $0xC10, v0  }
0x17: {  	v20 =	vor.u32 $0x430, v0;
	v26 =	vor.u32 $0x830, v0;
	s12 =	simm.s32 $0x5;
	s31 =	sshll.u32 s6, $0x7;
	s7 =	simm.s32 @!p0 $0xF4;
	[tilespmem:$0x1FF50] =	vst v1;
	v1 =	vor.u32 $0x1000, v63  }
0x18: {  	v27 =	vor.u32 $0xC30, v0;
	v12 =	vor.u32 $0x1030, v63;
	v28 =	vor.u32 $0x1830, v63;
	p0 =	sne.s32 s11, $0x1F;
	s11 =	simm.s32 $0x4000;
	s9 =	sadd.s32 s1, s31;
	[tilespmem:$0x1FF60] =	vst v1  }
.LBB2_15:
0x19: {  	s20 =	sadd.s32 $0x1, s20  }
0x1a: {  	_ =	swait.ge [sflag:s18], $0x2000;
	p1 =	sne.s32 s20, s10  }
.Ltmp1:
0x1b: {  	[sflag:s18] =	ssyncset.done $0x0;
	(pc) =	sbr.rel @!p1 .LBB2_16-.Ltmp1, $4  }
0x1c: {  	[sflag:s18] =	ssyncadd.s32 $0xFFFFE000  }
0x1d: {  	_ =	swait.ge [sflag:s19], $0x2000  }
0x1e: {  	[sflag:s19] =	ssyncset.done $0x0  }
0x1f: {  	[sflag:s19] =	ssyncadd.s32 $0xFFFFE000  }
.LBB2_1:
.Ltmp2:
0x20: {  	(pc) =	sbr.rel @p0 .LBB2_5-.Ltmp2, $1  }
0x21: {  	_ =	sdelay $0x3  }
0x22: {  	s21 =	simm.s32 $0x0  }
0x23: {  	[tilespmem:s21], [sflag:$0x5] =	stream.linear.gather [hbm4b:s2+s21], $0x2000, $0x38;
	[tilespmem:$0x8000] =	vst v63  }
0x24: {  	v6 =	vld [tilespmem:$0x1FEC0];
	_ =	swait.ge [sflag:s12], $0x2000  }
0x25: {  	v59 =	vld [tilespmem:$0x1FF60]  }
0x26: {  	v41 =	vld [tilespmem:$0x1FEE0]  }
0x27: {  	v1 =	vadd.s32 s21, v0;
	v11 =	vld [tilespmem:$0x1FF40]  }
0x28: {  	v2 =	vand.u32 $0xF, v1;
	v3 =	vor.u32 v62, v1;
	v8 =	vld [tilespmem:$0x1FF10]  }
0x29: {  	v7 =	vld [tilespmem:$0x1FED0];
	v4 =	vor.u32 v6, v2  }
0x2a: {  	v5 =	vmov v14;
	v42 =	vor.u32 v25, v1;
	v32 =	vor.u32 v29, v2;
	v9 =	vld [tilespmem:$0x1FF20]  }
0x2b: {  	v61 =	vmovc v30;
	[sflag:s12] =	ssyncset.done $0x0;
	v33 =	vor.u32 v63, v2;
	v34 =	vor.u32 v14, v2;
	v60 =	vor.u32 v22, v2;
	v14 =	vld [tilespmem:$0x1FEB0]  }
0x2c: {  	v35 =	vor.u32 v21, v2;
	[sflag:s12] =	ssyncadd.s32 $0xFFFFE000;
	v36 =	vor.u32 v59, v2;
	v2 =	vor.u32 v30, v2;
	v30 =	vmovc v25;
	v25 =	vld [tilespmem:$0x1FF00]  }
0x2d: {  	v3 =	vld.idx.msk [tilespmem:v3+s4+$0x0], $0xffff  }
0x2e: {  	v38 =	vshll.u32 v1, $0x6;
	v4 =	vld.idx.msk [tilespmem:v4+s4+$0x0], $0xffff  }
0x2f: {  	v45 =	vand.u32 $0x3C0, v38;
	v44 =	vld.idx.msk [tilespmem:v32+s4+$0x0], $0xffff;
	v57 =	vor.u32 v8, v1  }
0x30: {  	v40 =	vld.idx.msk [tilespmem:v33+s4+$0x0], $0xffff;
	v48 =	vor.u32 v7, v45  }
0x31: {  	v34 =	vld.idx.msk [tilespmem:v34+s4+$0x0], $0xffff;
	v10 =	vor.u32 v25, v45  }
0x32: {  	v17 =	vor.u32 v20, v45;
	v35 =	vld.idx.msk [tilespmem:v35+s4+$0x0], $0xffff;
	[tilespmem:$0x1FE70] =	vst v10  }
0x33: {  	v52 =	vld.idx.msk [tilespmem:v36+s4+$0x0], $0xffff;
	v4 =	vmul.f32 $8.000000000e+00, v4;
	[tilespmem:$0x1FEA0] =	vst v17;
	v17 =	vor.u32 v23, v45  }
0x34: {  	v55 =	vld.idx.msk [tilespmem:v57+s4+$0x0], $0xffff;
	[tilespmem:$0x1FE80] =	vst v17  }
0x35: {  	v10 =	vld [tilespmem:$0x1FF30];
	[tilespmem:v48+s11+$0x0] =	vst.idx.msk $0xffff, v4  }
0x36: {  	v4 =	vld [tilespmem:$0x1FEF0]  }
0x37: {  	v37 =	vor.u32 v11, v1  }
0x38: {  	v53 =	vor.u32 v14, v45  }
0x39: {  	v47 =	vor.u32 v0, v45;
	v43 =	vor.u32 v41, v1  }
0x3a: {  	v46 =	vor.u32 v12, v1;
	v51 =	vor.u32 v10, v45  }
0x3b: {  	v49 =	vor.u32 v9, v45;
	v3 =	vmul.f32 $8.000000000e+00, v3;
	v17 =	vor.u32 v4, v45  }
0x3c: {  	v56 =	vmul.f32 $8.000000000e+00, v40;
	v38 =	vld.idx.msk [tilespmem:v37+s4+$0x0], $0xffff;
	[tilespmem:$0x1FE90] =	vst v17  }
0x3d: {  	v34 =	vmul.f32 $8.000000000e+00, v34;
	v19 =	vld [tilespmem:$0x1FF50];
	[tilespmem:v53+s11+$0x0] =	vst.idx.msk $0xffff, v3  }
0x3e: {  	[tilespmem:v47+s11+$0x0] =	vst.idx.msk $0xffff, v56;
	v47 =	vld.idx.msk [tilespmem:v43+s4+$0x0], $0xffff;
	v43 =	vmul.f32 $8.000000000e+00, v55  }
0x3f: {  	[tilespmem:v51+s11+$0x0] =	vst.idx.msk $0xffff, v34  }
0x40: {  	v15 =	vmov v29;
	v58 =	vmov v13;
	s21 =	simm.s32 $0x1;
	v39 =	vor.u32 v18, v1;
	v46 =	vld.idx.msk [tilespmem:v46+s4+$0x0], $0xffff;
	[tilespmem:v49+s11+$0x0] =	vst.idx.msk $0xffff, v43  }
0x41: {  	v13 =	vmovc v63;
	v54 =	vadd.s32 s21, v0;
	v29 =	vmovc v27;
	v63 =	vor.u32 v58, v45;
	v33 =	vor.u32 v27, v45;
	v3 =	vld [tilespmem:$0x1FE70]  }
0x42: {  	v27 =	vmovc v28;
	v28 =	vmovc v26;
	v32 =	vor.u32 v24, v45;
	v50 =	vmul.f32 $8.000000000e+00, v35;
	v57 =	vor.u32 v16, v45  }
0x43: {  	v35 =	vor.u32 v28, v45;
	v44 =	vmul.f32 $8.000000000e+00, v44;
	v37 =	vor.u32 v31, v45  }
0x44: {  	v26 =	vmovc v24;
	v36 =	vor.u32 v19, v45;
	v45 =	vor.u32 v62, v54;
	v40 =	vld.idx.msk [tilespmem:v2+s4+$0x0], $0xffff;
	v2 =	vand.u32 $0xF, v54  }
0x45: {  	v24 =	vmovc v58;
	v48 =	vld.idx.msk [tilespmem:v39+s4+$0x0], $0xffff;
	v39 =	vmul.f32 $8.000000000e+00, v52;
	v52 =	vor.u32 v6, v2;
	v51 =	vor.u32 v13, v2  }
0x46: {  	v56 =	vmovc v12;
	v12 =	vmovc v59;
	v53 =	vor.u32 v15, v2;
	v58 =	vor.u32 v5, v2;
	v46 =	vmul.f32 $8.000000000e+00, v46  }
0x47: {  	v34 =	vor.u32 v22, v2;
	v5 =	vmovc v23;
	v23 =	vmov v10;
	v10 =	vmov v20;
	[tilespmem:v57+s11+$0x0] =	vst.idx.msk $0xffff, v50  }
0x48: {  	v20 =	vmov v7;
	v62 =	vor.u32 v21, v2;
	v7 =	vor.u32 v12, v2;
	[tilespmem:v63+s11+$0x0] =	vst.idx.msk $0xffff, v46  }
0x49: {  	[tilespmem:v3+s11+$0x0] =	vst.idx.msk $0xffff, v44;
	v3 =	vld.idx.msk [tilespmem:v45+s4+$0x0], $0xffff;
	v44 =	vor.u32 v61, v2;
	v2 =	vshll.u32 v54, $0x6  }
0x4a: {  	v45 =	vand.u32 $0x3C0, v2;
	v2 =	vld [tilespmem:$0x1FE80]  }
0x4b: {  	v42 =	vld.idx.msk [tilespmem:v42+s4+$0x0], $0xffff;
	_ =	sdelay $0x4  }
0x4c: {  	v42 =	vmul.f32 $8.000000000e+00, v42  }
0x4d: {  	v61 =	vmul.f32 $8.000000000e+00, v47;
	v47 =	vld.idx.msk [tilespmem:v53+s4+$0x0], $0xffff  }
0x4e: {  	v53 =	vld.idx.msk [tilespmem:v62+s4+$0x0], $0xffff;
	[tilespmem:v2+s11+$0x0] =	vst.idx.msk $0xffff, v42  }
0x4f: {  	v62 =	vld [tilespmem:$0x1FE90]  }
0x50: {  	v1 =	vor.u32 v27, v1;
	_ =	sdelay $0x3  }
0x51: {  	v60 =	vld.idx.msk [tilespmem:v60+s4+$0x0], $0xffff  }
0x52: {  	v1 =	vld.idx.msk [tilespmem:v1+s4+$0x0], $0xffff;
	v15 =	vmov v4;
	v4 =	vmov v41;
	v41 =	vor.u32 v30, v54  }
0x53: {  	v55 =	vmovc v25;
	v30 =	vmov v4;
	v43 =	vor.u32 v4, v54;
	v49 =	vor.u32 v18, v54;
	v4 =	vld.idx.msk [tilespmem:v52+s4+$0x0], $0xffff  }
0x54: {  	v18 =	vmov v55;
	v52 =	vor.u32 v55, v45;
	v55 =	vld.idx.msk [tilespmem:v7+s4+$0x0], $0xffff;
	[tilespmem:v62+s11+$0x0] =	vst.idx.msk $0xffff, v61  }
0x55: {  	v7 =	vld [tilespmem:$0x1FEA0]  }
0x56: {  	v59 =	vmovc v29;
	v29 =	vmov v28;
	v25 =	vmov v11;
	v22 =	vmov v9  }
0x57: {  	v9 =	vmovc v27;
	v17 =	vmovc v14;
	v13 =	vmov v8;
	v27 =	vmov v59;
	v6 =	vmul.f32 $8.000000000e+00, v48  }
0x58: {  	v21 =	vmovc v20;
	v14 =	vmovc v22;
	v48 =	vor.u32 v11, v54;
	v11 =	vor.u32 v8, v54;
	v50 =	vmul.f32 $8.000000000e+00, v60  }
0x59: {  	v28 =	vmovc v17;
	v12 =	vmovc v56;
	v56 =	vor.u32 v56, v54;
	v1 =	vmul.f32 $8.000000000e+00, v1;
	v4 =	vmul.f32 $8.000000000e+00, v4  }
0x5a: {  	v60 =	vld.idx.msk [tilespmem:v51+s4+$0x0], $0xffff;
	v54 =	vor.u32 v9, v54;
	v57 =	vor.u32 v0, v45;
	v46 =	vor.u32 v59, v45  }
0x5b: {  	v63 =	vld.idx.msk [tilespmem:v58+s4+$0x0], $0xffff;
	v51 =	vor.u32 v22, v45;
	v58 =	vor.u32 v23, v45;
	v59 =	vor.u32 v10, v45  }
0x5c: {  	v22 =	vmovc v23;
	v23 =	vmovc v5;
	v2 =	vor.u32 v20, v45;
	v20 =	vmov v10;
	v42 =	vor.u32 v5, v45  }
0x5d: {  	s22 =	simm.s32 $0x10;
	v62 =	vmul.f32 $8.000000000e+00, v3;
	v3 =	vor.u32 v17, v45;
	v61 =	vld.idx.msk [tilespmem:v11+s4+$0x0], $0xffff;
	v17 =	vmov v9;
	[tilespmem:v7+s11+$0x0] =	vst.idx.msk $0xffff, v6  }
.LBB2_3:
0x5e: {  	v5 =	vld.idx.msk [tilespmem:v48+s4+$0x0], $0xffff  }
0x5f: {  	v49 =	vld.idx.msk [tilespmem:v49+s4+$0x0], $0xffff  }
0x60: {  	[tilespmem:v32+s11+$0x0] =	vst.idx.msk $0xffff, v39;
	v9 =	vld [tilespmem:$0x1FF80]  }
0x61: {  	v10 =	vld [tilespmem:$0x1FF60];
	[tilespmem:v2+s11+$0x0] =	vst.idx.msk $0xffff, v4  }
0x62: {  	v11 =	vmul.f32 $8.000000000e+00, v40;
	v4 =	vld.idx.msk [tilespmem:v56+s4+$0x0], $0xffff;
	[tilespmem:v3+s11+$0x0] =	vst.idx.msk $0xffff, v62  }
0x63: {  	v32 =	vor.u32 v26, v45;
	v6 =	vmov v59;
	[tilespmem:v37+s11+$0x0] =	vst.idx.msk $0xffff, v50;
	v62 =	vld [tilespmem:$0x1FFB0]  }
0x64: {  	v7 =	vor.u32 v15, v45;
	v59 =	vor.u32 v16, v45;
	[tilespmem:v35+s11+$0x0] =	vst.idx.msk $0xffff, v11;
	v50 =	vld.idx.msk [tilespmem:v34+s4+$0x0], $0xffff  }
0x65: {  	v2 =	vor.u32 v31, v45;
	[tilespmem:v33+s11+$0x0] =	vst.idx.msk $0xffff, v1;
	v1 =	vor.u32 v19, v45;
	v40 =	vld.idx.msk [tilespmem:v44+s4+$0x0], $0xffff  }
0x66: {  	v35 =	vor.u32 v29, v45;
	v48 =	vmul.f32 $8.000000000e+00, v60;
	v60 =	vor.u32 v24, v45;
	v45 =	vld.idx.msk [tilespmem:v43+s4+$0x0], $0xffff  }
0x67: {  	v3 =	vmul.f32 $8.000000000e+00, v53;
	v53 =	vld.idx.msk [tilespmem:v41+s4+$0x0], $0xffff  }
0x68: {  	v56 =	vmul.f32 $8.000000000e+00, v63;
	v39 =	vmul.f32 $8.000000000e+00, v55;
	v55 =	vld [tilespmem:$0x1FF70]  }
0x69: {  	v63 =	vmul.f32 $8.000000000e+00, v61;
	v61 =	vld [tilespmem:$0x1FF90]  }
0x6a: {  	s21 =	sadd.s32 $0x1, s21;
	[tilespmem:v58+s11+$0x0] =	vst.idx.msk $0xffff, v56;
	v56 =	vld [tilespmem:$0x1FEC0]  }
0x6b: {  	v38 =	vmul.f32 $8.000000000e+00, v38;
	v8 =	vadd.s32 s21, v0;
	[tilespmem:v59+s11+$0x0] =	vst.idx.msk $0xffff, v3;
	v3 =	vld [tilespmem:$0x1FFE0]  }
0x6c: {  	v33 =	vmov v46;
	v46 =	vor.u32 v9, v8;
	[tilespmem:v57+s11+$0x0] =	vst.idx.msk $0xffff, v48;
	v57 =	vld [tilespmem:$0x1FFC0]  }
0x6d: {  	[tilespmem:v36+s11+$0x0] =	vst.idx.msk $0xffff, v38;
	v44 =	vand.u32 $0xF, v8;
	v47 =	vmul.f32 $8.000000000e+00, v47;
	v58 =	vld [tilespmem:$0x1FFA0]  }
0x6e: {  	v36 =	vor.u32 v62, v44;
	[tilespmem:v51+s11+$0x0] =	vst.idx.msk $0xffff, v63;
	v63 =	vld [tilespmem:$0x1FFF0]  }
0x6f: {  	[tilespmem:v52+s11+$0x0] =	vst.idx.msk $0xffff, v47;
	v52 =	vld.idx.msk [tilespmem:v54+s4+$0x0], $0xffff;
	v55 =	vor.u32 v55, v44  }
0x70: {  	v9 =	vmul.f32 $8.000000000e+00, v49;
	v56 =	vor.u32 v56, v44;
	v49 =	vor.u32 v3, v8;
	v3 =	vld [tilespmem:$0x1FFD0]  }
0x71: {  	v11 =	vor.u32 v13, v8;
	v34 =	vor.u32 v61, v44;
	v61 =	vor.u32 v10, v44;
	v54 =	vld.idx.msk [tilespmem:v46+s4+$0x0], $0xffff  }
0x72: {  	v43 =	vor.u32 v30, v8;
	v38 =	vmovc v5;
	v4 =	vmul.f32 $8.000000000e+00, v4;
	v37 =	vor.u32 v57, v44  }
0x73: {  	v48 =	vor.u32 v25, v8;
	[tilespmem:v6+s11+$0x0] =	vst.idx.msk $0xffff, v9;
	v10 =	vmul.f32 $8.000000000e+00, v45;
	v5 =	vmul.f32 $8.000000000e+00, v53;
	v53 =	vld.idx.msk [tilespmem:v36+s4+$0x0], $0xffff  }
0x74: {  	s22 =	sadd.s32 $0x10, s22;
	[tilespmem:v60+s11+$0x0] =	vst.idx.msk $0xffff, v4;
	v58 =	vor.u32 v58, v44;
	v41 =	vor.u32 v63, v8;
	v60 =	vld.idx.msk [tilespmem:v55+s4+$0x0], $0xffff  }
0x75: {  	p1 =	slt.u32 s22, $0xF0;
	v50 =	vmul.f32 $8.000000000e+00, v50;
	[tilespmem:v42+s11+$0x0] =	vst.idx.msk $0xffff, v5;
	v59 =	vld.idx.msk [tilespmem:v56+s4+$0x0], $0xffff;
	v44 =	vor.u32 v3, v44;
	v3 =	vshll.u32 v8, $0x6  }
.Ltmp3:
0x76: {  	v36 =	vmovc v1;
	v1 =	vmul.f32 $8.000000000e+00, v52;
	[tilespmem:v7+s11+$0x0] =	vst.idx.msk $0xffff, v10;
	v55 =	vld.idx.msk [tilespmem:v61+s4+$0x0], $0xffff;
	v62 =	vmul.f32 $8.000000000e+00, v54;
	v45 =	vand.u32 $0x3C0, v3;
	(pc) =	sbr.rel @p1 .LBB2_3-.Ltmp3, $4  }
0x77: {  	v54 =	vor.u32 v17, v8;
	v47 =	vld.idx.msk [tilespmem:v37+s4+$0x0], $0xffff;
	v56 =	vor.u32 v12, v8;
	v57 =	vor.u32 v0, v45  }
0x78: {  	v37 =	vmovc v2;
	v46 =	vor.u32 v27, v45;
	v2 =	vor.u32 v21, v45;
	v51 =	vor.u32 v14, v45  }
0x79: {  	v63 =	vld.idx.msk [tilespmem:v58+s4+$0x0], $0xffff;
	v52 =	vor.u32 v18, v45;
	v58 =	vor.u32 v22, v45;
	v3 =	vor.u32 v28, v45  }
0x7a: {  	v61 =	vld.idx.msk [tilespmem:v11+s4+$0x0], $0xffff;
	v42 =	vor.u32 v23, v45;
	v4 =	vmul.f32 $8.000000000e+00, v59;
	v59 =	vor.u32 v20, v45  }
0x7b: {  	_ =	sdelay $0x3  }
0x7c: {  	[tilespmem:v32+s11+$0x0] =	vst.idx.msk $0xffff, v39  }
0x7d: {  	[tilespmem:v33+s11+$0x0] =	vst.idx.msk $0xffff, v1  }
0x7e: {  	[tilespmem:v3+s11+$0x0] =	vst.idx.msk $0xffff, v62  }
0x7f: {  	v5 =	vmul.f32 $8.000000000e+00, v40;
	[tilespmem:v37+s11+$0x0] =	vst.idx.msk $0xffff, v50  }
0x80: {  	v1 =	vmul.f32 $8.000000000e+00, v60;
	[tilespmem:v2+s11+$0x0] =	vst.idx.msk $0xffff, v4  }
0x81: {  	v6 =	vld.idx.msk [tilespmem:v43+s4+$0x0], $0xffff;
	[tilespmem:v35+s11+$0x0] =	vst.idx.msk $0xffff, v5;
	v2 =	vmul.f32 $8.000000000e+00, v63  }
0x82: {  	v3 =	vld.idx.msk [tilespmem:v56+s4+$0x0], $0xffff;
	v39 =	vmul.f32 $8.000000000e+00, v38;
	[tilespmem:v57+s11+$0x0] =	vst.idx.msk $0xffff, v1;
	v1 =	vor.u32 v16, v45  }
0x83: {  	v50 =	vor.u32 v15, v45;
	v9 =	vmul.f32 $8.000000000e+00, v47;
	[tilespmem:v58+s11+$0x0] =	vst.idx.msk $0xffff, v2;
	v2 =	vld.idx.msk [tilespmem:v41+s4+$0x0], $0xffff  }
0x84: {  	v8 =	vld.idx.msk [tilespmem:v49+s4+$0x0], $0xffff;
	[tilespmem:v36+s11+$0x0] =	vst.idx.msk $0xffff, v39;
	v7 =	vmul.f32 $8.000000000e+00, v61;
	v41 =	vor.u32 v24, v45  }
0x85: {  	v10 =	vmul.f32 $8.000000000e+00, v53;
	[tilespmem:v52+s11+$0x0] =	vst.idx.msk $0xffff, v9  }
0x86: {  	v56 =	vld.idx.msk [tilespmem:v54+s4+$0x0], $0xffff;
	v6 =	vmul.f32 $8.000000000e+00, v6;
	[tilespmem:v51+s11+$0x0] =	vst.idx.msk $0xffff, v7  }
0x87: {  	v11 =	vld.idx.msk [tilespmem:v44+s4+$0x0], $0xffff;
	v57 =	vor.u32 v26, v45;
	v3 =	vmul.f32 $8.000000000e+00, v3;
	[tilespmem:v1+s11+$0x0] =	vst.idx.msk $0xffff, v10  }
0x88: {  	[tilespmem:v50+s11+$0x0] =	vst.idx.msk $0xffff, v6;
	v1 =	vmul.f32 $8.000000000e+00, v2;
	v2 =	vld.idx.msk [tilespmem:v34+s4+$0x0], $0xffff  }
0x89: {  	v58 =	vor.u32 v29, v45;
	v8 =	vmul.f32 $8.000000000e+00, v8;
	[tilespmem:v41+s11+$0x0] =	vst.idx.msk $0xffff, v3;
	v3 =	vld.idx.msk [tilespmem:v48+s4+$0x0], $0xffff  }
0x8a: {  	v60 =	vmul.f32 $8.000000000e+00, v55;
	[tilespmem:v42+s11+$0x0] =	vst.idx.msk $0xffff, v1;
	v1 =	vor.u32 v31, v45  }
0x8b: {  	v61 =	vor.u32 v19, v45;
	v62 =	vmul.f32 $8.000000000e+00, v56;
	[tilespmem:v59+s11+$0x0] =	vst.idx.msk $0xffff, v8  }
0x8c: {  	v63 =	vmul.f32 $8.000000000e+00, v11;
	[tilespmem:v57+s11+$0x0] =	vst.idx.msk $0xffff, v60  }
0x8d: {  	[tilespmem:v46+s11+$0x0] =	vst.idx.msk $0xffff, v62;
	v2 =	vmul.f32 $8.000000000e+00, v2  }
0x8e: {  	[tilespmem:v58+s11+$0x0] =	vst.idx.msk $0xffff, v63;
	v3 =	vmul.f32 $8.000000000e+00, v3  }
0x8f: {  	[tilespmem:v1+s11+$0x0] =	vst.idx.msk $0xffff, v2  }
0x90: {  	[tilespmem:v61+s11+$0x0] =	vst.idx.msk $0xffff, v3  }
0x91: {  	[hbm4b:s8+s4] =	stream.linear.scatter [tilespmem:s11], [sflag:$0x5], $0x1000, $0x38;
	[tilespmem:$0x8000] =	vst v63  }
0x92: {  	_ =	swait.ge [sflag:s12], $0x1000  }
0x93: {  	v62 =	vld [tilespmem:$0x1FF80]  }
0x94: {  	v40 =	vmov v24;
	v24 =	vmov v26;
	v26 =	vmov v29;
	v29 =	vld [tilespmem:$0x1FFC0]  }
0x95: {  	v14 =	vld [tilespmem:$0x1FFA0]  }
0x96: {  	v25 =	vld [tilespmem:$0x1FFF0]  }
0x97: {  	v22 =	vld [tilespmem:$0x1FF90]  }
0x98: {  	v21 =	vld [tilespmem:$0x1FFB0]  }
0x99: {  	v18 =	vld [tilespmem:$0x1FFE0]  }
0x9a: {  	[sflag:s12] =	ssyncset.done $0x0;
	v30 =	vld [tilespmem:$0x1FFD0]  }
0x9b: {  	v28 =	vmov v17;
	v13 =	vmov v40;
	v63 =	vld [tilespmem:$0x1FF70];
	[sflag:s12] =	ssyncadd.s32 $0xFFFFF000  }
.LBB2_5:
.Ltmp4:
0x9c: {  	(pc) =	sbr.rel .LBB2_6-.Ltmp4, $3  }
0x9d: {  	_ =	sdelay $0x1  }
0x9e: {  	s21 =	simm.s32 $0x0  }
0x9f: {  	[tilespmem:s21], [sflag:$0x1] =	stream.strided.gather [hbm4b:s9+s13], $0x2000, s14, s13, $0x38;
	[tilespmem:$0x8000] =	vst v63  }
.LBB2_14:
0xa0: {  	s21 =	sadd.s32 $0x1, s21  }
0xa1: {  	p1 =	sne.s32 s21, $0x7B  }
.Ltmp5:
0xa2: {  	_ = 	snop;
	(pc) =	sbr.rel @!p1 .LBB2_15-.Ltmp5, $1  }
0xa3: {  	_ =	sdelay $0x3  }
.LBB2_6:
0xa4: {  	s23 =	sshll.u32 s21, $0x1  }
0xa5: {  	p2 =	sge.u32 s23, s7  }
.Ltmp6:
0xa6: {  	_ = 	snop;
	(pc) =	sbr.rel @p2 .LBB2_10-.Ltmp6, $3  }
0xa7: {  	_ =	sdelay $0x1  }
0xa8: {  	s22 =	sshllo.u32 s21, $0x1  }
0xa9: {  	p1 =	sge.u32 s22, s7  }
0xaa: {  	s24 =	simm.s32 $0x0;
	s25 =	simm.s32 $0x0  }
0xab: {  	p2 =	seq.s32 @!p1 s21, $0x0;
	s24 =	sand.u32 $0x20, s24;
	v2 =	vadd.s32 s25, v0  }
0xac: {  	p2 =	por p2, p1;
	v1 =	vor.u32 s24, v0;
	v4 =	vand.u32 $0xF, v2  }
0xad: {  	s26 =	sor.u32 $0x10, s24;
	s28 =	simm.s32 @!p2 $0x4;
	s24 =	sadd.s32 @!p1 s6, s22;
	v5 =	vshll.u32 v2, $0x6;
	v9 =	vor.u32 $0x50, v2;
	v33 =	vor.u32 $0x10, v2  }
0xae: {  	s25 =	simm.s32 @!p1 $0x400;
	v37 =	vor.u32 $0x30, v2;
	v2 =	vor.u32 $0x70, v2;
	v3 =	vor.u32 s26, v0;
	_ =	swait.ge @!p2 [sflag:s28], $0x2000;
	s24 =	sshll.u32 @!p1 s24, $0x7  }
0xaf: {  	v6 =	vshll.u32 v1, $0x7;
	v7 =	vor.u32 $0x20, v4;
	v8 =	vor.u32 $0x40, v4;
	s26 =	simm.s32 @!p1 $0x7A1400;
	[sflag:s28] =	ssyncset.done @!p2 $0x0;
	s24 =	sand.u32 @!p1 $0x1FFFFF80, s24  }
0xb0: {  	v32 =	vor.u32 $0x60, v4;
	v40 =	vand.u32 $0x40, v5;
	v11 =	vor.u32 v8, v6;
	[sflag:s28] =	ssyncadd.s32 @!p2 $0xFFFFE000;
	s24 =	sadd.s32 @!p1 s1, s24;
	s28 =	simm.s32 @!p1 $0x2000  }
0xb1: {  	v5 =	vand.u32 $0x380, v5;
	v10 =	vor.u32 v7, v6;
	v45 =	vshll.u32 v3, $0x7;
	[tilespmem:s28], [sflag:$0x2] =	stream.strided.gather @!p1 [hbm4b:s24+s25], $0x2000, s26, s25, $0x38;
	[tilespmem:$0x8000] =	vst v63  }
0xb2: {  	v44 =	vor.u32 v33, v6;
	v34 =	vor.u32 v37, v6;
	v35 =	vor.u32 v9, v6;
	_ =	swait.ge [sflag:s15], $0x2000  }
0xb3: {  	v39 =	vor.u32 v4, v6;
	v53 =	vor.u32 v32, v6;
	v6 =	vor.u32 v2, v6;
	[sflag:s15] =	ssyncset.done $0x0  }
0xb4: {  	v38 =	vor.u32 v1, v40;
	v41 =	vor.u32 $0x800, v5;
	v43 =	vor.u32 $0xC00, v5;
	[sflag:s15] =	ssyncadd.s32 $0xFFFFE000  }
0xb5: {  	v42 =	vor.u32 $0x1400, v5;
	v48 =	vor.u32 v40, v5;
	v32 =	vor.u32 v32, v45;
	v11 =	vld.idx.msk [tilespmem:v11+s4+$0x0], $0xffff  }
0xb6: {  	v51 =	vor.u32 $0x1000, v5;
	v58 =	vor.u32 $0x1800, v5;
	v8 =	vor.u32 v8, v45;
	v10 =	vld.idx.msk [tilespmem:v10+s4+$0x0], $0xffff  }
0xb7: {  	v40 =	vor.u32 v3, v40;
	v61 =	vor.u32 $0x1C00, v5;
	v7 =	vor.u32 v7, v45;
	v57 =	vld.idx.msk [tilespmem:v35+s4+$0x0], $0xffff  }
0xb8: {  	v50 =	vor.u32 v38, v41;
	v56 =	vor.u32 v38, v43;
	v36 =	vor.u32 v38, v42;
	v54 =	vld.idx.msk [tilespmem:v34+s4+$0x0], $0xffff  }
0xb9: {  	v59 =	vor.u32 v33, v45;
	v33 =	vor.u32 v40, v42;
	v49 =	vor.u32 v40, v51;
	v60 =	vld.idx.msk [tilespmem:v39+s4+$0x0], $0xffff  }
0xba: {  	v1 =	vor.u32 v1, v48;
	v51 =	vor.u32 v38, v51;
	v55 =	vor.u32 v4, v45;
	v46 =	vld.idx.msk [tilespmem:v32+s4+$0x0], $0xffff  }
0xbb: {  	v4 =	vor.u32 $0x400, v5;
	v34 =	vor.u32 v3, v48;
	v8 =	vld.idx.msk [tilespmem:v8+s4+$0x0], $0xffff;
	v3 =	vmul.f32 $8.000000000e+00, v10  }
0xbc: {  	v35 =	vor.u32 v38, v58;
	v32 =	vor.u32 v40, v43;
	v39 =	vor.u32 v38, v61;
	v47 =	vld.idx.msk [tilespmem:v6+s4+$0x0], $0xffff  }
0xbd: {  	v43 =	vor.u32 v40, v41;
	v48 =	vld.idx.msk [tilespmem:v44+s4+$0x0], $0xffff;
	[tilespmem:v50+s11+$0x0] =	vst.idx.msk $0xffff, v3;
	v50 =	vor.u32 v2, v45  }
0xbe: {  	v41 =	vor.u32 v37, v45;
	v52 =	vld.idx.msk [tilespmem:v7+s4+$0x0], $0xffff;
	v42 =	vmul.f32 $8.000000000e+00, v11;
	v6 =	vmul.f32 $8.000000000e+00, v54  }
0xbf: {  	v44 =	vld.idx.msk [tilespmem:v53+s4+$0x0], $0xffff;
	v54 =	vor.u32 v9, v45;
	v3 =	vmul.f32 $8.000000000e+00, v60;
	v2 =	vor.u32 v40, v58  }
0xc0: {  	s24 =	simm.s32 $0x0;
	s25 =	simm.s32 $0x20;
	v37 =	vor.u32 v40, v61;
	v53 =	vmul.f32 $8.000000000e+00, v57;
	v45 =	vld.idx.msk [tilespmem:v59+s4+$0x0], $0xffff;
	[tilespmem:v56+s11+$0x0] =	vst.idx.msk $0xffff, v6;
	v56 =	vmul.f32 $8.000000000e+00, v8  }
.LBB2_8:
0xc1: {  	s24 =	sadd.s32 $0x10, s24;
	s26 =	sand.u32 $0x20, s25;
	[tilespmem:v1+s11+$0x0] =	vst.idx.msk $0xffff, v3;
	v1 =	vor.u32 v38, v4;
	v3 =	vor.u32 v40, v4;
	v4 =	vmul.f32 $8.000000000e+00, v46  }
0xc2: {  	v6 =	vmul.f32 $8.000000000e+00, v48;
	v7 =	vmul.f32 $8.000000000e+00, v47;
	s28 =	sshrl.u32 s24, $0x5;
	v5 =	vor.u32 s26, v0;
	s26 =	sor.u32 $0x10, s26;
	p2 =	slt.u32 s24, $0x1F0;
	[tilespmem:v49+s11+$0x0] =	vst.idx.msk $0xffff, v56;
	v8 =	vld.idx.msk [tilespmem:v50+s4+$0x0], $0xffff  }
0xc3: {  	v38 =	vmul.f32 $8.000000000e+00, v52;
	v9 =	vadd.s32 s28, v0;
	v10 =	vor.u32 s26, v0;
	[tilespmem:v51+s11+$0x0] =	vst.idx.msk $0xffff, v42;
	v11 =	vld.idx.msk [tilespmem:v55+s4+$0x0], $0xffff  }
0xc4: {  	v42 =	vshll.u32 v5, $0x7;
	v55 =	vand.u32 $0xF, v9;
	v40 =	vshll.u32 v9, $0x6;
	v46 =	vld.idx.msk [tilespmem:v54+s4+$0x0], $0xffff;
	[tilespmem:v2+s11+$0x0] =	vst.idx.msk $0xffff, v4  }
0xc5: {  	v54 =	vor.u32 $0x50, v9;
	v2 =	vor.u32 $0x20, v55;
	v4 =	vor.u32 $0x40, v55;
	[tilespmem:v43+s11+$0x0] =	vst.idx.msk $0xffff, v38;
	v38 =	vld.idx.msk [tilespmem:v41+s4+$0x0], $0xffff  }
0xc6: {  	v41 =	vor.u32 v2, v42;
	v43 =	vor.u32 v4, v42;
	[tilespmem:v36+s11+$0x0] =	vst.idx.msk $0xffff, v53;
	v36 =	vmul.f32 $8.000000000e+00, v44  }
0xc7: {  	v44 =	vor.u32 $0x60, v55;
	v53 =	vshll.u32 v10, $0x7;
	[tilespmem:v39+s11+$0x0] =	vst.idx.msk $0xffff, v7;
	v7 =	vmul.f32 $8.000000000e+00, v45  }
0xc8: {  	v39 =	vor.u32 $0x10, v9;
	v45 =	vor.u32 $0x30, v9;
	[tilespmem:v1+s11+$0x0] =	vst.idx.msk $0xffff, v6;
	v1 =	vmul.f32 $8.000000000e+00, v8  }
0xc9: {  	v6 =	vor.u32 v39, v42;
	v8 =	vor.u32 v45, v42;
	v11 =	vmul.f32 $8.000000000e+00, v11;
	[tilespmem:v35+s11+$0x0] =	vst.idx.msk $0xffff, v36  }
0xca: {  	v2 =	vor.u32 v2, v53;
	v35 =	vor.u32 v54, v42;
	[tilespmem:v3+s11+$0x0] =	vst.idx.msk $0xffff, v7;
	v3 =	vmul.f32 $8.000000000e+00, v46  }
0xcb: {  	v56 =	vor.u32 v44, v42;
	v9 =	vor.u32 $0x70, v9;
	v7 =	vor.u32 v55, v42;
	[tilespmem:v34+s11+$0x0] =	vst.idx.msk $0xffff, v11  }
0xcc: {  	v36 =	vmul.f32 $8.000000000e+00, v38;
	v11 =	vand.u32 $0x40, v40;
	v34 =	vld.idx.msk [tilespmem:v43+s4+$0x0], $0xffff;
	v43 =	vor.u32 v9, v42;
	[tilespmem:v33+s11+$0x0] =	vst.idx.msk $0xffff, v3  }
0xcd: {  	v57 =	vand.u32 $0x380, v40;
	v38 =	vor.u32 v5, v11;
	v3 =	vor.u32 v44, v53;
	[tilespmem:v37+s11+$0x0] =	vst.idx.msk $0xffff, v1  }
0xce: {  	v4 =	vor.u32 v4, v53;
	v37 =	vor.u32 $0x800, v57;
	v1 =	vld.idx.msk [tilespmem:v41+s4+$0x0], $0xffff;
	v41 =	vor.u32 $0xC00, v57;
	[tilespmem:v32+s11+$0x0] =	vst.idx.msk $0xffff, v36  }
0xcf: {  	v44 =	vor.u32 v38, v37;
	v32 =	vor.u32 $0x1400, v57;
	v58 =	vor.u32 v38, v41;
	v59 =	vld.idx.msk [tilespmem:v35+s4+$0x0], $0xffff  }
0xd0: {  	v50 =	vor.u32 $0x1000, v57;
	v48 =	vor.u32 v11, v57;
	v36 =	vor.u32 v38, v32;
	v8 =	vld.idx.msk [tilespmem:v8+s4+$0x0], $0xffff  }
0xd1: {  	v60 =	vor.u32 $0x1800, v57;
	v40 =	vor.u32 v10, v11;
	v11 =	vor.u32 v39, v53;
	v7 =	vld.idx.msk [tilespmem:v7+s4+$0x0], $0xffff  }
0xd2: {  	v61 =	vor.u32 $0x1C00, v57;
	v35 =	vor.u32 v38, v60;
	v33 =	vor.u32 v40, v32;
	v46 =	vld.idx.msk [tilespmem:v3+s4+$0x0], $0xffff  }
0xd3: {  	v32 =	vor.u32 v40, v41;
	v42 =	vmul.f32 $8.000000000e+00, v34;
	v34 =	vor.u32 v10, v48;
	v10 =	vld.idx.msk [tilespmem:v4+s4+$0x0], $0xffff  }
0xd4: {  	v39 =	vor.u32 v38, v61;
	v49 =	vor.u32 v40, v50;
	v3 =	vmul.f32 $8.000000000e+00, v1;
	v47 =	vld.idx.msk [tilespmem:v43+s4+$0x0], $0xffff  }
.Ltmp7:
0xd5: {  	v41 =	vor.u32 v45, v53;
	v1 =	vor.u32 v5, v48;
	v43 =	vor.u32 v40, v37;
	v48 =	vld.idx.msk [tilespmem:v6+s4+$0x0], $0xffff;
	(pc) =	sbr.rel @p2 .LBB2_8-.Ltmp7, $4  }
0xd6: {  	v51 =	vor.u32 v38, v50;
	v50 =	vor.u32 v9, v53;
	[tilespmem:v44+s11+$0x0] =	vst.idx.msk $0xffff, v3;
	v52 =	vld.idx.msk [tilespmem:v2+s4+$0x0], $0xffff  }
0xd7: {  	v55 =	vor.u32 v55, v53;
	v37 =	vor.u32 v40, v61;
	v5 =	vmul.f32 $8.000000000e+00, v8;
	v44 =	vld.idx.msk [tilespmem:v56+s4+$0x0], $0xffff  }
0xd8: {  	v54 =	vor.u32 v54, v53;
	v3 =	vmul.f32 $8.000000000e+00, v7;
	v2 =	vor.u32 v40, v60;
	v45 =	vld.idx.msk [tilespmem:v11+s4+$0x0], $0xffff  }
0xd9: {  	s25 =	sadd.s32 $0x20, s25;
	v4 =	vor.u32 $0x400, v57;
	v53 =	vmul.f32 $8.000000000e+00, v59;
	v56 =	vmul.f32 $8.000000000e+00, v10;
	[tilespmem:v58+s11+$0x0] =	vst.idx.msk $0xffff, v5  }
0xda: {  	_ =	sdelay $0x3  }
0xdb: {  	[tilespmem:v1+s11+$0x0] =	vst.idx.msk $0xffff, v3  }
0xdc: {  	[tilespmem:v51+s11+$0x0] =	vst.idx.msk $0xffff, v42  }
0xdd: {  	v1 =	vmul.f32 $8.000000000e+00, v46;
	[tilespmem:v49+s11+$0x0] =	vst.idx.msk $0xffff, v56  }
0xde: {  	v3 =	vor.u32 v38, v4;
	v6 =	vld.idx.msk [tilespmem:v55+s4+$0x0], $0xffff;
	v5 =	vmul.f32 $8.000000000e+00, v52;
	[tilespmem:v36+s11+$0x0] =	vst.idx.msk $0xffff, v53  }
0xdf: {  	v60 =	vld.idx.msk [tilespmem:v54+s4+$0x0], $0xffff;
	[tilespmem:v2+s11+$0x0] =	vst.idx.msk $0xffff, v1;
	v1 =	vor.u32 v40, v4;
	v2 =	vmul.f32 $8.000000000e+00, v47  }
0xe0: {  	v7 =	vld.idx.msk [tilespmem:v50+s4+$0x0], $0xffff;
	v9 =	vmul.f32 $8.000000000e+00, v44;
	[tilespmem:v43+s11+$0x0] =	vst.idx.msk $0xffff, v5  }
0xe1: {  	v61 =	vmul.f32 $8.000000000e+00, v48;
	v8 =	vld.idx.msk [tilespmem:v41+s4+$0x0], $0xffff;
	[tilespmem:v39+s11+$0x0] =	vst.idx.msk $0xffff, v2  }
0xe2: {  	v2 =	vmul.f32 $8.000000000e+00, v45;
	[tilespmem:v35+s11+$0x0] =	vst.idx.msk $0xffff, v9  }
0xe3: {  	[tilespmem:v3+s11+$0x0] =	vst.idx.msk $0xffff, v61;
	v3 =	vmul.f32 $8.000000000e+00, v6  }
0xe4: {  	[tilespmem:v1+s11+$0x0] =	vst.idx.msk $0xffff, v2;
	v1 =	vmul.f32 $8.000000000e+00, v60  }
0xe5: {  	s24 =	sadd.s32 s6, s23;
	v2 =	vmul.f32 $8.000000000e+00, v7;
	[tilespmem:v34+s11+$0x0] =	vst.idx.msk $0xffff, v3  }
0xe6: {  	s24 =	sshll.u32 s24, $0xA;
	v3 =	vmul.f32 $8.000000000e+00, v8;
	[tilespmem:v33+s11+$0x0] =	vst.idx.msk $0xffff, v1  }
0xe7: {  	s24 =	sand.u32 $0x1FFFFC00, s24;
	[tilespmem:v37+s11+$0x0] =	vst.idx.msk $0xffff, v2  }
0xe8: {  	s24 =	sadd.s32 s5, s24;
	[tilespmem:v32+s11+$0x0] =	vst.idx.msk $0xffff, v3  }
0xe9: {  	[hbm4b:s24+s4] =	stream.linear.scatter [tilespmem:s11], [sflag:$0x3], $0x2000, $0x38;
	[tilespmem:$0x8000] =	vst v63  }
.LBB2_10:
.Ltmp8:
0xea: {  	(pc) =	sbr.rel @p1 .LBB2_14-.Ltmp8, $1  }
0xeb: {  	_ =	sdelay $0x3  }
0xec: {  	s23 =	sadd.s32 $0x2, s23;
	s24 =	simm.s32 $0x0  }
0xed: {  	s26 =	simm.s32 $0x0;
	p1 =	sge.u32 s23, s7;
	s24 =	sand.u32 $0x20, s24  }
0xee: {  	v1 =	vadd.s32 s26, v0;
	s25 =	simm.s32 @!p1 $0x3;
	s23 =	sadd.s32 @!p1 s6, s23;
	s28 =	sor.u32 $0x10, s24  }
0xef: {  	v3 =	vand.u32 $0xF, v1;
	v5 =	vor.u32 s24, v0;
	s24 =	simm.s32 @!p1 $0x400;
	_ =	swait.ge @!p1 [sflag:s25], $0x2000;
	s23 =	sshll.u32 @!p1 s23, $0x7;
	v2 =	vor.u32 s28, v0  }
0xf0: {  	s26 =	simm.s32 @!p1 $0x0;
	v7 =	vshll.u32 v5, $0x7;
	v8 =	vor.u32 $0x2000, v3;
	[sflag:s25] =	ssyncset.done @!p1 $0x0;
	s23 =	sand.u32 @!p1 $0x1FFFFF80, s23;
	v4 =	vshll.u32 v2, $0x7  }
0xf1: {  	[sflag:s25] =	ssyncadd.s32 @!p1 $0xFFFFE000;
	s23 =	sadd.s32 @!p1 s1, s23;
	v6 =	vor.u32 v3, v4;
	s25 =	simm.s32 @!p1 $0x7A1400;
	v3 =	vor.u32 v3, v7;
	v7 =	vor.u32 v7, v8  }
0xf2: {  	v4 =	vor.u32 v4, v8;
	[tilespmem:s26], [sflag:$0x1] =	stream.strided.gather @!p1 [hbm4b:s23+s24], $0x2000, s25, s24, $0x38;
	[tilespmem:$0x8000] =	vst v63  }
0xf3: {  	v9 =	vor.u32 $0x2070, v6;
	_ =	swait.ge [sflag:s16], $0x2000  }
0xf4: {  	v10 =	vor.u32 $0x2010, v3;
	[sflag:s16] =	ssyncset.done $0x0  }
0xf5: {  	v1 =	vshll.u32 v1, $0x6;
	v11 =	vor.u32 $0x2020, v3;
	[sflag:s16] =	ssyncadd.s32 $0xFFFFE000  }
0xf6: {  	v40 =	vand.u32 $0x40, v1;
	v1 =	vand.u32 $0x380, v1;
	v35 =	vor.u32 $0x2030, v3;
	v7 =	vld.idx.msk [tilespmem:v7+s4+$0x0], $0xffff  }
0xf7: {  	v41 =	vor.u32 $0x3C00, v1;
	v34 =	vor.u32 v2, v40;
	v36 =	vor.u32 $0x2040, v3;
	v61 =	vld.idx.msk [tilespmem:v4+s4+$0x0], $0xffff  }
0xf8: {  	v5 =	vor.u32 v5, v40;
	v40 =	vor.u32 $0x2400, v1;
	v37 =	vor.u32 $0x2050, v3;
	v9 =	vld.idx.msk [tilespmem:v9+s4+$0x0], $0xffff  }
0xf9: {  	v63 =	vor.u32 $0x2800, v1;
	v2 =	vor.u32 $0x2C00, v1;
	v38 =	vor.u32 $0x2060, v3;
	v10 =	vld.idx.msk [tilespmem:v10+s4+$0x0], $0xffff  }
0xfa: {  	v44 =	vor.u32 $0x3400, v1;
	v43 =	vor.u32 $0x3800, v1;
	v3 =	vor.u32 $0x2070, v3;
	v11 =	vld.idx.msk [tilespmem:v11+s4+$0x0], $0xffff  }
0xfb: {  	v42 =	vor.u32 v34, v41;
	v8 =	vor.u32 $0x3000, v1;
	v45 =	vor.u32 $0x2010, v6;
	v35 =	vld.idx.msk [tilespmem:v35+s4+$0x0], $0xffff  }
0xfc: {  	v47 =	vor.u32 v5, v40;
	v50 =	vor.u32 v5, v63;
	v39 =	vor.u32 $0x2020, v6;
	v36 =	vld.idx.msk [tilespmem:v36+s4+$0x0], $0xffff  }
0xfd: {  	v15 =	vmovc v13;
	v13 =	vmovc v12;
	v51 =	vor.u32 v5, v2;
	v60 =	vor.u32 $0x2030, v6;
	v12 =	vor.u32 $0x2040, v6;
	v37 =	vld.idx.msk [tilespmem:v37+s4+$0x0], $0xffff  }
0xfe: {  	v33 =	vor.u32 $0x2050, v6;
	v32 =	vor.u32 $0x2060, v6;
	v6 =	vor.u32 $0x2000, v1;
	v1 =	vld.idx.msk [tilespmem:v38+s4+$0x0], $0xffff  }
0xff: {  	v49 =	vor.u32 v5, v44;
	v46 =	vor.u32 v5, v43;
	v48 =	vor.u32 v5, v8;
	v62 =	vld.idx.msk [tilespmem:v3+s4+$0x0], $0xffff  }
0x100: {  	v52 =	vor.u32 v5, v6;
	v57 =	vld.idx.msk [tilespmem:v45+s4+$0x0], $0xffff;
	v54 =	vmul.f32 $8.000000000e+00, v7;
	v9 =	vmul.f32 $8.000000000e+00, v9  }
0x101: {  	v45 =	vor.u32 v5, v41;
	v38 =	vld.idx.msk [tilespmem:v39+s4+$0x0], $0xffff;
	v53 =	vmul.f32 $8.000000000e+00, v10;
	v55 =	vmul.f32 $8.000000000e+00, v11  }
0x102: {  	v19 =	vmovc v18;
	v41 =	vor.u32 v34, v40;
	v39 =	vld.idx.msk [tilespmem:v60+s4+$0x0], $0xffff;
	v56 =	vmul.f32 $8.000000000e+00, v35;
	v58 =	vmul.f32 $8.000000000e+00, v36  }
0x103: {  	v17 =	vmovc v16;
	v40 =	vld.idx.msk [tilespmem:v12+s4+$0x0], $0xffff;
	v59 =	vmul.f32 $8.000000000e+00, v37;
	v36 =	vor.u32 v34, v63;
	v37 =	vor.u32 v34, v2  }
0x104: {  	s23 =	simm.s32 $0x0;
	s24 =	simm.s32 $0x20;
	v60 =	vmul.f32 $8.000000000e+00, v1;
	v35 =	vor.u32 v34, v8;
	[tilespmem:v42+s11+$0x0] =	vst.idx.msk $0xffff, v9;
	v42 =	vor.u32 v34, v6  }
.LBB2_12:
0x105: {  	s23 =	sadd.s32 $0x10, s23;
	s25 =	sand.u32 $0x20, s24;
	v1 =	vmul.f32 $8.000000000e+00, v62;
	v2 =	vld.idx.msk [tilespmem:v33+s4+$0x0], $0xffff;
	v3 =	vor.u32 v34, v44;
	v4 =	vor.u32 v34, v43  }
0x106: {  	v6 =	vmul.f32 $8.000000000e+00, v61;
	s26 =	sshrl.u32 s23, $0x5;
	v5 =	vor.u32 s25, v0;
	s25 =	sor.u32 $0x10, s25;
	p1 =	slt.u32 s23, $0x1F0;
	[tilespmem:v52+s11+$0x0] =	vst.idx.msk $0xffff, v54;
	v7 =	vld.idx.msk [tilespmem:v32+s4+$0x0], $0xffff  }
0x107: {  	v8 =	vadd.s32 s26, v0;
	v9 =	vshll.u32 v5, $0x7;
	v10 =	vor.u32 s25, v0;
	[tilespmem:v47+s11+$0x0] =	vst.idx.msk $0xffff, v53  }
0x108: {  	v34 =	vmul.f32 $8.000000000e+00, v57;
	v11 =	vand.u32 $0xF, v8;
	v32 =	vshll.u32 v10, $0x7;
	[tilespmem:v50+s11+$0x0] =	vst.idx.msk $0xffff, v55  }
0x109: {  	v33 =	vor.u32 $0x2000, v11;
	v43 =	vor.u32 v11, v9;
	v11 =	vor.u32 v11, v32;
	[tilespmem:v51+s11+$0x0] =	vst.idx.msk $0xffff, v56  }
0x10a: {  	v9 =	vor.u32 v9, v33;
	v44 =	vor.u32 $0x2010, v43;
	v47 =	vor.u32 $0x2070, v11;
	[tilespmem:v48+s11+$0x0] =	vst.idx.msk $0xffff, v58  }
0x10b: {  	v48 =	vor.u32 $0x2020, v43;
	v50 =	vor.u32 $0x2030, v43;
	v51 =	vor.u32 $0x2040, v43;
	[tilespmem:v49+s11+$0x0] =	vst.idx.msk $0xffff, v59  }
0x10c: {  	v53 =	vor.u32 $0x2060, v43;
	v55 =	vor.u32 $0x2070, v43;
	v49 =	vor.u32 $0x2050, v43;
	[tilespmem:v46+s11+$0x0] =	vst.idx.msk $0xffff, v60  }
0x10d: {  	v57 =	vor.u32 $0x2010, v11;
	v59 =	vor.u32 $0x2020, v11;
	v46 =	vor.u32 v32, v33;
	[tilespmem:v45+s11+$0x0] =	vst.idx.msk $0xffff, v1  }
0x10e: {  	v63 =	vor.u32 $0x2040, v11;
	v33 =	vor.u32 $0x2050, v11;
	v1 =	vor.u32 $0x2030, v11;
	[tilespmem:v42+s11+$0x0] =	vst.idx.msk $0xffff, v6  }
0x10f: {  	v32 =	vor.u32 $0x2060, v11;
	v11 =	vmul.f32 $8.000000000e+00, v38;
	v6 =	vshll.u32 v8, $0x6;
	v8 =	vld.idx.msk [tilespmem:v47+s4+$0x0], $0xffff;
	[tilespmem:v41+s11+$0x0] =	vst.idx.msk $0xffff, v34  }
0x110: {  	v39 =	vmul.f32 $8.000000000e+00, v39;
	v38 =	vand.u32 $0x40, v6;
	v6 =	vand.u32 $0x380, v6;
	v9 =	vld.idx.msk [tilespmem:v9+s4+$0x0], $0xffff  }
0x111: {  	v42 =	vor.u32 $0x3C00, v6;
	v34 =	vor.u32 v10, v38;
	v10 =	vmul.f32 $8.000000000e+00, v40;
	v41 =	vld.idx.msk [tilespmem:v44+s4+$0x0], $0xffff;
	[tilespmem:v36+s11+$0x0] =	vst.idx.msk $0xffff, v11  }
0x112: {  	v2 =	vmul.f32 $8.000000000e+00, v2;
	v7 =	vmul.f32 $8.000000000e+00, v7;
	v36 =	vor.u32 v34, v42;
	v11 =	vld.idx.msk [tilespmem:v48+s4+$0x0], $0xffff;
	[tilespmem:v37+s11+$0x0] =	vst.idx.msk $0xffff, v39  }
0x113: {  	v5 =	vor.u32 v5, v38;
	v37 =	vor.u32 $0x2000, v6;
	v39 =	vor.u32 $0x2400, v6;
	v38 =	vld.idx.msk [tilespmem:v50+s4+$0x0], $0xffff;
	[tilespmem:v35+s11+$0x0] =	vst.idx.msk $0xffff, v10  }
0x114: {  	v12 =	vor.u32 $0x3000, v6;
	v10 =	vor.u32 $0x2800, v6;
	v35 =	vor.u32 $0x2C00, v6;
	v40 =	vld.idx.msk [tilespmem:v51+s4+$0x0], $0xffff;
	[tilespmem:v3+s11+$0x0] =	vst.idx.msk $0xffff, v2  }
0x115: {  	v43 =	vor.u32 $0x3800, v6;
	v44 =	vor.u32 $0x3400, v6;
	v3 =	vmul.f32 $8.000000000e+00, v8;
	v2 =	vld.idx.msk [tilespmem:v49+s4+$0x0], $0xffff;
	[tilespmem:v4+s11+$0x0] =	vst.idx.msk $0xffff, v7  }
0x116: {  	v52 =	vor.u32 v5, v37;
	v47 =	vor.u32 v5, v39;
	v54 =	vmul.f32 $8.000000000e+00, v9;
	v4 =	vld.idx.msk [tilespmem:v53+s4+$0x0], $0xffff  }
0x117: {  	v50 =	vor.u32 v5, v10;
	v53 =	vmul.f32 $8.000000000e+00, v41;
	v62 =	vld.idx.msk [tilespmem:v55+s4+$0x0], $0xffff;
	[tilespmem:v36+s11+$0x0] =	vst.idx.msk $0xffff, v3  }
.Ltmp9:
0x118: {  	v48 =	vor.u32 v5, v12;
	v51 =	vor.u32 v5, v35;
	v55 =	vmul.f32 $8.000000000e+00, v11;
	v61 =	vld.idx.msk [tilespmem:v46+s4+$0x0], $0xffff;
	(pc) =	sbr.rel @p1 .LBB2_12-.Ltmp9, $4  }
0x119: {  	v49 =	vor.u32 v5, v44;
	v56 =	vmul.f32 $8.000000000e+00, v38;
	v46 =	vor.u32 v5, v43;
	v57 =	vld.idx.msk [tilespmem:v57+s4+$0x0], $0xffff  }
0x11a: {  	v45 =	vor.u32 v5, v42;
	v42 =	vor.u32 v34, v37;
	v58 =	vmul.f32 $8.000000000e+00, v40;
	v38 =	vld.idx.msk [tilespmem:v59+s4+$0x0], $0xffff  }
0x11b: {  	v41 =	vor.u32 v34, v39;
	v36 =	vor.u32 v34, v10;
	v59 =	vmul.f32 $8.000000000e+00, v2;
	v39 =	vld.idx.msk [tilespmem:v1+s4+$0x0], $0xffff  }
0x11c: {  	s24 =	sadd.s32 $0x20, s24;
	v37 =	vor.u32 v34, v35;
	v35 =	vor.u32 v34, v12;
	v60 =	vmul.f32 $8.000000000e+00, v4;
	v40 =	vld.idx.msk [tilespmem:v63+s4+$0x0], $0xffff  }
0x11d: {  	_ =	sdelay $0x3  }
0x11e: {  	[tilespmem:v52+s11+$0x0] =	vst.idx.msk $0xffff, v54  }
0x11f: {  	[tilespmem:v47+s11+$0x0] =	vst.idx.msk $0xffff, v53  }
0x120: {  	[tilespmem:v50+s11+$0x0] =	vst.idx.msk $0xffff, v55  }
0x121: {  	[tilespmem:v51+s11+$0x0] =	vst.idx.msk $0xffff, v56  }
0x122: {  	[tilespmem:v48+s11+$0x0] =	vst.idx.msk $0xffff, v58  }
0x123: {  	v1 =	vmul.f32 $8.000000000e+00, v62;
	[tilespmem:v49+s11+$0x0] =	vst.idx.msk $0xffff, v59  }
0x124: {  	v2 =	vld.idx.msk [tilespmem:v33+s4+$0x0], $0xffff;
	v3 =	vmul.f32 $8.000000000e+00, v61;
	[tilespmem:v46+s11+$0x0] =	vst.idx.msk $0xffff, v60  }
0x125: {  	v4 =	vld.idx.msk [tilespmem:v32+s4+$0x0], $0xffff;
	v5 =	vmul.f32 $8.000000000e+00, v57;
	[tilespmem:v45+s11+$0x0] =	vst.idx.msk $0xffff, v1  }
0x126: {  	v1 =	vor.u32 v34, v44;
	[tilespmem:v42+s11+$0x0] =	vst.idx.msk $0xffff, v3;
	v3 =	vmul.f32 $8.000000000e+00, v38  }
0x127: {  	v6 =	vor.u32 v34, v43;
	[tilespmem:v41+s11+$0x0] =	vst.idx.msk $0xffff, v5;
	v63 =	vmul.f32 $8.000000000e+00, v39  }
0x128: {  	[tilespmem:v36+s11+$0x0] =	vst.idx.msk $0xffff, v3;
	v3 =	vmul.f32 $8.000000000e+00, v40  }
0x129: {  	[tilespmem:v37+s11+$0x0] =	vst.idx.msk $0xffff, v63;
	v2 =	vmul.f32 $8.000000000e+00, v2  }
.Ltmp10:
0x12a: {  	s22 =	sadd.s32 s6, s22;
	v4 =	vmul.f32 $8.000000000e+00, v4;
	[tilespmem:v35+s11+$0x0] =	vst.idx.msk $0xffff, v3;
	(pc) =	sbr.rel .LBB2_14-.Ltmp10, $4  }
0x12b: {  	s22 =	sshll.u32 s22, $0xA;
	[tilespmem:v1+s11+$0x0] =	vst.idx.msk $0xffff, v2  }
0x12c: {  	s22 =	sand.u32 $0x1FFFFC00, s22;
	[tilespmem:v6+s11+$0x0] =	vst.idx.msk $0xffff, v4  }
0x12d: {  	s22 =	sadd.s32 s5, s22;
	v63 =	vld [tilespmem:$0x1FF70]  }
0x12e: {  	v12 =	vmovc v13;
	v13 =	vmov v15;
	v16 =	vmov v17;
	v18 =	vmov v19;
	[hbm4b:s22+s4] =	stream.linear.scatter [tilespmem:s17], [sflag:$0x4], $0x2000, $0x38;
	v62 =	vld [tilespmem:$0x1FF80]  }
.LBB2_16:
0x12f: {  	_ =	sfence.sel $0x180000  }
0x130: {  	[bflag:$0x0] =	sbarrier.arrive $0xFFFF  }
0x131: {  	p0 =	sne.s32 s0, $0x0;
	_ =	strace $0x90000047  }
0x132: {  	s0 =	sadd.s32 @!p0 $0x100000, s3;
	[bflag:$0x2] =	sbarrier.arrive $0xFFFF  }
0x133: {  	[sflag:s0] =	ssyncadd.tile.s32 @!p0 $0x1;
	_ =	shalt  }
.Lfunc_end2:
_tile_overlayer_lowered:
.L_overlay_start_2:
0x134: {  	(tag) =	ssettag $0x2  }
0x135: {  	s0 =	rddreg [dreg:$0x0];
	s2 =	stileid.u32  }
0x136: {  	s1 =	rddreg [dreg:$0x1];
	p0 =	sne.s32 s2, $0x0  }
0x137: {  	s3 =	rddreg [dreg:$0x2];
	[bflag:$0x3] =	sbarrier.arrive $0xFFFF;
	s2 =	simm.s32 @!p0 $0x1C05  }
0x138: {  	[timem:s3], [sflag:s2] =	dma.local @!p0 [hbm:s0], s1  }
0x139: {  	s0 =	simm.s32 @!p0 $0x5  }
0x13a: {  	_ =	swait.ge @!p0 [sflag:s0], s1  }
0x13b: {  	s1 =	ssub.s32 @!p0 $0x0, s1;
	[sflag:s0] =	ssyncset.done @!p0 $0x0  }
0x13c: {  	[sflag:s0] =	ssyncadd.s32 @!p0 s1  }
0x13d: {  	[bflag:$0x3] =	sbarrier.arrive $0xFFFF  }
0x13e: {  	_ =	shalt  }

// kernel: _embed.7.cloned.1.call-start
scs
__scs_entry_jumppad:
0x0: {  	(pc) =	sbr.rel $0x88, $3  }
0x1: {  	(tag) =	ssettag $0x0;
	lr =	simm.s32 $0x1  }
0x2: {  	[smem:$0x3F9E] =	sst lr;
	_ =	strace $0xD0000000  }
0x3: {  	_ = 	snop  }
0x4: {  	_ = 	snop  }
0x5: {  	_ = 	snop  }
0x6: {  	_ = 	snop  }
0x7: {  	_ = 	snop  }
__scs_overlays_trampoline_lowered:
0x8: {  	[smem:$0x3FAD] =	sst s0  }
0x9: {  	[smem:$0x3FAE] =	sst s1  }
0xa: {  	[smem:$0x3FAF] =	sst s2  }
0xb: {  	[smem:$0x3FB0] =	sst s3  }
0xc: {  	[smem:$0x3FB1] =	sst s4  }
0xd: {  	[smem:$0x3FB2] =	sst s5  }
0xe: {  	[smem:$0x3FB3] =	sst s6  }
0xf: {  	[smem:$0x3FB4] =	sst s7  }
0x10: {  	[smem:$0x3FB5] =	sst s8  }
0x11: {  	[smem:$0x3FB6] =	sst s9;
	s0 =	simm.s32 @!p0 $0x0  }
0x12: {  	s1 =	sld [smem:$0x3F9C];
	s0 =	simm.s32 @p0 $0x1  }
0x13: {  	[smem:$0x3FB7] =	sst s0;
	s0 =	simm.s32 @!p1 $0x0  }
0x14: {  	s2 =	sld [smem:$0x3F9B];
	s0 =	simm.s32 @p1 $0x1  }
0x15: {  	[smem:$0x3FB8] =	sst s0;
	s0 =	simm.s32 @!p2 $0x0  }
0x16: {  	s3 =	sld [smem:$0x3FDB];
	s0 =	simm.s32 @p2 $0x1  }
0x17: {  	s4 =	simm.s32 $0x1BF5;
	[smem:$0x3FBA] =	sst s0  }
0x18: {  	s0 =	sld [smem:$0x3F9D];
	_ =	swait.ge [sflag:s4], $0x0  }
0x19: {  	s7 =	sld [smem:$0x3F9E]  }
0x1a: {  	s8 =	sadd.s32 $0xFFFFE003, lr  }
0x1b: {  	s9 =	sadd.s32 $0xFFFFFEF7, lr;
	s5 =	simm.s32 $0xFFFFFFFF;
	p2 =	slt.u32 s8, $0xFFFFF086  }
0x1c: {  	p1 =	slt.u32 s9, $0xF7A;
	s5 =	simm.s32 @!p2 $0x0  }
0x1d: {  	s5 =	simm.s32 @p1 $0x1;
	p0 =	seq.s32 s7, s2  }
0x1e: {  	s7 =	smul.u32 @!p0 $0xF7A, s2;
	p2 =	seq.s32 @!p0 s5, $0x0  }
0x1f: {  	s9 =	smul.u32 $0xF7A, s1;
	s8 =	simm.s32 @!p0 $0x1BF5;
	p2 =	por !p2, p0  }
0x20: {  	[sflag:s8] =	ssyncset.s32 @!p0 $0xFFFFF086;
	s6 =	sadd.s32 @!p0 s3, s7;
	s7 =	simm.s32 @!p0 $0x108  }
0x21: {  	s3 =	sadd.s32 s3, s9;
	s6 =	sadd.s32 @!p0 $0x88, s6;
	s7 =	simm.s32 @p2 $0x1082  }
0x22: {  	[simem:s7], [sflag:s8] =	dma.local @!p0 [hbm:s6], $0xF7A  }
0x23: {  	s9 =	sor.u32 $0xD0000000, s2;
	s6 =	simm.s32 $0x108;
	_ =	swait.ge @!p0 [sflag:s8], $0x0  }
0x24: {  	s3 =	sadd.s32 $0x88, s3;
	s6 =	simm.s32 @!p1 $0x1082;
	[sflag:s4] =	ssyncset.s32 $0xFFFFF086  }
0x25: {  	[simem:s6], [sflag:s4] =	dma.local [hbm:s3], $0xF7A  }
0x26: {  	[smem:$0x3F9E] =	sst s1;
	(tag) =	ssettag s2;
	_ =	strace s9  }
0x27: {  	s1 =	sld [smem:$0x3FAE]  }
0x28: {  	s2 =	sld [smem:$0x3FAF]  }
0x29: {  	s4 =	sld [smem:$0x3FB1]  }
0x2a: {  	p0 =	seq.s32 s5, $0x0;
	s5 =	sld [smem:$0x3FB2]  }
0x2b: {  	s6 =	sld [smem:$0x3FB3]  }
0x2c: {  	s7 =	sld [smem:$0x3FB4]  }
0x2d: {  	s3 =	simm.s32 $0x108;
	s8 =	sld [smem:$0x3FB5]  }
0x2e: {  	s3 =	simm.s32 @!p0 $0x1082;
	s9 =	sld [smem:$0x3FB6]  }
0x2f: {  	lr =	sadd.s32 s0, s3;
	s0 =	sld [smem:$0x3FAD]  }
0x30: {  	s3 =	sld [smem:$0x3FB0]  }
0x31: {  	[smem:$0x3FB9] =	sst s10  }
0x32: {  	s10 =	sld [smem:$0x3FB7];
	_ =	sdelay $0x3  }
0x33: {  	p0 =	seq.s32 s10, $0x1;
	s10 =	sld [smem:$0x3FB9];
	_ =	sdelay $0x3  }
0x34: {  	[smem:$0x3FB9] =	sst s10  }
0x35: {  	s10 =	sld [smem:$0x3FB8];
	_ =	sdelay $0x3  }
0x36: {  	p1 =	seq.s32 s10, $0x1;
	s10 =	sld [smem:$0x3FB9];
	_ =	sdelay $0x3  }
0x37: {  	[smem:$0x3FB9] =	sst s10  }
0x38: {  	s10 =	sld [smem:$0x3FBA]  }
0x39: {  	_ = 	snop;
	(pc) =	sbr.ind lr, $3  }
0x3a: {  	_ = 	snop  }
0x3b: {  	_ = 	snop  }
0x3c: {  	p2 =	seq.s32 s10, $0x1;
	s10 =	sld [smem:$0x3FB9]  }
0x3d: {  	_ =	shalt  }
0x3e: {  	_ =	shalt  }
0x3f: {  	_ =	shalt  }
0x40: {  	_ =	shalt  }
0x41: {  	_ =	shalt  }
0x42: {  	_ =	shalt  }
0x43: {  	_ =	shalt  }
0x44: {  	_ =	shalt  }
0x45: {  	_ =	shalt  }
0x46: {  	_ =	shalt  }
0x47: {  	_ =	shalt  }
0x48: {  	_ =	shalt  }
0x49: {  	_ =	shalt  }
0x4a: {  	_ =	shalt  }
0x4b: {  	_ =	shalt  }
0x4c: {  	_ =	shalt  }
0x4d: {  	_ =	shalt  }
0x4e: {  	_ =	shalt  }
0x4f: {  	_ =	shalt  }
0x50: {  	_ =	shalt  }
0x51: {  	_ =	shalt  }
0x52: {  	_ =	shalt  }
0x53: {  	_ =	shalt  }
0x54: {  	_ =	shalt  }
0x55: {  	_ =	shalt  }
0x56: {  	_ =	shalt  }
0x57: {  	_ =	shalt  }
0x58: {  	_ =	shalt  }
0x59: {  	_ =	shalt  }
0x5a: {  	_ =	shalt  }
0x5b: {  	_ =	shalt  }
0x5c: {  	_ =	shalt  }
0x5d: {  	_ =	shalt  }
0x5e: {  	_ =	shalt  }
0x5f: {  	_ =	shalt  }
0x60: {  	_ =	shalt  }
0x61: {  	_ =	shalt  }
0x62: {  	_ =	shalt  }
0x63: {  	_ =	shalt  }
0x64: {  	_ =	shalt  }
0x65: {  	_ =	shalt  }
0x66: {  	_ =	shalt  }
0x67: {  	_ =	shalt  }
0x68: {  	_ =	shalt  }
0x69: {  	_ =	shalt  }
0x6a: {  	_ =	shalt  }
0x6b: {  	_ =	shalt  }
0x6c: {  	_ =	shalt  }
0x6d: {  	_ =	shalt  }
0x6e: {  	_ =	shalt  }
0x6f: {  	_ =	shalt  }
0x70: {  	_ =	shalt  }
0x71: {  	_ =	shalt  }
0x72: {  	_ =	shalt  }
0x73: {  	_ =	shalt  }
0x74: {  	_ =	shalt  }
0x75: {  	_ =	shalt  }
0x76: {  	_ =	shalt  }
0x77: {  	_ =	shalt  }
0x78: {  	_ =	shalt  }
0x79: {  	_ =	shalt  }
0x7a: {  	_ =	shalt  }
0x7b: {  	_ =	shalt  }
0x7c: {  	_ =	shalt  }
0x7d: {  	_ =	shalt  }
0x7e: {  	_ =	shalt  }
0x7f: {  	_ =	shalt  }
0x80: {  	_ =	shalt  }
0x81: {  	_ =	shalt  }
0x82: {  	_ =	shalt  }
0x83: {  	_ =	shalt  }
0x84: {  	_ =	shalt  }
0x85: {  	_ =	shalt  }
0x86: {  	_ =	shalt  }
0x87: {  	_ =	shalt  }
.Lfunc_end0:
.L_simem_size_0:
called_computation.1_lowered:
.L_overlay_start_0:
0x88: {  	s2 =	sld [smem:$0x3FD9]  }
0x89: {  	s3 =	sld [smem:$0x3FFE];
	_ =	sdelay $0x1  }
0x8a: {  	s1 =	srdreg.scid  }
0x8b: {  	s0 =	sand.u32 $0x1, s1  }
0x8c: {  	s17 =	sshll.u32 s0, $0xA;
	s2 =	sadd.s32 s3, s2  }
0x8d: {  	s2 =	sadd.s32 s2, s17  }
0x8e: {  	[smem:$0x3FC5] =	sst s2  }
0x8f: {  	_ = 	snop  }
0x90: {  	s2 =	sld [smem:$0x3FC9]  }
0x91: {  	s18 =	sld [smem:$0x3FD0];
	(tm) =	ssettm $0x1  }
0x92: {  	s4 =	sld [smem:$0x3FFB];
	_ =	sdelay $0x3  }
0x93: {  	_ =	strace s4  }
0x94: {  	s4 =	sld [smem:$0x3FFC];
	_ =	sdelay $0x3  }
0x95: {  	_ =	strace s4  }
0x96: {  	s4 =	sld [smem:$0x3FFD];
	_ =	sdelay $0x3  }
0x97: {  	_ =	strace s4  }
0x98: {  	_ =	strace $0x8FFFFFFF  }
0x99: {  	s19 =	sld [smem:$0x3FDB];
	_ =	sdelay $0x1  }
0x9a: {  	s5 =	simm.s32 $_scs_section_size  }
0x9b: {  	s6 =	simm.s32 $_size__tile_overlayer_lowered;
	s7 =	simm.s32 $_tile_overlayer_lowered  }
0x9c: {  	s22 =	simm.s32 $0x1BFF;
	s21 =	sshll.u32 s7, $0x1;
	s4 =	sadd.s32 s5, s19  }
0x9d: {  	s8 =	simm.s32 $0x0;
	s20 =	sshll.u32 s6, $0x1;
	s6 =	sadd.s32 s21, s4  }
0x9e: {  	[timem:s8], [sflag:s22] =	dma.local [hbm:s6], s20  }
0x9f: {  	_ =	swait.ge [sflag:s22], s20  }
0xa0: {  	s5 =	ssub.s32 $0x0, s20;
	[sflag:s22] =	ssyncset.done $0x0  }
0xa1: {  	[sflag:s22] =	ssyncadd.s32 s5;
	_ =	sdelay $0x1  }
0xa2: {  	s23 =	simm.s32 $0x1B8B  }
0xa3: {  	_ =	swait.ge [sflag:s23], $0x1  }
0xa4: {  	[sflag:s23] =	ssyncset.done $0x0  }
0xa5: {  	s25 =	simm.s32 $0x1B8E;
	s24 =	sld [smem:$0x3FFE];
	[sflag:s23] =	ssyncadd.s32 $0xFFFFFFFF  }
0xa6: {  	s26 =	simm.s32 $execute0_lowered;
	[smem:$0x3FD2] =	sst s25  }
0xa7: {  	s6 =	sshll.u32 s26, $0x1;
	_ =	strace $0x80000049;
	[dreg:$0x1] =	wrdreg $0xFFFFFFFF  }
0xa8: {  	s28 =	simm.s32 $_size_execute0_lowered;
	s4 =	sadd.s32 s4, s6;
	[dreg:$0x0] =	wrdreg $0x0  }
0xa9: {  	s6 =	sshll.u32 s28, $0x1;
	[dreg:$0x2] =	wrdreg s4  }
0xaa: {  	[dreg:$0x3] =	wrdreg s6  }
0xab: {  	[dreg:$0x4] =	wrdreg $0xC0  }
0xac: {  	_ =	task [dreg:s8], $0x5FFFF  }
0xad: {  	[dreg:$0x1] =	wrdreg $0xFFFFFFFF  }
0xae: {  	[dreg:$0x0] =	wrdreg $0x60  }
0xaf: {  	[dreg:$0x2] =	wrdreg s2  }
0xb0: {  	[dreg:$0x3] =	wrdreg s24  }
0xb1: {  	[dreg:$0x4] =	wrdreg s18  }
0xb2: {  	[dreg:$0x5] =	wrdreg $0x9  }
0xb3: {  	_ =	task.clear_ibuf [dreg:s8], $0x6FFFF;
	_ =	strace $0x90000049  }
0xb4: {  	s29 =	simm.s32 $0x9;
	_ =	strace $0x8000004B  }
0xb5: {  	_ =	swait.ge [sflag:s29], $0x1  }
0xb6: {  	[sflag:s29] =	ssyncadd.s32 $0xFFFFFFFF  }
0xb7: {  	_ =	strace $0x9000004B  }
0xb8: {  	_ =	sfence  }
0xb9: {  	s30 =	sld [smem:$0x0];
	_ =	sdelay $0x2  }
0xba: {  	s31 =	sshll.u32 s1, $0xD;
	s1 =	sshrl.u32 s1, $0x2  }
0xbb: {  	s3 =	sand.u32 $0x4000, s31;
	s1 =	sadd.s32 s1, s30  }
0xbc: {  	s0 =	sor.u32 s3, s0;
	s1 =	sshll.u32 s1, $0x11  }
0xbd: {  	s0 =	sor.u32 s1, s0  }
0xbe: {  	s0 =	sadd.s32 $0x8F2B, s0  }
0xbf: {  	[sflag:s0] =	ssyncadd.remote.s32 $0x1  }
0xc0: {  	_ =	sfence.sel $0xFFFF  }
0xc1: {  	[dreg:$0x0] =	wrdreg $0xFFFFFFFF;
	(pc) =	sbr.abs _section_cstart, $3  }
0xc2: {  	[dreg:$0x1] =	wrdreg $0xFFFFFFFF  }
0xc3: {  	_ =	task.clear_ibuf [dreg:s8], $0x2FFFF;
	_ =	strace $0x9FFFFFFF  }
0xc4: {  	(tm) =	ssettm $0x7FFFFFFF  }
0xc5: {  	_ =	shalt  }
tec
execute0_lowered:
.L_overlay_start_1:
0x0: {  	(tag) =	ssettag $0x1  }
0x1: {  	s6 =	rddreg [dreg:$0x0]  }
0x2: {  	s4 =	rddreg [dreg:$0x1]  }
0x3: {  	s2 =	rddreg [dreg:$0x2];
	s3 =	srdreg.scid  }
0x4: {  	s1 =	stileid.u32;
	s10 =	simm.s32 $0x6400;
	s11 =	simm.s32 $0x8400  }
0x5: {  	s12 =	simm.s32 $0xA400;
	s13 =	simm.s32 $0xC400;
	s14 =	simm.s32 $0x1  }
0x6: {  	s15 =	simm.s32 $0xE400;
	s16 =	simm.s32 $0x400;
	s17 =	simm.s32 $0x8000  }
0x7: {  	s18 =	simm.s32 $0x2;
	s19 =	simm.s32 $0x12400;
	s20 =	simm.s32 $0x3  }
0x8: {  	s21 =	simm.s32 $0x4;
	s22 =	simm.s32 $0x0;
	s5 =	sand.u32 $0x1, s3  }
0x9: {  	s7 =	sshll.u32 s1, $0x1;
	s3 =	simm.s32 $0x0;
	s4 =	sadd.s32 $0x800, s4  }
0xa: {  	s8 =	ssub.s32 $0x2, s5;
	s5 =	sor.u32 s5, s7;
	[smem:$0x7FF] =	sst s3  }
0xb: {  	v0 =	vlaneseq.u32;
	s31 =	sshrl.u32 s8, $0x1;
	s9 =	smul.u32 $0xC80, s5;
	_ =	strace $0x8000004A  }
0xc: {  	v1 =	vand.u32 $0x7, v0;
	s5 =	smul.u32 $0x19, s5;
	s7 =	ssub.s32 s8, s31;
	s8 =	simm.s32 $0x5  }
0xd: {  	v2 =	vmul.u32 $0x80, v1;
	s6 =	sadd.s32 s6, s9;
	s7 =	smax.u32 s7, $0x1;
	s9 =	simm.s32 $0x80  }
.LBB2_1:
0xe: {  	[tilespmem:s3], [sflag:$0x5] =	stream.linear.gather [hbm4b:s6+s3], $0x6400, $0x38;
	[tilespmem:$0x16400] =	vst v63  }
0xf: {  	_ =	swait.ge [sflag:s8], $0x6400  }
0x10: {  	[sflag:s8] =	ssyncset.done $0x0  }
0x11: {  	[sflag:s8] =	ssyncadd.s32 $0xFFFF9C00  }
0x12: {  	[tilespmem:s10], [sflag:$0x1] =	stream.indirect.gather [hbm4b:s4+s9], $0x40, s3, s9, $0xb8;
	[tilespmem:$0x16400] =	vst v63  }
0x13: {  	s23 =	simm.s32 $0x0  }
0x14: {  	[tilespmem:s11], [sflag:$0x1] =	stream.indirect.gather [hbm4b:s4+s9], $0x40, s9, s9, $0xb8;
	[tilespmem:$0x16400] =	vst v63  }
.LBB2_2:
0x15: {  	s25 =	simm.s32 $0x0;
	s24 =	simm.s32 $0x0;
	s28 =	simm.s32 $0x0  }
0x16: {  	s24 =	sand.u32 $0xF, s24;
	s26 =	sand.u32 $0x20, s25;
	s28 =	sand.u32 $0xFFFFE000, s28  }
0x17: {  	v4 =	vadd.s32 s24, v0;
	v5 =	vor.u32 s26, v0;
	v8 =	vor.u32 s28, v1  }
0x18: {  	p0 =	seq.s32 s23, $0x0;
	s26 =	sor.u32 $0x10, s26;
	v25 =	vor.u32 s28, v2;
	v6 =	vshll.u32 v4, $0x6;
	v3 =	vand.u32 $0xF, v4  }
0x19: {  	s29 =	simm.s32 @!p0 $0x4;
	s24 =	sshllo.u32 s23, $0x1;
	v7 =	vor.u32 s26, v0;
	v21 =	vor.u32 $0x10, v4;
	v23 =	vor.u32 $0x30, v4  }
0x1a: {  	s31 =	sshll.u32 s23, $0x9;
	_ =	swait.ge @!p0 [sflag:s29], $0x4000;
	s30 =	sshll.u32 s24, $0x8;
	v24 =	vor.u32 $0x50, v4;
	v27 =	vor.u32 $0x70, v4;
	v12 =	vand.u32 $0x28, v5  }
0x1b: {  	[sflag:s29] =	ssyncset.done @!p0 $0x0;
	s26 =	sand.u32 $0x7C00, s31;
	v26 =	vand.u32 $0x7, v4;
	v5 =	vshll.u32 v5, $0x7;
	v9 =	vor.u32 $0x60, v3;
	s30 =	sand.u32 $0x300, s30  }
0x1c: {  	v10 =	vand.u32 $0x38, v7;
	v18 =	vor.u32 $0x20, v3;
	[sflag:s29] =	ssyncadd.s32 @!p0 $0xFFFFC000;
	v22 =	vor.u32 $0x40, v3;
	s26 =	sor.u32 s30, s26  }
0x1d: {  	v7 =	vshll.u32 v7, $0x7;
	v20 =	vand.u32 $0x3C0, v6;
	v28 =	vshll.u32 v23, $0x6;
	[tilespmem:s12], [sflag:$0x2] =	stream.indirect.gather [hbm4b:s4+s9], $0x40, s26, s9, $0xb8;
	[tilespmem:$0x16400] =	vst v63  }
0x1e: {  	v29 =	vshll.u32 v24, $0x6;
	v30 =	vshll.u32 v27, $0x6;
	v5 =	vand.u32 $0x1400, v5;
	s26 =	sor.u32 $0x80, s26  }
0x1f: {  	v11 =	vshll.u32 v9, $0x6;
	v19 =	vor.u32 v10, v8;
	v13 =	vshll.u32 v18, $0x6;
	[tilespmem:s13], [sflag:$0x2] =	stream.indirect.gather [hbm4b:s4+s9], $0x40, s26, s9, $0xb8;
	[tilespmem:$0x16400] =	vst v63  }
0x20: {  	v14 =	vshll.u32 v22, $0x6;
	v7 =	vand.u32 $0x1C00, v7;
	v9 =	vand.u32 $0x68, v9;
	_ =	swait.ge [sflag:s14], $0x2000  }
0x21: {  	v8 =	vor.u32 v12, v8;
	v39 =	vand.u32 $0x28, v18;
	v10 =	vor.u32 v11, v19;
	[sflag:s14] =	ssyncset.done $0x0  }
0x22: {  	v4 =	vor.u32 v7, v25;
	v7 =	vshll.u32 v21, $0x6;
	v31 =	vor.u32 v13, v19;
	[sflag:s14] =	ssyncadd.s32 $0xFFFFE000  }
0x23: {  	v32 =	vor.u32 v13, v8;
	v34 =	vor.u32 v14, v8;
	v35 =	vor.u32 v11, v8;
	_ =	swait.ge [sflag:s14], $0x2000  }
0x24: {  	v36 =	vor.u32 v20, v8;
	v37 =	vor.u32 v14, v19;
	v16 =	vor.u32 v28, v8;
	[sflag:s14] =	ssyncset.done $0x0  }
0x25: {  	v15 =	vor.u32 v29, v8;
	v14 =	vor.u32 v30, v8;
	v6 =	vor.u32 v26, v4;
	[sflag:s14] =	ssyncadd.s32 $0xFFFFE000  }
0x26: {  	v12 =	vor.u32 v20, v19;
	v17 =	vor.u32 v7, v8;
	v33 =	vor.u32 v9, v6;
	v38 =	vld.idx.msk [tilespmem:v10+s10+$0x0], $0xffff  }
0x27: {  	v11 =	vor.u32 v7, v19;
	v8 =	vor.u32 v29, v19;
	v7 =	vor.u32 v30, v19;
	v13 =	vld.idx.msk [tilespmem:v31+s10+$0x0], $0xffff  }
0x28: {  	v30 =	vand.u32 $0x38, v23;
	v23 =	vand.u32 $0x78, v27;
	v27 =	vor.u32 v39, v6;
	v20 =	vld.idx.msk [tilespmem:v32+s10+$0x0], $0xffff  }
0x29: {  	v10 =	vor.u32 v28, v19;
	v28 =	vor.u32 v5, v25;
	v31 =	vand.u32 $0x18, v21;
	v21 =	vld.idx.msk [tilespmem:v34+s10+$0x0], $0xffff  }
0x2a: {  	v32 =	vand.u32 $0x48, v22;
	v25 =	vand.u32 $0x58, v24;
	v22 =	vld.idx.msk [tilespmem:v35+s10+$0x0], $0xffff;
	v26 =	vor.u32 v26, v28  }
0x2b: {  	v19 =	vld.idx.msk [tilespmem:v37+s10+$0x0], $0xffff;
	v5 =	vor.u32 v30, v6;
	[tilespmem:v33+s15+$0x0] =	vst.idx.msk $0xffff, v38;
	v33 =	vor.u32 v39, v26  }
0x2c: {  	s29 =	sshll.u32 s23, $0x1;
	s26 =	simm.s32 $0x0;
	v18 =	vld.idx.msk [tilespmem:v36+s10+$0x0], $0xffff;
	v29 =	vor.u32 v32, v26;
	v24 =	vor.u32 v9, v26;
	v9 =	vor.u32 v31, v6  }
.LBB2_3:
0x2d: {  	s26 =	sadd.s32 $0x10, s26;
	v17 =	vld.idx.msk [tilespmem:v17+s10+$0x0], $0xffff;
	v32 =	vor.u32 v32, v6;
	v34 =	vor.u32 v25, v6;
	v35 =	vor.u32 v23, v6  }
0x2e: {  	v6 =	vor.u32 v31, v26;
	v30 =	vor.u32 v30, v26;
	v25 =	vor.u32 v25, v26;
	s25 =	sadd.s32 $0x20, s25;
	s28 =	sshrl.u32 s26, $0x5;
	p0 =	slt.u32 s26, $0x3F0;
	v16 =	vld.idx.msk [tilespmem:v16+s10+$0x0], $0xffff  }
0x2f: {  	v28 =	vor.u32 v3, v28;
	v23 =	vor.u32 v23, v26;
	v26 =	vor.u32 v3, v4;
	s30 =	sand.u32 $0x20, s25;
	s28 =	sand.u32 $0xF, s28;
	v15 =	vld.idx.msk [tilespmem:v15+s10+$0x0], $0xffff  }
0x30: {  	v31 =	vor.u32 s30, v0;
	s30 =	sor.u32 $0x10, s30;
	v4 =	vadd.s32 s28, v0;
	s28 =	sshll.u32 s26, $0x4;
	[tilespmem:v33+s15+$0x0] =	vst.idx.msk $0xffff, v20;
	v14 =	vld.idx.msk [tilespmem:v14+s10+$0x0], $0xffff  }
0x31: {  	v33 =	vor.u32 s30, v0;
	s28 =	sand.u32 $0xFFFFE000, s28;
	v20 =	vshll.u32 v4, $0x6;
	v3 =	vand.u32 $0xF, v4;
	[tilespmem:v29+s15+$0x0] =	vst.idx.msk $0xffff, v21;
	v12 =	vld.idx.msk [tilespmem:v12+s10+$0x0], $0xffff  }
0x32: {  	v36 =	vand.u32 $0x38, v33;
	v21 =	vor.u32 s28, v1;
	v29 =	vor.u32 $0x60, v3;
	[tilespmem:v24+s15+$0x0] =	vst.idx.msk $0xffff, v22;
	v11 =	vld.idx.msk [tilespmem:v11+s10+$0x0], $0xffff  }
0x33: {  	v22 =	vor.u32 $0x20, v3;
	v24 =	vshll.u32 v29, $0x6;
	v36 =	vor.u32 v36, v21;
	[tilespmem:v27+s15+$0x0] =	vst.idx.msk $0xffff, v13;
	v27 =	vld.idx.msk [tilespmem:v10+s10+$0x0], $0xffff  }
0x34: {  	v37 =	vor.u32 $0x10, v4;
	v38 =	vor.u32 $0x40, v3;
	v10 =	vor.u32 v24, v36;
	[tilespmem:v32+s15+$0x0] =	vst.idx.msk $0xffff, v19;
	v19 =	vld.idx.msk [tilespmem:v8+s10+$0x0], $0xffff  }
0x35: {  	v39 =	vor.u32 $0x30, v4;
	v40 =	vor.u32 $0x50, v4;
	v41 =	vor.u32 $0x70, v4;
	[tilespmem:v28+s15+$0x0] =	vst.idx.msk $0xffff, v18;
	v18 =	vld.idx.msk [tilespmem:v7+s10+$0x0], $0xffff  }
0x36: {  	v13 =	vshll.u32 v33, $0x7;
	v8 =	vshll.u32 v22, $0x6;
	v7 =	vand.u32 $0x28, v31;
	[tilespmem:v6+s15+$0x0] =	vst.idx.msk $0xffff, v17  }
0x37: {  	v32 =	vshll.u32 v38, $0x6;
	v28 =	vor.u32 s28, v2;
	v6 =	vand.u32 $0x1C00, v13;
	[tilespmem:v30+s15+$0x0] =	vst.idx.msk $0xffff, v16  }
0x38: {  	v33 =	vand.u32 $0x7, v4;
	v13 =	vand.u32 $0x3C0, v20;
	v4 =	vor.u32 v6, v28;
	[tilespmem:v25+s15+$0x0] =	vst.idx.msk $0xffff, v15  }
0x39: {  	v42 =	vand.u32 $0x68, v29;
	v20 =	vshll.u32 v37, $0x6;
	v6 =	vor.u32 v33, v4;
	v10 =	vld.idx.msk [tilespmem:v10+s10+$0x0], $0xffff;
	[tilespmem:v23+s15+$0x0] =	vst.idx.msk $0xffff, v14  }
0x3a: {  	v25 =	vshll.u32 v40, $0x6;
	v23 =	vshll.u32 v39, $0x6;
	v29 =	vor.u32 v42, v6;
	[tilespmem:v26+s15+$0x0] =	vst.idx.msk $0xffff, v12  }
0x3b: {  	v7 =	vor.u32 v7, v21;
	v21 =	vshll.u32 v41, $0x6;
	v26 =	vor.u32 v8, v36;
	[tilespmem:v9+s15+$0x0] =	vst.idx.msk $0xffff, v11  }
0x3c: {  	v43 =	vor.u32 v32, v7;
	v24 =	vor.u32 v24, v7;
	v9 =	vor.u32 v8, v7  }
0x3d: {  	v45 =	vor.u32 v32, v36;
	v44 =	vor.u32 v13, v7;
	v17 =	vor.u32 v20, v7  }
0x3e: {  	v15 =	vor.u32 v25, v7;
	v14 =	vor.u32 v21, v7;
	v16 =	vor.u32 v23, v7  }
0x3f: {  	v30 =	vshll.u32 v31, $0x7;
	v12 =	vor.u32 v13, v36;
	v11 =	vor.u32 v20, v36;
	[tilespmem:v29+s15+$0x0] =	vst.idx.msk $0xffff, v10  }
0x40: {  	v8 =	vor.u32 v25, v36;
	v7 =	vor.u32 v21, v36;
	v10 =	vor.u32 v23, v36;
	v13 =	vld.idx.msk [tilespmem:v26+s10+$0x0], $0xffff  }
.Ltmp0:
0x41: {  	v32 =	vand.u32 $0x48, v38;
	v21 =	vand.u32 $0x1400, v30;
	v36 =	vand.u32 $0x28, v22;
	v20 =	vld.idx.msk [tilespmem:v9+s10+$0x0], $0xffff;
	[tilespmem:v5+s15+$0x0] =	vst.idx.msk $0xffff, v27;
	(pc) =	sbr.rel @p0 .LBB2_3-.Ltmp0, $4  }
0x42: {  	v31 =	vand.u32 $0x18, v37;
	v30 =	vand.u32 $0x38, v39;
	v28 =	vor.u32 v21, v28;
	v21 =	vld.idx.msk [tilespmem:v43+s10+$0x0], $0xffff;
	[tilespmem:v34+s15+$0x0] =	vst.idx.msk $0xffff, v19  }
0x43: {  	v25 =	vand.u32 $0x58, v40;
	v23 =	vand.u32 $0x78, v41;
	v26 =	vor.u32 v33, v28;
	v22 =	vld.idx.msk [tilespmem:v24+s10+$0x0], $0xffff;
	[tilespmem:v35+s15+$0x0] =	vst.idx.msk $0xffff, v18  }
0x44: {  	v33 =	vor.u32 v36, v26;
	v29 =	vor.u32 v32, v26;
	v24 =	vor.u32 v42, v26;
	v19 =	vld.idx.msk [tilespmem:v45+s10+$0x0], $0xffff  }
0x45: {  	v9 =	vor.u32 v31, v6;
	v27 =	vor.u32 v36, v6;
	v5 =	vor.u32 v30, v6;
	v18 =	vld.idx.msk [tilespmem:v44+s10+$0x0], $0xffff  }
0x46: {  	_ =	sdelay $0x2  }
0x47: {  	v32 =	vor.u32 v32, v6  }
0x48: {  	v28 =	vor.u32 v3, v28;
	[tilespmem:v33+s15+$0x0] =	vst.idx.msk $0xffff, v20  }
0x49: {  	v17 =	vld.idx.msk [tilespmem:v17+s10+$0x0], $0xffff;
	v20 =	vor.u32 v31, v26;
	[tilespmem:v27+s15+$0x0] =	vst.idx.msk $0xffff, v13  }
0x4a: {  	v13 =	vor.u32 v23, v26;
	v14 =	vld.idx.msk [tilespmem:v14+s10+$0x0], $0xffff;
	[tilespmem:v29+s15+$0x0] =	vst.idx.msk $0xffff, v21  }
0x4b: {  	v3 =	vor.u32 v3, v4;
	v4 =	vld.idx.msk [tilespmem:v12+s10+$0x0], $0xffff;
	[tilespmem:v24+s15+$0x0] =	vst.idx.msk $0xffff, v22  }
0x4c: {  	v11 =	vld.idx.msk [tilespmem:v11+s10+$0x0], $0xffff;
	[tilespmem:v32+s15+$0x0] =	vst.idx.msk $0xffff, v19  }
0x4d: {  	v10 =	vld.idx.msk [tilespmem:v10+s10+$0x0], $0xffff;
	[tilespmem:v28+s15+$0x0] =	vst.idx.msk $0xffff, v18  }
0x4e: {  	v12 =	vor.u32 v25, v6;
	v8 =	vld.idx.msk [tilespmem:v8+s10+$0x0], $0xffff;
	[tilespmem:v20+s15+$0x0] =	vst.idx.msk $0xffff, v17  }
0x4f: {  	v6 =	vor.u32 v23, v6;
	v7 =	vld.idx.msk [tilespmem:v7+s10+$0x0], $0xffff;
	[tilespmem:v13+s15+$0x0] =	vst.idx.msk $0xffff, v14  }
0x50: {  	v16 =	vld.idx.msk [tilespmem:v16+s10+$0x0], $0xffff;
	v21 =	vor.u32 v30, v26;
	[tilespmem:v3+s15+$0x0] =	vst.idx.msk $0xffff, v4  }
0x51: {  	v15 =	vld.idx.msk [tilespmem:v15+s10+$0x0], $0xffff;
	s25 =	sshrl.u32 s23, $0x1;
	v22 =	vor.u32 v25, v26;
	[tilespmem:v9+s15+$0x0] =	vst.idx.msk $0xffff, v11  }
0x52: {  	s25 =	sadd.s32 s5, s25;
	[tilespmem:v5+s15+$0x0] =	vst.idx.msk $0xffff, v10  }
0x53: {  	s28 =	sshll.u32 s23, $0x11;
	s26 =	sshll.u32 s25, $0xD;
	s30 =	sshll.u32 s25, $0x7;
	[tilespmem:v12+s15+$0x0] =	vst.idx.msk $0xffff, v8  }
0x54: {  	s31 =	sand.u32 $0x20000, s28;
	s25 =	sand.u32 $0xFFC0000, s26;
	s28 =	sand.u32 $0xF80, s30;
	[tilespmem:v6+s15+$0x0] =	vst.idx.msk $0xffff, v7  }
0x55: {  	s30 =	simm.s32 $0x0;
	s0 =	sor.u32 s25, s31;
	s26 =	sadd.s32 s2, s28;
	[tilespmem:v21+s15+$0x0] =	vst.idx.msk $0xffff, v16  }
0x56: {  	p0 =	seq.s32 s23, $0x31;
	s30 =	sand.u32 $0xF, s30;
	s28 =	sadd.s32 s0, s26;
	[tilespmem:v22+s15+$0x0] =	vst.idx.msk $0xffff, v15  }
0x57: {  	v5 =	vadd.s32 s30, v0;
	[hbm4b:s28+s16] =	stream.strided.scatter [tilespmem:s15], [sflag:$0x3], $0x4000, s17, s16, $0x38;
	[tilespmem:$0x16400] =	vst v63  }
0x58: {  	s0 =	simm.s32 @!p0 $0x3;
	v10 =	vor.u32 $0x70, v5;
	v13 =	vshll.u32 v5, $0x6;
	v23 =	vor.u32 $0x10, v5;
	s28 =	simm.s32 $0x0  }
0x59: {  	v26 =	vor.u32 $0x30, v5;
	v28 =	vor.u32 $0x50, v5;
	v27 =	vand.u32 $0x7, v5;
	s31 =	sand.u32 $0xFFFFE000, s28;
	s28 =	simm.s32 $0x0;
	_ =	swait.ge @!p0 [sflag:s0], $0x4000  }
0x5a: {  	s29 =	sshll.u32 @!p0 s29, $0x8;
	v12 =	vshll.u32 v10, $0x6;
	v31 =	vshll.u32 v26, $0x6;
	v3 =	vmov s31;
	s31 =	sand.u32 $0x20, s28;
	[sflag:s0] =	ssyncset.done @!p0 $0x0  }
0x5b: {  	v62 =	vshll.u32 v28, $0x6;
	v3 =	vadd.s32 $0x4000, v3;
	v6 =	vor.u32 s31, v0;
	s31 =	sor.u32 $0x10, s31;
	[sflag:s0] =	ssyncadd.s32 @!p0 $0xFFFFC000;
	s0 =	sadd.s32 @!p0 $0x200, s29  }
0x5c: {  	s30 =	simm.s32 @!p0 $0x6400;
	v28 =	vand.u32 $0x58, v28;
	s29 =	simm.s32 @!p0 $0x80;
	v4 =	vbroadcast v3, $0x0;
	v8 =	vor.u32 s31, v0;
	s0 =	sand.u32 @!p0 $0xFE00, s0  }
0x5d: {  	v7 =	vand.u32 $0x28, v6;
	v3 =	vand.u32 $0xF, v5;
	v11 =	vand.u32 $0x38, v8;
	[tilespmem:s30], [sflag:$0x1] =	stream.indirect.gather @!p0 [hbm4b:s4+s29], $0x40, s0, s29, $0xb8;
	[tilespmem:$0x16400] =	vst v63  }
0x5e: {  	v20 =	vor.u32 $0x20, v3;
	v22 =	vor.u32 $0x40, v3;
	v24 =	vor.u32 $0x60, v3;
	s0 =	sor.u32 @!p0 $0x80, s0;
	s30 =	simm.s32 @!p0 $0x8400  }
0x5f: {  	v8 =	vshll.u32 v8, $0x7;
	v9 =	vor.u32 v1, v4;
	v21 =	vor.u32 v2, v4;
	[tilespmem:s30], [sflag:$0x1] =	stream.indirect.gather @!p0 [hbm4b:s4+s29], $0x40, s0, s29, $0xb8;
	[tilespmem:$0x16400] =	vst v63  }
0x60: {  	v4 =	vand.u32 $0x1C00, v8;
	v8 =	vshll.u32 v20, $0x6;
	v18 =	vor.u32 v11, v9;
	_ =	swait.ge [sflag:s18], $0x2000  }
0x61: {  	v25 =	vshll.u32 v22, $0x6;
	v29 =	vshll.u32 v24, $0x6;
	v11 =	vor.u32 v12, v18;
	[sflag:s18] =	ssyncset.done $0x0  }
0x62: {  	v20 =	vand.u32 $0x28, v20;
	v22 =	vand.u32 $0x48, v22;
	v7 =	vor.u32 v7, v9;
	[sflag:s18] =	ssyncadd.s32 $0xFFFFE000  }
0x63: {  	v5 =	vor.u32 v4, v21;
	v9 =	vand.u32 $0x78, v10;
	v10 =	vand.u32 $0x3C0, v13;
	_ =	swait.ge [sflag:s18], $0x2000  }
0x64: {  	v13 =	vshll.u32 v23, $0x6;
	v4 =	vor.u32 v27, v5;
	v63 =	vor.u32 v10, v7;
	[sflag:s18] =	ssyncset.done $0x0  }
0x65: {  	v34 =	vor.u32 v13, v7;
	v35 =	vor.u32 v8, v7;
	v36 =	vor.u32 v31, v7;
	[sflag:s18] =	ssyncadd.s32 $0xFFFFE000  }
0x66: {  	v19 =	vor.u32 v25, v7;
	v17 =	vor.u32 v62, v7;
	v30 =	vor.u32 v9, v4;
	v37 =	vld.idx.msk [tilespmem:v11+s10+$0x0], $0xffff  }
0x67: {  	v16 =	vor.u32 v29, v7;
	v15 =	vor.u32 v12, v7;
	v14 =	vor.u32 v10, v18  }
0x68: {  	v7 =	vshll.u32 v6, $0x7;
	v13 =	vor.u32 v13, v18;
	v12 =	vor.u32 v8, v18  }
0x69: {  	v10 =	vor.u32 v31, v18;
	v8 =	vor.u32 v25, v18;
	v25 =	vand.u32 $0x1400, v7;
	v11 =	vld.idx.msk [tilespmem:v63+s10+$0x0], $0xffff  }
0x6a: {  	v6 =	vor.u32 v62, v18;
	v7 =	vor.u32 v29, v18;
	v25 =	vor.u32 v25, v21;
	v21 =	vld.idx.msk [tilespmem:v34+s10+$0x0], $0xffff  }
0x6b: {  	v18 =	vand.u32 $0x68, v24;
	v31 =	vor.u32 v27, v25;
	v24 =	vld.idx.msk [tilespmem:v36+s10+$0x0], $0xffff;
	[tilespmem:v30+s15+$0x0] =	vst.idx.msk $0xffff, v37;
	v30 =	vand.u32 $0x18, v23  }
0x6c: {  	s29 =	simm.s32 $0x0;
	v27 =	vand.u32 $0x38, v26;
	v26 =	vor.u32 v20, v31;
	v23 =	vld.idx.msk [tilespmem:v35+s10+$0x0], $0xffff;
	v29 =	vor.u32 v30, v31  }
.LBB2_5:
0x6d: {  	s29 =	sadd.s32 $0x10, s29;
	v32 =	vor.u32 v27, v31;
	v19 =	vld.idx.msk [tilespmem:v19+s10+$0x0], $0xffff;
	v33 =	vor.u32 v22, v31;
	v34 =	vor.u32 v28, v31  }
0x6e: {  	v35 =	vor.u32 v18, v31;
	v9 =	vor.u32 v9, v31;
	v30 =	vor.u32 v30, v4;
	s0 =	sshll.u32 s29, $0x4;
	p0 =	slt.u32 s29, $0x3F0;
	v17 =	vld.idx.msk [tilespmem:v17+s10+$0x0], $0xffff  }
0x6f: {  	v20 =	vor.u32 v20, v4;
	v27 =	vor.u32 v27, v4;
	v22 =	vor.u32 v22, v4;
	s0 =	sand.u32 $0xFFFFE000, s0;
	v16 =	vld.idx.msk [tilespmem:v16+s10+$0x0], $0xffff  }
0x70: {  	v28 =	vor.u32 v28, v4;
	v36 =	vor.u32 v18, v4;
	s28 =	sadd.s32 $0x20, s28;
	v31 =	vmov s0;
	v15 =	vld.idx.msk [tilespmem:v15+s10+$0x0], $0xffff  }
0x71: {  	v18 =	vor.u32 v3, v25;
	v25 =	vor.u32 v3, v5;
	s30 =	sand.u32 $0x20, s28;
	s0 =	sshrl.u32 s29, $0x5;
	v4 =	vadd.s32 $0x4000, v31;
	v14 =	vld.idx.msk [tilespmem:v14+s10+$0x0], $0xffff  }
0x72: {  	s0 =	sand.u32 $0xF, s0;
	v31 =	vor.u32 s30, v0;
	s30 =	sor.u32 $0x10, s30;
	v4 =	vbroadcast v4, $0x0;
	[tilespmem:v29+s15+$0x0] =	vst.idx.msk $0xffff, v21;
	v13 =	vld.idx.msk [tilespmem:v13+s10+$0x0], $0xffff  }
0x73: {  	v5 =	vadd.s32 s0, v0;
	v21 =	vand.u32 $0x28, v31;
	v29 =	vor.u32 s30, v0;
	[tilespmem:v26+s15+$0x0] =	vst.idx.msk $0xffff, v23;
	v12 =	vld.idx.msk [tilespmem:v12+s10+$0x0], $0xffff  }
0x74: {  	v26 =	vor.u32 $0x70, v5;
	v37 =	vand.u32 $0x38, v29;
	v23 =	vor.u32 v1, v4;
	[tilespmem:v32+s15+$0x0] =	vst.idx.msk $0xffff, v24;
	v10 =	vld.idx.msk [tilespmem:v10+s10+$0x0], $0xffff  }
0x75: {  	v3 =	vand.u32 $0xF, v5;
	v24 =	vshll.u32 v26, $0x6;
	v32 =	vor.u32 v37, v23;
	[tilespmem:v33+s15+$0x0] =	vst.idx.msk $0xffff, v19;
	v33 =	vld.idx.msk [tilespmem:v8+s10+$0x0], $0xffff  }
0x76: {  	v38 =	vor.u32 $0x40, v3;
	v37 =	vor.u32 $0x20, v3;
	v8 =	vor.u32 v24, v32;
	[tilespmem:v18+s15+$0x0] =	vst.idx.msk $0xffff, v11;
	v39 =	vld.idx.msk [tilespmem:v6+s10+$0x0], $0xffff  }
0x77: {  	v40 =	vor.u32 $0x10, v5;
	v6 =	vshll.u32 v5, $0x6;
	v18 =	vor.u32 $0x60, v3;
	[tilespmem:v34+s15+$0x0] =	vst.idx.msk $0xffff, v17;
	v34 =	vld.idx.msk [tilespmem:v7+s10+$0x0], $0xffff  }
0x78: {  	v41 =	vor.u32 $0x30, v5;
	v42 =	vor.u32 $0x50, v5;
	v7 =	vshll.u32 v29, $0x7;
	[tilespmem:v35+s15+$0x0] =	vst.idx.msk $0xffff, v16  }
0x79: {  	v11 =	vor.u32 v21, v23;
	v21 =	vor.u32 v2, v4;
	v4 =	vand.u32 $0x1C00, v7;
	[tilespmem:v9+s15+$0x0] =	vst.idx.msk $0xffff, v15  }
0x7a: {  	v23 =	vand.u32 $0x7, v5;
	v7 =	vshll.u32 v37, $0x6;
	v5 =	vor.u32 v4, v21;
	[tilespmem:v25+s15+$0x0] =	vst.idx.msk $0xffff, v14  }
0x7b: {  	v9 =	vand.u32 $0x78, v26;
	v25 =	vshll.u32 v38, $0x6;
	v4 =	vor.u32 v23, v5;
	v8 =	vld.idx.msk [tilespmem:v8+s10+$0x0], $0xffff;
	[tilespmem:v30+s15+$0x0] =	vst.idx.msk $0xffff, v13  }
0x7c: {  	v6 =	vand.u32 $0x3C0, v6;
	v26 =	vshll.u32 v18, $0x6;
	v29 =	vor.u32 v9, v4;
	[tilespmem:v20+s15+$0x0] =	vst.idx.msk $0xffff, v12  }
0x7d: {  	v30 =	vshll.u32 v42, $0x6;
	v12 =	vshll.u32 v40, $0x6;
	v20 =	vshll.u32 v41, $0x6;
	[tilespmem:v27+s15+$0x0] =	vst.idx.msk $0xffff, v10  }
0x7e: {  	v43 =	vor.u32 v7, v11;
	v27 =	vor.u32 v6, v11;
	v35 =	vor.u32 v12, v11  }
0x7f: {  	v19 =	vor.u32 v25, v11;
	v17 =	vor.u32 v30, v11;
	v44 =	vor.u32 v20, v11  }
0x80: {  	v15 =	vor.u32 v24, v11;
	v16 =	vor.u32 v26, v11;
	v14 =	vor.u32 v6, v32  }
0x81: {  	v24 =	vshll.u32 v31, $0x7;
	v13 =	vor.u32 v12, v32;
	v12 =	vor.u32 v7, v32;
	[tilespmem:v29+s15+$0x0] =	vst.idx.msk $0xffff, v8  }
.Ltmp1:
0x82: {  	v10 =	vor.u32 v20, v32;
	v6 =	vor.u32 v30, v32;
	v8 =	vor.u32 v25, v32;
	(pc) =	sbr.rel @p0 .LBB2_5-.Ltmp1, $4  }
0x83: {  	v24 =	vand.u32 $0x1400, v24;
	v20 =	vand.u32 $0x28, v37;
	v7 =	vor.u32 v26, v32;
	v11 =	vld.idx.msk [tilespmem:v27+s10+$0x0], $0xffff;
	[tilespmem:v22+s15+$0x0] =	vst.idx.msk $0xffff, v33  }
0x84: {  	v18 =	vand.u32 $0x68, v18;
	v25 =	vor.u32 v24, v21;
	v22 =	vand.u32 $0x48, v38;
	v21 =	vld.idx.msk [tilespmem:v35+s10+$0x0], $0xffff;
	[tilespmem:v28+s15+$0x0] =	vst.idx.msk $0xffff, v39  }
0x85: {  	v30 =	vand.u32 $0x18, v40;
	v31 =	vor.u32 v23, v25;
	v27 =	vand.u32 $0x38, v41;
	v23 =	vld.idx.msk [tilespmem:v43+s10+$0x0], $0xffff;
	[tilespmem:v36+s15+$0x0] =	vst.idx.msk $0xffff, v34  }
0x86: {  	v29 =	vor.u32 v30, v31;
	v26 =	vor.u32 v20, v31;
	v28 =	vand.u32 $0x58, v42;
	v24 =	vld.idx.msk [tilespmem:v44+s10+$0x0], $0xffff  }
0x87: {  	_ =	sdelay $0x2  }
0x88: {  	v32 =	vor.u32 v27, v31  }
0x89: {  	v19 =	vld.idx.msk [tilespmem:v19+s10+$0x0], $0xffff;
	v33 =	vor.u32 v22, v31  }
0x8a: {  	v25 =	vor.u32 v3, v25  }
0x8b: {  	v34 =	vor.u32 v28, v31;
	v17 =	vld.idx.msk [tilespmem:v17+s10+$0x0], $0xffff;
	[tilespmem:v29+s15+$0x0] =	vst.idx.msk $0xffff, v21  }
0x8c: {  	v57 =	vor.u32 v18, v31;
	v16 =	vld.idx.msk [tilespmem:v16+s10+$0x0], $0xffff;
	[tilespmem:v26+s15+$0x0] =	vst.idx.msk $0xffff, v23  }
0x8d: {  	v9 =	vor.u32 v9, v31;
	v15 =	vld.idx.msk [tilespmem:v15+s10+$0x0], $0xffff;
	[tilespmem:v32+s15+$0x0] =	vst.idx.msk $0xffff, v24  }
0x8e: {  	v14 =	vld.idx.msk [tilespmem:v14+s10+$0x0], $0xffff;
	v3 =	vor.u32 v3, v5;
	[tilespmem:v33+s15+$0x0] =	vst.idx.msk $0xffff, v19  }
0x8f: {  	v58 =	vor.u32 v30, v4;
	v13 =	vld.idx.msk [tilespmem:v13+s10+$0x0], $0xffff;
	[tilespmem:v25+s15+$0x0] =	vst.idx.msk $0xffff, v11  }
0x90: {  	v59 =	vor.u32 v20, v4;
	v12 =	vld.idx.msk [tilespmem:v12+s10+$0x0], $0xffff;
	[tilespmem:v34+s15+$0x0] =	vst.idx.msk $0xffff, v17  }
0x91: {  	v60 =	vor.u32 v27, v4;
	v10 =	vld.idx.msk [tilespmem:v10+s10+$0x0], $0xffff;
	[tilespmem:v57+s15+$0x0] =	vst.idx.msk $0xffff, v16  }
0x92: {  	v61 =	vor.u32 v22, v4;
	v8 =	vld.idx.msk [tilespmem:v8+s10+$0x0], $0xffff;
	[tilespmem:v9+s15+$0x0] =	vst.idx.msk $0xffff, v15  }
0x93: {  	v62 =	vor.u32 v28, v4;
	v6 =	vld.idx.msk [tilespmem:v6+s10+$0x0], $0xffff;
	[tilespmem:v3+s15+$0x0] =	vst.idx.msk $0xffff, v14  }
0x94: {  	v63 =	vld.idx.msk [tilespmem:v7+s10+$0x0], $0xffff;
	s23 =	sadd.s32 $0x1, s23;
	v3 =	vor.u32 v18, v4;
	[tilespmem:v58+s15+$0x0] =	vst.idx.msk $0xffff, v13  }
0x95: {  	p0 =	sne.s32 s23, $0x32;
	[tilespmem:v59+s15+$0x0] =	vst.idx.msk $0xffff, v12  }
.Ltmp2:
0x96: {  	s0 =	sshll.u32 s24, $0x10;
	[tilespmem:v60+s15+$0x0] =	vst.idx.msk $0xffff, v10;
	(pc) =	sbr.rel @p0 .LBB2_2-.Ltmp2, $4  }
0x97: {  	s0 =	sand.u32 $0x30000, s0;
	[tilespmem:v61+s15+$0x0] =	vst.idx.msk $0xffff, v8  }
0x98: {  	s0 =	sor.u32 s0, s25;
	[tilespmem:v62+s15+$0x0] =	vst.idx.msk $0xffff, v6  }
0x99: {  	s0 =	sadd.s32 s0, s26;
	[tilespmem:v3+s15+$0x0] =	vst.idx.msk $0xffff, v63  }
0x9a: {  	[hbm4b:s0+s16] =	stream.strided.scatter [tilespmem:s19], [sflag:$0x4], $0x4000, s17, s16, $0x38;
	[tilespmem:$0x16400] =	vst v63  }
0x9b: {  	s22 =	sadd.s32 $0x1, s22  }
0x9c: {  	_ =	swait.ge [sflag:s20], $0x4000;
	p0 =	sne.s32 s22, s7  }
.Ltmp3:
0x9d: {  	[sflag:s20] =	ssyncset.done $0x0;
	(pc) =	sbr.rel @p0 .LBB2_1-.Ltmp3, $4  }
0x9e: {  	[sflag:s20] =	ssyncadd.s32 $0xFFFFC000  }
0x9f: {  	_ =	swait.ge [sflag:s21], $0x4000  }
0xa0: {  	[sflag:s21] =	ssyncset.done $0x0  }
0xa1: {  	[sflag:s21] =	ssyncadd.s32 $0xFFFFC000  }
0xa2: {  	_ =	sfence.sel $0x180000  }
0xa3: {  	[bflag:$0x0] =	sbarrier.arrive $0xFFFF  }
0xa4: {  	_ =	strace $0x9000004A  }
0xa5: {  	[bflag:$0x2] =	sbarrier.arrive $0xFFFF  }
0xa6: {  	p0 =	sne.s32 s1, $0x0;
	s0 =	rddreg [dreg:$0x3]  }
0xa7: {  	s0 =	sadd.s32 @!p0 $0x100000, s0  }
0xa8: {  	[sflag:s0] =	ssyncadd.tile.s32 @!p0 $0x1;
	_ =	shalt  }
.Lfunc_end2:
_tile_overlayer_lowered:
.L_overlay_start_2:
0xa9: {  	(tag) =	ssettag $0x2  }
0xaa: {  	s0 =	rddreg [dreg:$0x0];
	s2 =	stileid.u32  }
0xab: {  	s1 =	rddreg [dreg:$0x1];
	p0 =	sne.s32 s2, $0x0  }
0xac: {  	s3 =	rddreg [dreg:$0x2];
	[bflag:$0x3] =	sbarrier.arrive $0xFFFF;
	s2 =	simm.s32 @!p0 $0x1C05  }
0xad: {  	[timem:s3], [sflag:s2] =	dma.local @!p0 [hbm:s0], s1  }
0xae: {  	s0 =	simm.s32 @!p0 $0x5  }
0xaf: {  	_ =	swait.ge @!p0 [sflag:s0], s1  }
0xb0: {  	s1 =	ssub.s32 @!p0 $0x0, s1;
	[sflag:s0] =	ssyncset.done @!p0 $0x0  }
0xb1: {  	[sflag:s0] =	ssyncadd.s32 @!p0 s1  }
0xb2: {  	[bflag:$0x3] =	sbarrier.arrive $0xFFFF  }
0xb3: {  	_ =	shalt  }

</sc_bundles>
